<compile_context>
chip_gen: v7x
topology: tpu7x:2x2x1
jax: 0.10.2.dev20260603
libtpu: 0.0.44.dev20260713+nightly
codegen_flags: <defaults>
</compile_context>

<pallas_src>
import functools

import jax
import jax.numpy as jnp
from jax import lax
from jax.experimental import pallas as pl
from jax.experimental.pallas import tpu as pltpu
from jax.experimental.pallas import tpu_sc as plsc

_N = 10000
_E = 160000
_IN = 256
_H = 512
_NC = 64
_CENTERS = 7

_LANE = 128
_CHUNK = 128
_NCORE = 2
_NSUB = 16
_CPT = 80
_EPAD = _NSUB * _CPT * _CHUNK
_NP = 10240
_ACC_ROWS = _NP
_ZROWS = _ACC_ROWS // _NSUB
_OROWS = _ZROWS

_NBUF = 2
_HALF = _CPT // 2

_BN = 400
_NBLK = _N // _BN


def _make_segment_sum(nb):
    nper = nb // _NCORE
    mesh = plsc.VectorSubcoreMesh(core_axis_name="c", subcore_axis_name="s")

    def body(xr, srcm, dstm, zeros, out, acc, src_v, dst_v, rows_v, g0, g1,
             s0, s1):
        gsem = (g0, g1)
        ssem = (s0, s1)
        c = lax.axis_index("c")
        s = lax.axis_index("s")
        for p in range(nper):
            b = c * nper + p
            pltpu.sync_copy(zeros, acc.at[pl.ds(s * _ZROWS, _ZROWS)])
            plsc.subcore_barrier()

            for h in range(2):
                pltpu.sync_copy(
                    srcm.at[pl.ds(s * _CPT + h * _HALF, _HALF)], src_v)
                pltpu.sync_copy(
                    dstm.at[pl.ds(s * _CPT + h * _HALF, _HALF)], dst_v)

                def group(i, carry):
                    jb = i * _NBUF
                    for k in range(_NBUF):
                        @pl.when(i > 0)
                        def _drain(k=k, jb=jb):
                            pltpu.make_async_copy(
                                rows_v.at[k],
                                acc.at[dst_v.at[jb - _NBUF + k]],
                                ssem[k]).wait()
                        pltpu.async_copy(xr.at[b].at[src_v.at[jb + k]],
                                         rows_v.at[k], gsem[k])
                    for k in range(_NBUF):
                        pltpu.make_async_copy(xr.at[b].at[src_v.at[jb + k]],
                                              rows_v.at[k], gsem[k]).wait()
                        pltpu.async_copy(rows_v.at[k],
                                         acc.at[dst_v.at[jb + k]],
                                         ssem[k], add=True)
                    return carry

                lax.fori_loop(0, _HALF // _NBUF, group, 0)
                for k in range(_NBUF):
                    pltpu.make_async_copy(
                        rows_v.at[k], acc.at[dst_v.at[_HALF - _NBUF + k]],
                        ssem[k]).wait()
            plsc.subcore_barrier()
            pltpu.sync_copy(acc.at[pl.ds(s * _OROWS, _OROWS)],
                            out.at[b].at[pl.ds(s * _OROWS, _OROWS)])
            plsc.subcore_barrier()

    return pl.kernel(
        body,
        out_type=jax.ShapeDtypeStruct((nb, _NP, _LANE), jnp.float32),
        mesh=mesh,
        scratch_types=[
            pltpu.VMEM_SHARED((_ACC_ROWS, _LANE), jnp.float32),
            pltpu.VMEM((_HALF, _CHUNK), jnp.int32),
            pltpu.VMEM((_HALF, _CHUNK), jnp.int32),
            pltpu.VMEM((_NBUF, _CHUNK, _LANE), jnp.float32),
        ] + [pltpu.SemaphoreType.DMA] * (2 * _NBUF),
    )


@functools.cache
def _get_seg(nb):
    return _make_segment_sum(nb)


def _mm0_body(a_ref, w_ref, b_ref, o_ref):
    w = w_ref[...]
    acc = jnp.dot(a_ref[0], w[:_LANE, :], preferred_element_type=jnp.float32)
    acc = acc + jnp.dot(a_ref[1], w[_LANE:, :], preferred_element_type=jnp.float32)
    h = jnp.maximum(acc + b_ref[...], 0.0)
    for k in range(4):
        o_ref[k] = h[:, k * _LANE:(k + 1) * _LANE]


_mm0 = pl.pallas_call(
    _mm0_body,
    grid=(_NBLK,),
    in_specs=[
        pl.BlockSpec((2, _BN, _LANE), lambda i: (0, i, 0)),
        pl.BlockSpec((_IN, _H), lambda i: (0, 0)),
        pl.BlockSpec((1, _H), lambda i: (0, 0)),
    ],
    out_specs=pl.BlockSpec((4, _BN, _LANE), lambda i: (0, i, 0)),
    out_shape=jax.ShapeDtypeStruct((4, _NP, _LANE), jnp.float32),
)


def _dotT(x, w):
    return lax.dot_general(x, w, (((1,), (1,)), ((), ())),
                           preferred_element_type=jnp.float32)


def _final_body(a_ref, h1_ref, w1_ref, b1_ref, wp_ref, wpp_ref, o_ref):
    h2 = jnp.dot(a_ref[0], w1_ref[0], preferred_element_type=jnp.float32)
    for k in range(1, 4):
        h2 = h2 + jnp.dot(a_ref[k], w1_ref[k], preferred_element_type=jnp.float32)
    h2 = jnp.maximum(h2 + b1_ref[...], 0.0)

    wp = wp_ref[...]
    lg = _dotT(h2, wp[:, :_H])
    for k in range(4):
        lg = lg + _dotT(h1_ref[k], wp[:, _H + k * _LANE:_H + (k + 1) * _LANE])
    colid = lax.broadcasted_iota(jnp.int32, lg.shape, 1)
    lg = jnp.where(colid < _CENTERS, lg, -jnp.inf)
    m = jnp.max(lg, axis=1, keepdims=True)
    idx = jnp.min(jnp.where(lg == m, colid, _CENTERS), axis=1, keepdims=True)

    acc = jnp.zeros((_BN, _NC), jnp.float32)
    for c in range(_CENTERS):
        wc = wpp_ref[c]
        oc = _dotT(h2, wc[:, :_H])
        for k in range(4):
            oc = oc + _dotT(h1_ref[k], wc[:, _H + k * _LANE:_H + (k + 1) * _LANE])
        acc = acc + jnp.where(idx == c, oc, 0.0)
    o_ref[...] = acc


_final = pl.pallas_call(
    _final_body,
    grid=(_NBLK,),
    in_specs=[
        pl.BlockSpec((4, _BN, _LANE), lambda i: (0, i, 0)),
        pl.BlockSpec((4, _BN, _LANE), lambda i: (0, i, 0)),
        pl.BlockSpec((4, _LANE, _H), lambda i: (0, 0, 0)),
        pl.BlockSpec((1, _H), lambda i: (0, 0)),
        pl.BlockSpec((8, 2 * _H), lambda i: (0, 0)),
        pl.BlockSpec((_CENTERS, _NC, 2 * _H), lambda i: (0, 0, 0)),
    ],
    out_specs=pl.BlockSpec((_BN, _NC), lambda i: (i, 0)),
    out_shape=jax.ShapeDtypeStruct((_N, _NC), jnp.float32),
)


def kernel(feature, edge_index, W0, b0, W1, b1, W_prompt, W_pp):
    src = edge_index[0]
    dst = edge_index[1]
    pad = _EPAD - _E
    srcm = jnp.concatenate([src, jnp.zeros((pad,), jnp.int32)]).reshape(-1, _CHUNK)
    dstm = jnp.concatenate([dst, jnp.full((pad,), _N, jnp.int32)]).reshape(-1, _CHUNK)
    zeros = jnp.zeros((_ZROWS, _LANE), jnp.float32)

    featT = feature.reshape(_N, 2, _LANE).transpose(1, 0, 2)
    featT = jnp.pad(featT, ((0, 0), (0, _NP - _N), (0, 0)))
    agg0 = _get_seg(2)(featT, srcm, dstm, zeros)
    h1 = _mm0(agg0, W0, b0.reshape(1, _H))
    agg1 = _get_seg(4)(h1, srcm, dstm, zeros)
    wp_pad = jnp.concatenate(
        [W_prompt, jnp.zeros((1, 2 * _H), jnp.float32)], axis=0)
    out = _final(agg1, h1, W1.reshape(4, _LANE, _H), b1.reshape(1, _H),
                 wp_pad, W_pp)
    return out

# --- scband reference (transcript-rebuilt; emitter-appended) ---
"""Pipeline reference for scband-gppt-75496935129278 (READ-ONLY COPY).

The authoritative reference and input builder live on the scoring server;
editing this copy changes nothing except your own understanding.
"""

import jax, jax.numpy as jnp
import numpy as np

N = 10000
E = 160000
IN_FEATS = 256
H = 512
N_CLASSES = 64
CENTERS = 7


def setup_inputs(seed: int = 0) -> dict:
    key = jax.random.key(seed)
    ks = jax.random.split(key, 8)
    feature = jax.random.normal(ks[0], (N, IN_FEATS), dtype=jnp.float32)
    edge_index = jax.random.randint(ks[1], (2, E), 0, N, dtype=jnp.int32)
    W0 = jax.random.normal(ks[2], (IN_FEATS, H), dtype=jnp.float32) * (1.0 / np.sqrt(IN_FEATS))
    b0 = jnp.zeros((H,), dtype=jnp.float32)
    W1 = jax.random.normal(ks[3], (H, H), dtype=jnp.float32) * (1.0 / np.sqrt(H))
    b1 = jnp.zeros((H,), dtype=jnp.float32)
    W_prompt = jax.random.normal(ks[4], (CENTERS, 2 * H), dtype=jnp.float32) * (1.0 / np.sqrt(2 * H))
    W_pp = jax.random.normal(ks[5], (CENTERS, N_CLASSES, 2 * H), dtype=jnp.float32) * (1.0 / np.sqrt(2 * H))
    return {"feature": feature, "edge_index": edge_index, "W0": W0, "b0": b0,
            "W1": W1, "b1": b1, "W_prompt": W_prompt, "W_pp": W_pp}


def reference(feature, edge_index, W0, b0, W1, b1, W_prompt, W_pp):
    # Dropout is identity in eval mode. GCN layer: spmm aggregate then linear.
    src = edge_index[0]
    dst = edge_index[1]
    h = feature
    # layer 0: A @ h then linear
    agg = jax.ops.segment_sum(h[src], dst, num_segments=N)
    h = agg @ W0 + b0
    h = jax.nn.relu(h)
    h_dst = h  # h[:h.shape[0]] captured at start of last layer iteration
    # layer 1 (last): no activation inside loop
    agg = jax.ops.segment_sum(h[src], dst, num_segments=N)
    h = agg @ W1 + b1
    # post-loop
    h = jax.nn.relu(h)
    neighbor = jax.nn.relu(h_dst)
    hcat = jnp.concatenate([h, neighbor], axis=1)  # [N, 2H]
    logits = hcat @ W_prompt.T  # [N, CENTERS]
    index = jnp.argmax(logits, axis=1)  # router assignment
    # out[index==i] = pp[i](h[index==i]) == per-node expert linear
    Wsel = W_pp[index]  # [N, N_CLASSES, 2H]
    out = jnp.einsum('nd,ncd->nc', hcat, Wsel)
    return out

if __name__ == "__main__":
    import jax
    _d = setup_inputs()
    print(jax.jit(kernel)(*tuple(_d.values())))

</pallas_src>

<mosaic_0001>
#map = affine_map<(d0, d1) -> (0, 0, 0)>
#map1 = affine_map<(d0, d1) -> (0, 0)>
module attributes {stable_mosaic.version = 14 : i64} {
  func.func @body(%arg0: i32, %arg1: i32, %arg2: memref<4x10240x128xf32, #tpu.memory_space<hbm>>, %arg3: memref<1280x128xi32, #tpu.memory_space<hbm>>, %arg4: memref<1280x128xi32, #tpu.memory_space<hbm>>, %arg5: memref<640x128xf32, #tpu.memory_space<hbm>>, %arg6: memref<4x10240x128xf32, #tpu.memory_space<hbm>>, %arg7: memref<10240x128xf32, #tpu.memory_space<vmem_shared>>, %arg8: memref<40x128xi32, #tpu.memory_space<vmem>>, %arg9: memref<40x128xi32, #tpu.memory_space<vmem>>, %arg10: memref<2x128x128xf32, #tpu.memory_space<vmem>>, %arg11: memref<!tpu.dma_semaphore, #tpu.memory_space<semaphore_mem>>, %arg12: memref<!tpu.dma_semaphore, #tpu.memory_space<semaphore_mem>>, %arg13: memref<!tpu.dma_semaphore, #tpu.memory_space<semaphore_mem>>, %arg14: memref<!tpu.dma_semaphore, #tpu.memory_space<semaphore_mem>>) attributes {dimension_semantics = [#tpu.dimension_semantics<core_parallel>, #tpu.dimension_semantics<subcore_parallel>], iteration_bounds = array<i64: 2, 16>, scalar_prefetch = 0 : i64, scratch_operands = 8 : i64, tpu.core_type = #tpu.core_type<sc_vector_subcore>, window_params = [{transform_indices = #map}, {transform_indices = #map1}, {transform_indices = #map1}, {transform_indices = #map1}, {transform_indices = #map}]} {
    %mul3A = arith.constant 2 : i32
    %mul3A_0 = arith.muli %arg0, %mul3A : i32
    %add3A = arith.constant 0 : i32
    %add3A_1 = arith.addi %mul3A_0, %add3A : i32
    %mul3A_2 = arith.constant 640 : i32
    %mul3A_3 = arith.muli %arg1, %mul3A_2 : i32
    "tpu.region"() ({
      %run_scoped3A = tpu.sem_alloc : memref<!tpu.dma_semaphore, #tpu.memory_space<semaphore_mem>>
      %dma_start3A = arith.constant 0 : i32
      %dma_start3A_173 = tpu.memref_slice %arg7[%mul3A_3, %dma_start3A] : memref<10240x128xf32, #tpu.memory_space<vmem_shared>> -> memref<640x128xf32, #tpu.memory_space<vmem_shared>>
      tpu.enqueue_dma source(%arg5 : memref<640x128xf32, #tpu.memory_space<hbm>>) target(%dma_start3A_173 : memref<640x128xf32, #tpu.memory_space<vmem_shared>>) target_semaphore(%run_scoped3A : memref<!tpu.dma_semaphore, #tpu.memory_space<semaphore_mem>>)
      %dma_wait3A_174 = arith.constant 0 : i32
      %dma_wait3A_175 = tpu.memref_slice %arg7[%mul3A_3, %dma_wait3A_174] : memref<10240x128xf32, #tpu.memory_space<vmem_shared>> -> memref<640x128xf32, #tpu.memory_space<vmem_shared>>
      tpu.wait_dma2 semaphore(%run_scoped3A : memref<!tpu.dma_semaphore, #tpu.memory_space<semaphore_mem>>) src(%arg5 : memref<640x128xf32, #tpu.memory_space<hbm>>) dst(%dma_wait3A_175 : memref<640x128xf32, #tpu.memory_space<vmem_shared>>)
      tpu.yield
    }) : () -> ()
    %barrier3A = arith.constant 0 : index
    tpu.barrier barrier_id(%barrier3A)
    %mul3A_4 = arith.constant 80 : i32
    %mul3A_5 = arith.muli %arg1, %mul3A_4 : i32
    %add3A_6 = arith.constant 0 : i32
    %add3A_7 = arith.addi %mul3A_5, %add3A_6 : i32
    "tpu.region"() ({
      %run_scoped3A = tpu.sem_alloc : memref<!tpu.dma_semaphore, #tpu.memory_space<semaphore_mem>>
      %dma_start3A = arith.constant 0 : i32
      %dma_start3A_173 = tpu.memref_slice %arg3[%add3A_7, %dma_start3A] : memref<1280x128xi32, #tpu.memory_space<hbm>> -> memref<40x128xi32, #tpu.memory_space<hbm>>
      %dma_start3A_174 = arith.constant 0 : i32
      %dma_start3A_175 = tpu.memref_slice %arg3[%add3A_7, %dma_start3A_174] : memref<1280x128xi32, #tpu.memory_space<hbm>> -> memref<40x128xi32, #tpu.memory_space<hbm>>
      tpu.enqueue_dma source(%dma_start3A_175 : memref<40x128xi32, #tpu.memory_space<hbm>>) target(%arg8 : memref<40x128xi32, #tpu.memory_space<vmem>>) target_semaphore(%run_scoped3A : memref<!tpu.dma_semaphore, #tpu.memory_space<semaphore_mem>>)
      %dma_wait3A_176 = arith.constant 0 : i32
      %dma_wait3A_177 = tpu.memref_slice %arg3[%add3A_7, %dma_wait3A_176] : memref<1280x128xi32, #tpu.memory_space<hbm>> -> memref<40x128xi32, #tpu.memory_space<hbm>>
      %dma_wait3A_178 = arith.constant 0 : i32
      %dma_wait3A_179 = tpu.memref_slice %arg3[%add3A_7, %dma_wait3A_178] : memref<1280x128xi32, #tpu.memory_space<hbm>> -> memref<40x128xi32, #tpu.memory_space<hbm>>
      tpu.wait_dma2 semaphore(%run_scoped3A : memref<!tpu.dma_semaphore, #tpu.memory_space<semaphore_mem>>) src(%dma_wait3A_179 : memref<40x128xi32, #tpu.memory_space<hbm>>) dst(%arg8 : memref<40x128xi32, #tpu.memory_space<vmem>>)
      tpu.yield
    }) : () -> ()
    %mul3A_8 = arith.constant 80 : i32
    %mul3A_9 = arith.muli %arg1, %mul3A_8 : i32
    %add3A_10 = arith.constant 0 : i32
    %add3A_11 = arith.addi %mul3A_9, %add3A_10 : i32
    "tpu.region"() ({
      %run_scoped3A = tpu.sem_alloc : memref<!tpu.dma_semaphore, #tpu.memory_space<semaphore_mem>>
      %dma_start3A = arith.constant 0 : i32
      %dma_start3A_173 = tpu.memref_slice %arg4[%add3A_11, %dma_start3A] : memref<1280x128xi32, #tpu.memory_space<hbm>> -> memref<40x128xi32, #tpu.memory_space<hbm>>
      %dma_start3A_174 = arith.constant 0 : i32
      %dma_start3A_175 = tpu.memref_slice %arg4[%add3A_11, %dma_start3A_174] : memref<1280x128xi32, #tpu.memory_space<hbm>> -> memref<40x128xi32, #tpu.memory_space<hbm>>
      tpu.enqueue_dma source(%dma_start3A_175 : memref<40x128xi32, #tpu.memory_space<hbm>>) target(%arg9 : memref<40x128xi32, #tpu.memory_space<vmem>>) target_semaphore(%run_scoped3A : memref<!tpu.dma_semaphore, #tpu.memory_space<semaphore_mem>>)
      %dma_wait3A_176 = arith.constant 0 : i32
      %dma_wait3A_177 = tpu.memref_slice %arg4[%add3A_11, %dma_wait3A_176] : memref<1280x128xi32, #tpu.memory_space<hbm>> -> memref<40x128xi32, #tpu.memory_space<hbm>>
      %dma_wait3A_178 = arith.constant 0 : i32
      %dma_wait3A_179 = tpu.memref_slice %arg4[%add3A_11, %dma_wait3A_178] : memref<1280x128xi32, #tpu.memory_space<hbm>> -> memref<40x128xi32, #tpu.memory_space<hbm>>
      tpu.wait_dma2 semaphore(%run_scoped3A : memref<!tpu.dma_semaphore, #tpu.memory_space<semaphore_mem>>) src(%dma_wait3A_179 : memref<40x128xi32, #tpu.memory_space<hbm>>) dst(%arg9 : memref<40x128xi32, #tpu.memory_space<vmem>>)
      tpu.yield
    }) : () -> ()
    %scan3A = arith.constant 0 : i32
    %scan3A_12 = arith.constant 0 : i32
    %scan3A_13 = arith.constant 20 : i32
    %scan3A_14 = arith.addi %scan3A_12, %scan3A_13 : i32
    %scan3A_15 = arith.constant 1 : i32
    scf.for %scan3A_173 = %scan3A_12 to %scan3A_14 step %scan3A_15  : i32 {
      %mul3A_174 = arith.constant 2 : i32
      %mul3A_175 = arith.muli %scan3A_173, %mul3A_174 : i32
      %gt3A = arith.constant 0 : i32
      %gt3A_176 = arith.cmpi sgt, %scan3A_173, %gt3A : i32
      %convert_element_type3A = arith.extui %gt3A_176 : i1 to i32
      %cond3A = arith.constant 0 : i32
      %cond3A_177 = arith.cmpi ne, %convert_element_type3A, %cond3A : i32
      scf.if %cond3A_177 {
        %sub3A = arith.constant 2 : i32
        %sub3A_276 = arith.subi %mul3A_175, %sub3A : i32
        %add3A_277 = arith.constant 0 : i32
        %add3A_278 = arith.addi %sub3A_276, %add3A_277 : i32
        %dma_wait3A_279 = arith.constant 0 : i32
        %dma_wait3A_280 = arith.constant 0 : i32
        %dma_wait3A_281 = arith.constant 0 : i32
        %dma_wait3A_282 = tpu.memref_slice %arg10[%dma_wait3A_279, %dma_wait3A_280, %dma_wait3A_281] : memref<2x128x128xf32, #tpu.memory_space<vmem>> -> memref<1x128x128xf32, #tpu.memory_space<vmem>>
        %dma_wait3A_283 = tpu.memref_squeeze %dma_wait3A_282 : memref<1x128x128xf32, #tpu.memory_space<vmem>> -> memref<128x128xf32, #tpu.memory_space<vmem>>
        %dma_wait3A_284 = arith.constant 0 : i32
        %dma_wait3A_285 = tpu.memref_slice %arg9[%add3A_278, %dma_wait3A_284] : memref<40x128xi32, #tpu.memory_space<vmem>> -> memref<1x128xi32, #tpu.memory_space<vmem>>
        %dma_wait3A_286 = tpu.memref_squeeze %dma_wait3A_285 : memref<1x128xi32, #tpu.memory_space<vmem>> -> memref<128xi32, #tpu.memory_space<vmem>>
        %dma_wait3A_287 = arith.constant 0 : i32
        %dma_wait3A_288 = arith.constant 0 : i32
        %dma_wait3A_289 = tpu.memref_slice %arg7[%dma_wait3A_287, %dma_wait3A_288] : memref<10240x128xf32, #tpu.memory_space<vmem_shared>> -> memref<10240x128xf32, #tpu.memory_space<vmem_shared>>
        tpu.wait_indirect_dma semaphore(%arg13 : memref<!tpu.dma_semaphore, #tpu.memory_space<semaphore_mem>>) src(%dma_wait3A_283 : memref<128x128xf32, #tpu.memory_space<vmem>>) dst(%dma_wait3A_289 : memref<10240x128xf32, #tpu.memory_space<vmem_shared>>)
      } else {
      }
      %add3A_178 = arith.constant 0 : i32
      %add3A_179 = arith.addi %mul3A_175, %add3A_178 : i32
      %dma_start3A = arith.constant 0 : i32
      %dma_start3A_180 = arith.constant 0 : i32
      %dma_start3A_181 = arith.constant 0 : i32
      %dma_start3A_182 = tpu.memref_slice %arg10[%dma_start3A, %dma_start3A_180, %dma_start3A_181] : memref<2x128x128xf32, #tpu.memory_space<vmem>> -> memref<1x128x128xf32, #tpu.memory_space<vmem>>
      %dma_start3A_183 = tpu.memref_squeeze %dma_start3A_182 : memref<1x128x128xf32, #tpu.memory_space<vmem>> -> memref<128x128xf32, #tpu.memory_space<vmem>>
      %dma_start3A_184 = arith.constant 0 : i32
      %dma_start3A_185 = tpu.memref_slice %arg8[%add3A_179, %dma_start3A_184] : memref<40x128xi32, #tpu.memory_space<vmem>> -> memref<1x128xi32, #tpu.memory_space<vmem>>
      %dma_start3A_186 = tpu.memref_squeeze %dma_start3A_185 : memref<1x128xi32, #tpu.memory_space<vmem>> -> memref<128xi32, #tpu.memory_space<vmem>>
      %dma_start3A_187 = arith.constant 0 : i32
      %dma_start3A_188 = arith.constant 0 : i32
      %dma_start3A_189 = tpu.memref_slice %arg2[%add3A_1, %dma_start3A_187, %dma_start3A_188] : memref<4x10240x128xf32, #tpu.memory_space<hbm>> -> memref<1x10240x128xf32, #tpu.memory_space<hbm>>
      %dma_start3A_190 = tpu.memref_squeeze %dma_start3A_189 : memref<1x10240x128xf32, #tpu.memory_space<hbm>> -> memref<10240x128xf32, #tpu.memory_space<hbm>>
      %dma_start3A_191 = arith.constant 0 : i32
      %dma_start3A_192 = arith.constant 0 : i32
      %dma_start3A_193 = tpu.memref_slice %dma_start3A_190[%dma_start3A_191, %dma_start3A_192] : memref<10240x128xf32, #tpu.memory_space<hbm>> -> memref<10240x128xf32, #tpu.memory_space<hbm>>
      tpu.enqueue_indirect_dma source(%dma_start3A_193 : memref<10240x128xf32, #tpu.memory_space<hbm>>) target(%dma_start3A_183 : memref<128x128xf32, #tpu.memory_space<vmem>>) offsets(%dma_start3A_186 : memref<128xi32, #tpu.memory_space<vmem>>) semaphore(%arg11 : memref<!tpu.dma_semaphore, #tpu.memory_space<semaphore_mem>>)
      %gt3A_194 = arith.constant 0 : i32
      %gt3A_195 = arith.cmpi sgt, %scan3A_173, %gt3A_194 : i32
      %convert_element_type3A_196 = arith.extui %gt3A_195 : i1 to i32
      %cond3A_197 = arith.constant 0 : i32
      %cond3A_198 = arith.cmpi ne, %convert_element_type3A_196, %cond3A_197 : i32
      scf.if %cond3A_198 {
        %sub3A = arith.constant 2 : i32
        %sub3A_276 = arith.subi %mul3A_175, %sub3A : i32
        %add3A_277 = arith.constant 1 : i32
        %add3A_278 = arith.addi %sub3A_276, %add3A_277 : i32
        %dma_wait3A_279 = arith.constant 1 : i32
        %dma_wait3A_280 = arith.constant 0 : i32
        %dma_wait3A_281 = arith.constant 0 : i32
        %dma_wait3A_282 = tpu.memref_slice %arg10[%dma_wait3A_279, %dma_wait3A_280, %dma_wait3A_281] : memref<2x128x128xf32, #tpu.memory_space<vmem>> -> memref<1x128x128xf32, #tpu.memory_space<vmem>>
        %dma_wait3A_283 = tpu.memref_squeeze %dma_wait3A_282 : memref<1x128x128xf32, #tpu.memory_space<vmem>> -> memref<128x128xf32, #tpu.memory_space<vmem>>
        %dma_wait3A_284 = arith.constant 0 : i32
        %dma_wait3A_285 = tpu.memref_slice %arg9[%add3A_278, %dma_wait3A_284] : memref<40x128xi32, #tpu.memory_space<vmem>> -> memref<1x128xi32, #tpu.memory_space<vmem>>
        %dma_wait3A_286 = tpu.memref_squeeze %dma_wait3A_285 : memref<1x128xi32, #tpu.memory_space<vmem>> -> memref<128xi32, #tpu.memory_space<vmem>>
        %dma_wait3A_287 = arith.constant 0 : i32
        %dma_wait3A_288 = arith.constant 0 : i32
        %dma_wait3A_289 = tpu.memref_slice %arg7[%dma_wait3A_287, %dma_wait3A_288] : memref<10240x128xf32, #tpu.memory_space<vmem_shared>> -> memref<10240x128xf32, #tpu.memory_space<vmem_shared>>
        tpu.wait_indirect_dma semaphore(%arg14 : memref<!tpu.dma_semaphore, #tpu.memory_space<semaphore_mem>>) src(%dma_wait3A_283 : memref<128x128xf32, #tpu.memory_space<vmem>>) dst(%dma_wait3A_289 : memref<10240x128xf32, #tpu.memory_space<vmem_shared>>)
      } else {
      }
      %add3A_199 = arith.constant 1 : i32
      %add3A_200 = arith.addi %mul3A_175, %add3A_199 : i32
      %dma_start3A_201 = arith.constant 1 : i32
      %dma_start3A_202 = arith.constant 0 : i32
      %dma_start3A_203 = arith.constant 0 : i32
      %dma_start3A_204 = tpu.memref_slice %arg10[%dma_start3A_201, %dma_start3A_202, %dma_start3A_203] : memref<2x128x128xf32, #tpu.memory_space<vmem>> -> memref<1x128x128xf32, #tpu.memory_space<vmem>>
      %dma_start3A_205 = tpu.memref_squeeze %dma_start3A_204 : memref<1x128x128xf32, #tpu.memory_space<vmem>> -> memref<128x128xf32, #tpu.memory_space<vmem>>
      %dma_start3A_206 = arith.constant 0 : i32
      %dma_start3A_207 = tpu.memref_slice %arg8[%add3A_200, %dma_start3A_206] : memref<40x128xi32, #tpu.memory_space<vmem>> -> memref<1x128xi32, #tpu.memory_space<vmem>>
      %dma_start3A_208 = tpu.memref_squeeze %dma_start3A_207 : memref<1x128xi32, #tpu.memory_space<vmem>> -> memref<128xi32, #tpu.memory_space<vmem>>
      %dma_start3A_209 = arith.constant 0 : i32
      %dma_start3A_210 = arith.constant 0 : i32
      %dma_start3A_211 = tpu.memref_slice %arg2[%add3A_1, %dma_start3A_209, %dma_start3A_210] : memref<4x10240x128xf32, #tpu.memory_space<hbm>> -> memref<1x10240x128xf32, #tpu.memory_space<hbm>>
      %dma_start3A_212 = tpu.memref_squeeze %dma_start3A_211 : memref<1x10240x128xf32, #tpu.memory_space<hbm>> -> memref<10240x128xf32, #tpu.memory_space<hbm>>
      %dma_start3A_213 = arith.constant 0 : i32
      %dma_start3A_214 = arith.constant 0 : i32
      %dma_start3A_215 = tpu.memref_slice %dma_start3A_212[%dma_start3A_213, %dma_start3A_214] : memref<10240x128xf32, #tpu.memory_space<hbm>> -> memref<10240x128xf32, #tpu.memory_space<hbm>>
      tpu.enqueue_indirect_dma source(%dma_start3A_215 : memref<10240x128xf32, #tpu.memory_space<hbm>>) target(%dma_start3A_205 : memref<128x128xf32, #tpu.memory_space<vmem>>) offsets(%dma_start3A_208 : memref<128xi32, #tpu.memory_space<vmem>>) semaphore(%arg12 : memref<!tpu.dma_semaphore, #tpu.memory_space<semaphore_mem>>)
      %add3A_216 = arith.constant 0 : i32
      %add3A_217 = arith.addi %mul3A_175, %add3A_216 : i32
      %dma_wait3A_218 = arith.constant 0 : i32
      %dma_wait3A_219 = arith.constant 0 : i32
      %dma_wait3A_220 = arith.constant 0 : i32
      %dma_wait3A_221 = tpu.memref_slice %arg10[%dma_wait3A_218, %dma_wait3A_219, %dma_wait3A_220] : memref<2x128x128xf32, #tpu.memory_space<vmem>> -> memref<1x128x128xf32, #tpu.memory_space<vmem>>
      %dma_wait3A_222 = tpu.memref_squeeze %dma_wait3A_221 : memref<1x128x128xf32, #tpu.memory_space<vmem>> -> memref<128x128xf32, #tpu.memory_space<vmem>>
      %dma_wait3A_223 = arith.constant 0 : i32
      %dma_wait3A_224 = tpu.memref_slice %arg8[%add3A_217, %dma_wait3A_223] : memref<40x128xi32, #tpu.memory_space<vmem>> -> memref<1x128xi32, #tpu.memory_space<vmem>>
      %dma_wait3A_225 = tpu.memref_squeeze %dma_wait3A_224 : memref<1x128xi32, #tpu.memory_space<vmem>> -> memref<128xi32, #tpu.memory_space<vmem>>
      %dma_wait3A_226 = arith.constant 0 : i32
      %dma_wait3A_227 = arith.constant 0 : i32
      %dma_wait3A_228 = tpu.memref_slice %arg2[%add3A_1, %dma_wait3A_226, %dma_wait3A_227] : memref<4x10240x128xf32, #tpu.memory_space<hbm>> -> memref<1x10240x128xf32, #tpu.memory_space<hbm>>
      %dma_wait3A_229 = tpu.memref_squeeze %dma_wait3A_228 : memref<1x10240x128xf32, #tpu.memory_space<hbm>> -> memref<10240x128xf32, #tpu.memory_space<hbm>>
      %dma_wait3A_230 = arith.constant 0 : i32
      %dma_wait3A_231 = arith.constant 0 : i32
      %dma_wait3A_232 = tpu.memref_slice %dma_wait3A_229[%dma_wait3A_230, %dma_wait3A_231] : memref<10240x128xf32, #tpu.memory_space<hbm>> -> memref<10240x128xf32, #tpu.memory_space<hbm>>
      tpu.wait_indirect_dma semaphore(%arg11 : memref<!tpu.dma_semaphore, #tpu.memory_space<semaphore_mem>>) src(%dma_wait3A_232 : memref<10240x128xf32, #tpu.memory_space<hbm>>) dst(%dma_wait3A_222 : memref<128x128xf32, #tpu.memory_space<vmem>>)
      %add3A_233 = arith.constant 0 : i32
      %add3A_234 = arith.addi %mul3A_175, %add3A_233 : i32
      %dma_start3A_235 = arith.constant 0 : i32
      %dma_start3A_236 = arith.constant 0 : i32
      %dma_start3A_237 = arith.constant 0 : i32
      %dma_start3A_238 = tpu.memref_slice %arg10[%dma_start3A_235, %dma_start3A_236, %dma_start3A_237] : memref<2x128x128xf32, #tpu.memory_space<vmem>> -> memref<1x128x128xf32, #tpu.memory_space<vmem>>
      %dma_start3A_239 = tpu.memref_squeeze %dma_start3A_238 : memref<1x128x128xf32, #tpu.memory_space<vmem>> -> memref<128x128xf32, #tpu.memory_space<vmem>>
      %dma_start3A_240 = arith.constant 0 : i32
      %dma_start3A_241 = tpu.memref_slice %arg9[%add3A_234, %dma_start3A_240] : memref<40x128xi32, #tpu.memory_space<vmem>> -> memref<1x128xi32, #tpu.memory_space<vmem>>
      %dma_start3A_242 = tpu.memref_squeeze %dma_start3A_241 : memref<1x128xi32, #tpu.memory_space<vmem>> -> memref<128xi32, #tpu.memory_space<vmem>>
      %dma_start3A_243 = arith.constant 0 : i32
      %dma_start3A_244 = arith.constant 0 : i32
      %dma_start3A_245 = tpu.memref_slice %arg7[%dma_start3A_243, %dma_start3A_244] : memref<10240x128xf32, #tpu.memory_space<vmem_shared>> -> memref<10240x128xf32, #tpu.memory_space<vmem_shared>>
      tpu.enqueue_indirect_dma source(%dma_start3A_239 : memref<128x128xf32, #tpu.memory_space<vmem>>) target(%dma_start3A_245 : memref<10240x128xf32, #tpu.memory_space<vmem_shared>>) offsets(%dma_start3A_242 : memref<128xi32, #tpu.memory_space<vmem>>) semaphore(%arg13 : memref<!tpu.dma_semaphore, #tpu.memory_space<semaphore_mem>>) {add = true}
      %add3A_246 = arith.constant 1 : i32
      %add3A_247 = arith.addi %mul3A_175, %add3A_246 : i32
      %dma_wait3A_248 = arith.constant 1 : i32
      %dma_wait3A_249 = arith.constant 0 : i32
      %dma_wait3A_250 = arith.constant 0 : i32
      %dma_wait3A_251 = tpu.memref_slice %arg10[%dma_wait3A_248, %dma_wait3A_249, %dma_wait3A_250] : memref<2x128x128xf32, #tpu.memory_space<vmem>> -> memref<1x128x128xf32, #tpu.memory_space<vmem>>
      %dma_wait3A_252 = tpu.memref_squeeze %dma_wait3A_251 : memref<1x128x128xf32, #tpu.memory_space<vmem>> -> memref<128x128xf32, #tpu.memory_space<vmem>>
      %dma_wait3A_253 = arith.constant 0 : i32
      %dma_wait3A_254 = tpu.memref_slice %arg8[%add3A_247, %dma_wait3A_253] : memref<40x128xi32, #tpu.memory_space<vmem>> -> memref<1x128xi32, #tpu.memory_space<vmem>>
      %dma_wait3A_255 = tpu.memref_squeeze %dma_wait3A_254 : memref<1x128xi32, #tpu.memory_space<vmem>> -> memref<128xi32, #tpu.memory_space<vmem>>
      %dma_wait3A_256 = arith.constant 0 : i32
      %dma_wait3A_257 = arith.constant 0 : i32
      %dma_wait3A_258 = tpu.memref_slice %arg2[%add3A_1, %dma_wait3A_256, %dma_wait3A_257] : memref<4x10240x128xf32, #tpu.memory_space<hbm>> -> memref<1x10240x128xf32, #tpu.memory_space<hbm>>
      %dma_wait3A_259 = tpu.memref_squeeze %dma_wait3A_258 : memref<1x10240x128xf32, #tpu.memory_space<hbm>> -> memref<10240x128xf32, #tpu.memory_space<hbm>>
      %dma_wait3A_260 = arith.constant 0 : i32
      %dma_wait3A_261 = arith.constant 0 : i32
      %dma_wait3A_262 = tpu.memref_slice %dma_wait3A_259[%dma_wait3A_260, %dma_wait3A_261] : memref<10240x128xf32, #tpu.memory_space<hbm>> -> memref<10240x128xf32, #tpu.memory_space<hbm>>
      tpu.wait_indirect_dma semaphore(%arg12 : memref<!tpu.dma_semaphore, #tpu.memory_space<semaphore_mem>>) src(%dma_wait3A_262 : memref<10240x128xf32, #tpu.memory_space<hbm>>) dst(%dma_wait3A_252 : memref<128x128xf32, #tpu.memory_space<vmem>>)
      %add3A_263 = arith.constant 1 : i32
      %add3A_264 = arith.addi %mul3A_175, %add3A_263 : i32
      %dma_start3A_265 = arith.constant 1 : i32
      %dma_start3A_266 = arith.constant 0 : i32
      %dma_start3A_267 = arith.constant 0 : i32
      %dma_start3A_268 = tpu.memref_slice %arg10[%dma_start3A_265, %dma_start3A_266, %dma_start3A_267] : memref<2x128x128xf32, #tpu.memory_space<vmem>> -> memref<1x128x128xf32, #tpu.memory_space<vmem>>
      %dma_start3A_269 = tpu.memref_squeeze %dma_start3A_268 : memref<1x128x128xf32, #tpu.memory_space<vmem>> -> memref<128x128xf32, #tpu.memory_space<vmem>>
      %dma_start3A_270 = arith.constant 0 : i32
      %dma_start3A_271 = tpu.memref_slice %arg9[%add3A_264, %dma_start3A_270] : memref<40x128xi32, #tpu.memory_space<vmem>> -> memref<1x128xi32, #tpu.memory_space<vmem>>
      %dma_start3A_272 = tpu.memref_squeeze %dma_start3A_271 : memref<1x128xi32, #tpu.memory_space<vmem>> -> memref<128xi32, #tpu.memory_space<vmem>>
      %dma_start3A_273 = arith.constant 0 : i32
      %dma_start3A_274 = arith.constant 0 : i32
      %dma_start3A_275 = tpu.memref_slice %arg7[%dma_start3A_273, %dma_start3A_274] : memref<10240x128xf32, #tpu.memory_space<vmem_shared>> -> memref<10240x128xf32, #tpu.memory_space<vmem_shared>>
      tpu.enqueue_indirect_dma source(%dma_start3A_269 : memref<128x128xf32, #tpu.memory_space<vmem>>) target(%dma_start3A_275 : memref<10240x128xf32, #tpu.memory_space<vmem_shared>>) offsets(%dma_start3A_272 : memref<128xi32, #tpu.memory_space<vmem>>) semaphore(%arg14 : memref<!tpu.dma_semaphore, #tpu.memory_space<semaphore_mem>>) {add = true}
    }
    %scan3A_16 = arith.constant 20 : i32
    %dma_wait3A = arith.constant 0 : i32
    %dma_wait3A_17 = arith.constant 38 : i32
    %dma_wait3A_18 = arith.constant 0 : i32
    %dma_wait3A_19 = arith.constant 0 : i32
    %dma_wait3A_20 = tpu.memref_slice %arg10[%dma_wait3A, %dma_wait3A_18, %dma_wait3A_19] : memref<2x128x128xf32, #tpu.memory_space<vmem>> -> memref<1x128x128xf32, #tpu.memory_space<vmem>>
    %dma_wait3A_21 = tpu.memref_squeeze %dma_wait3A_20 : memref<1x128x128xf32, #tpu.memory_space<vmem>> -> memref<128x128xf32, #tpu.memory_space<vmem>>
    %dma_wait3A_22 = arith.constant 0 : i32
    %dma_wait3A_23 = tpu.memref_slice %arg9[%dma_wait3A_17, %dma_wait3A_22] : memref<40x128xi32, #tpu.memory_space<vmem>> -> memref<1x128xi32, #tpu.memory_space<vmem>>
    %dma_wait3A_24 = tpu.memref_squeeze %dma_wait3A_23 : memref<1x128xi32, #tpu.memory_space<vmem>> -> memref<128xi32, #tpu.memory_space<vmem>>
    %dma_wait3A_25 = arith.constant 0 : i32
    %dma_wait3A_26 = arith.constant 0 : i32
    %dma_wait3A_27 = tpu.memref_slice %arg7[%dma_wait3A_25, %dma_wait3A_26] : memref<10240x128xf32, #tpu.memory_space<vmem_shared>> -> memref<10240x128xf32, #tpu.memory_space<vmem_shared>>
    tpu.wait_indirect_dma semaphore(%arg13 : memref<!tpu.dma_semaphore, #tpu.memory_space<semaphore_mem>>) src(%dma_wait3A_21 : memref<128x128xf32, #tpu.memory_space<vmem>>) dst(%dma_wait3A_27 : memref<10240x128xf32, #tpu.memory_space<vmem_shared>>)
    %dma_wait3A_28 = arith.constant 1 : i32
    %dma_wait3A_29 = arith.constant 39 : i32
    %dma_wait3A_30 = arith.constant 0 : i32
    %dma_wait3A_31 = arith.constant 0 : i32
    %dma_wait3A_32 = tpu.memref_slice %arg10[%dma_wait3A_28, %dma_wait3A_30, %dma_wait3A_31] : memref<2x128x128xf32, #tpu.memory_space<vmem>> -> memref<1x128x128xf32, #tpu.memory_space<vmem>>
    %dma_wait3A_33 = tpu.memref_squeeze %dma_wait3A_32 : memref<1x128x128xf32, #tpu.memory_space<vmem>> -> memref<128x128xf32, #tpu.memory_space<vmem>>
    %dma_wait3A_34 = arith.constant 0 : i32
    %dma_wait3A_35 = tpu.memref_slice %arg9[%dma_wait3A_29, %dma_wait3A_34] : memref<40x128xi32, #tpu.memory_space<vmem>> -> memref<1x128xi32, #tpu.memory_space<vmem>>
    %dma_wait3A_36 = tpu.memref_squeeze %dma_wait3A_35 : memref<1x128xi32, #tpu.memory_space<vmem>> -> memref<128xi32, #tpu.memory_space<vmem>>
    %dma_wait3A_37 = arith.constant 0 : i32
    %dma_wait3A_38 = arith.constant 0 : i32
    %dma_wait3A_39 = tpu.memref_slice %arg7[%dma_wait3A_37, %dma_wait3A_38] : memref<10240x128xf32, #tpu.memory_space<vmem_shared>> -> memref<10240x128xf32, #tpu.memory_space<vmem_shared>>
    tpu.wait_indirect_dma semaphore(%arg14 : memref<!tpu.dma_semaphore, #tpu.memory_space<semaphore_mem>>) src(%dma_wait3A_33 : memref<128x128xf32, #tpu.memory_space<vmem>>) dst(%dma_wait3A_39 : memref<10240x128xf32, #tpu.memory_space<vmem_shared>>)
    %mul3A_40 = arith.constant 80 : i32
    %mul3A_41 = arith.muli %arg1, %mul3A_40 : i32
    %add3A_42 = arith.constant 40 : i32
    %add3A_43 = arith.addi %mul3A_41, %add3A_42 : i32
    "tpu.region"() ({
      %run_scoped3A = tpu.sem_alloc : memref<!tpu.dma_semaphore, #tpu.memory_space<semaphore_mem>>
      %dma_start3A = arith.constant 0 : i32
      %dma_start3A_173 = tpu.memref_slice %arg3[%add3A_43, %dma_start3A] : memref<1280x128xi32, #tpu.memory_space<hbm>> -> memref<40x128xi32, #tpu.memory_space<hbm>>
      %dma_start3A_174 = arith.constant 0 : i32
      %dma_start3A_175 = tpu.memref_slice %arg3[%add3A_43, %dma_start3A_174] : memref<1280x128xi32, #tpu.memory_space<hbm>> -> memref<40x128xi32, #tpu.memory_space<hbm>>
      tpu.enqueue_dma source(%dma_start3A_175 : memref<40x128xi32, #tpu.memory_space<hbm>>) target(%arg8 : memref<40x128xi32, #tpu.memory_space<vmem>>) target_semaphore(%run_scoped3A : memref<!tpu.dma_semaphore, #tpu.memory_space<semaphore_mem>>)
      %dma_wait3A_176 = arith.constant 0 : i32
      %dma_wait3A_177 = tpu.memref_slice %arg3[%add3A_43, %dma_wait3A_176] : memref<1280x128xi32, #tpu.memory_space<hbm>> -> memref<40x128xi32, #tpu.memory_space<hbm>>
      %dma_wait3A_178 = arith.constant 0 : i32
      %dma_wait3A_179 = tpu.memref_slice %arg3[%add3A_43, %dma_wait3A_178] : memref<1280x128xi32, #tpu.memory_space<hbm>> -> memref<40x128xi32, #tpu.memory_space<hbm>>
      tpu.wait_dma2 semaphore(%run_scoped3A : memref<!tpu.dma_semaphore, #tpu.memory_space<semaphore_mem>>) src(%dma_wait3A_179 : memref<40x128xi32, #tpu.memory_space<hbm>>) dst(%arg8 : memref<40x128xi32, #tpu.memory_space<vmem>>)
      tpu.yield
    }) : () -> ()
    %mul3A_44 = arith.constant 80 : i32
    %mul3A_45 = arith.muli %arg1, %mul3A_44 : i32
    %add3A_46 = arith.constant 40 : i32
    %add3A_47 = arith.addi %mul3A_45, %add3A_46 : i32
    "tpu.region"() ({
      %run_scoped3A = tpu.sem_alloc : memref<!tpu.dma_semaphore, #tpu.memory_space<semaphore_mem>>
      %dma_start3A = arith.constant 0 : i32
      %dma_start3A_173 = tpu.memref_slice %arg4[%add3A_47, %dma_start3A] : memref<1280x128xi32, #tpu.memory_space<hbm>> -> memref<40x128xi32, #tpu.memory_space<hbm>>
      %dma_start3A_174 = arith.constant 0 : i32
      %dma_start3A_175 = tpu.memref_slice %arg4[%add3A_47, %dma_start3A_174] : memref<1280x128xi32, #tpu.memory_space<hbm>> -> memref<40x128xi32, #tpu.memory_space<hbm>>
      tpu.enqueue_dma source(%dma_start3A_175 : memref<40x128xi32, #tpu.memory_space<hbm>>) target(%arg9 : memref<40x128xi32, #tpu.memory_space<vmem>>) target_semaphore(%run_scoped3A : memref<!tpu.dma_semaphore, #tpu.memory_space<semaphore_mem>>)
      %dma_wait3A_176 = arith.constant 0 : i32
      %dma_wait3A_177 = tpu.memref_slice %arg4[%add3A_47, %dma_wait3A_176] : memref<1280x128xi32, #tpu.memory_space<hbm>> -> memref<40x128xi32, #tpu.memory_space<hbm>>
      %dma_wait3A_178 = arith.constant 0 : i32
      %dma_wait3A_179 = tpu.memref_slice %arg4[%add3A_47, %dma_wait3A_178] : memref<1280x128xi32, #tpu.memory_space<hbm>> -> memref<40x128xi32, #tpu.memory_space<hbm>>
      tpu.wait_dma2 semaphore(%run_scoped3A : memref<!tpu.dma_semaphore, #tpu.memory_space<semaphore_mem>>) src(%dma_wait3A_179 : memref<40x128xi32, #tpu.memory_space<hbm>>) dst(%arg9 : memref<40x128xi32, #tpu.memory_space<vmem>>)
      tpu.yield
    }) : () -> ()
    %scan3A_48 = arith.constant 0 : i32
    %scan3A_49 = arith.constant 0 : i32
    %scan3A_50 = arith.constant 20 : i32
    %scan3A_51 = arith.addi %scan3A_49, %scan3A_50 : i32
    %scan3A_52 = arith.constant 1 : i32
    scf.for %scan3A_173 = %scan3A_49 to %scan3A_51 step %scan3A_52  : i32 {
      %mul3A_174 = arith.constant 2 : i32
      %mul3A_175 = arith.muli %scan3A_173, %mul3A_174 : i32
      %gt3A = arith.constant 0 : i32
      %gt3A_176 = arith.cmpi sgt, %scan3A_173, %gt3A : i32
      %convert_element_type3A = arith.extui %gt3A_176 : i1 to i32
      %cond3A = arith.constant 0 : i32
      %cond3A_177 = arith.cmpi ne, %convert_element_type3A, %cond3A : i32
      scf.if %cond3A_177 {
        %sub3A = arith.constant 2 : i32
        %sub3A_276 = arith.subi %mul3A_175, %sub3A : i32
        %add3A_277 = arith.constant 0 : i32
        %add3A_278 = arith.addi %sub3A_276, %add3A_277 : i32
        %dma_wait3A_279 = arith.constant 0 : i32
        %dma_wait3A_280 = arith.constant 0 : i32
        %dma_wait3A_281 = arith.constant 0 : i32
        %dma_wait3A_282 = tpu.memref_slice %arg10[%dma_wait3A_279, %dma_wait3A_280, %dma_wait3A_281] : memref<2x128x128xf32, #tpu.memory_space<vmem>> -> memref<1x128x128xf32, #tpu.memory_space<vmem>>
        %dma_wait3A_283 = tpu.memref_squeeze %dma_wait3A_282 : memref<1x128x128xf32, #tpu.memory_space<vmem>> -> memref<128x128xf32, #tpu.memory_space<vmem>>
        %dma_wait3A_284 = arith.constant 0 : i32
        %dma_wait3A_285 = tpu.memref_slice %arg9[%add3A_278, %dma_wait3A_284] : memref<40x128xi32, #tpu.memory_space<vmem>> -> memref<1x128xi32, #tpu.memory_space<vmem>>
        %dma_wait3A_286 = tpu.memref_squeeze %dma_wait3A_285 : memref<1x128xi32, #tpu.memory_space<vmem>> -> memref<128xi32, #tpu.memory_space<vmem>>
        %dma_wait3A_287 = arith.constant 0 : i32
        %dma_wait3A_288 = arith.constant 0 : i32
        %dma_wait3A_289 = tpu.memref_slice %arg7[%dma_wait3A_287, %dma_wait3A_288] : memref<10240x128xf32, #tpu.memory_space<vmem_shared>> -> memref<10240x128xf32, #tpu.memory_space<vmem_shared>>
        tpu.wait_indirect_dma semaphore(%arg13 : memref<!tpu.dma_semaphore, #tpu.memory_space<semaphore_mem>>) src(%dma_wait3A_283 : memref<128x128xf32, #tpu.memory_space<vmem>>) dst(%dma_wait3A_289 : memref<10240x128xf32, #tpu.memory_space<vmem_shared>>)
      } else {
      }
      %add3A_178 = arith.constant 0 : i32
      %add3A_179 = arith.addi %mul3A_175, %add3A_178 : i32
      %dma_start3A = arith.constant 0 : i32
      %dma_start3A_180 = arith.constant 0 : i32
      %dma_start3A_181 = arith.constant 0 : i32
      %dma_start3A_182 = tpu.memref_slice %arg10[%dma_start3A, %dma_start3A_180, %dma_start3A_181] : memref<2x128x128xf32, #tpu.memory_space<vmem>> -> memref<1x128x128xf32, #tpu.memory_space<vmem>>
      %dma_start3A_183 = tpu.memref_squeeze %dma_start3A_182 : memref<1x128x128xf32, #tpu.memory_space<vmem>> -> memref<128x128xf32, #tpu.memory_space<vmem>>
      %dma_start3A_184 = arith.constant 0 : i32
      %dma_start3A_185 = tpu.memref_slice %arg8[%add3A_179, %dma_start3A_184] : memref<40x128xi32, #tpu.memory_space<vmem>> -> memref<1x128xi32, #tpu.memory_space<vmem>>
      %dma_start3A_186 = tpu.memref_squeeze %dma_start3A_185 : memref<1x128xi32, #tpu.memory_space<vmem>> -> memref<128xi32, #tpu.memory_space<vmem>>
      %dma_start3A_187 = arith.constant 0 : i32
      %dma_start3A_188 = arith.constant 0 : i32
      %dma_start3A_189 = tpu.memref_slice %arg2[%add3A_1, %dma_start3A_187, %dma_start3A_188] : memref<4x10240x128xf32, #tpu.memory_space<hbm>> -> memref<1x10240x128xf32, #tpu.memory_space<hbm>>
      %dma_start3A_190 = tpu.memref_squeeze %dma_start3A_189 : memref<1x10240x128xf32, #tpu.memory_space<hbm>> -> memref<10240x128xf32, #tpu.memory_space<hbm>>
      %dma_start3A_191 = arith.constant 0 : i32
      %dma_start3A_192 = arith.constant 0 : i32
      %dma_start3A_193 = tpu.memref_slice %dma_start3A_190[%dma_start3A_191, %dma_start3A_192] : memref<10240x128xf32, #tpu.memory_space<hbm>> -> memref<10240x128xf32, #tpu.memory_space<hbm>>
      tpu.enqueue_indirect_dma source(%dma_start3A_193 : memref<10240x128xf32, #tpu.memory_space<hbm>>) target(%dma_start3A_183 : memref<128x128xf32, #tpu.memory_space<vmem>>) offsets(%dma_start3A_186 : memref<128xi32, #tpu.memory_space<vmem>>) semaphore(%arg11 : memref<!tpu.dma_semaphore, #tpu.memory_space<semaphore_mem>>)
      %gt3A_194 = arith.constant 0 : i32
      %gt3A_195 = arith.cmpi sgt, %scan3A_173, %gt3A_194 : i32
      %convert_element_type3A_196 = arith.extui %gt3A_195 : i1 to i32
      %cond3A_197 = arith.constant 0 : i32
      %cond3A_198 = arith.cmpi ne, %convert_element_type3A_196, %cond3A_197 : i32
      scf.if %cond3A_198 {
        %sub3A = arith.constant 2 : i32
        %sub3A_276 = arith.subi %mul3A_175, %sub3A : i32
        %add3A_277 = arith.constant 1 : i32
        %add3A_278 = arith.addi %sub3A_276, %add3A_277 : i32
        %dma_wait3A_279 = arith.constant 1 : i32
        %dma_wait3A_280 = arith.constant 0 : i32
        %dma_wait3A_281 = arith.constant 0 : i32
        %dma_wait3A_282 = tpu.memref_slice %arg10[%dma_wait3A_279, %dma_wait3A_280, %dma_wait3A_281] : memref<2x128x128xf32, #tpu.memory_space<vmem>> -> memref<1x128x128xf32, #tpu.memory_space<vmem>>
        %dma_wait3A_283 = tpu.memref_squeeze %dma_wait3A_282 : memref<1x128x128xf32, #tpu.memory_space<vmem>> -> memref<128x128xf32, #tpu.memory_space<vmem>>
        %dma_wait3A_284 = arith.constant 0 : i32
        %dma_wait3A_285 = tpu.memref_slice %arg9[%add3A_278, %dma_wait3A_284] : memref<40x128xi32, #tpu.memory_space<vmem>> -> memref<1x128xi32, #tpu.memory_space<vmem>>
        %dma_wait3A_286 = tpu.memref_squeeze %dma_wait3A_285 : memref<1x128xi32, #tpu.memory_space<vmem>> -> memref<128xi32, #tpu.memory_space<vmem>>
        %dma_wait3A_287 = arith.constant 0 : i32
        %dma_wait3A_288 = arith.constant 0 : i32
        %dma_wait3A_289 = tpu.memref_slice %arg7[%dma_wait3A_287, %dma_wait3A_288] : memref<10240x128xf32, #tpu.memory_space<vmem_shared>> -> memref<10240x128xf32, #tpu.memory_space<vmem_shared>>
        tpu.wait_indirect_dma semaphore(%arg14 : memref<!tpu.dma_semaphore, #tpu.memory_space<semaphore_mem>>) src(%dma_wait3A_283 : memref<128x128xf32, #tpu.memory_space<vmem>>) dst(%dma_wait3A_289 : memref<10240x128xf32, #tpu.memory_space<vmem_shared>>)
      } else {
      }
      %add3A_199 = arith.constant 1 : i32
      %add3A_200 = arith.addi %mul3A_175, %add3A_199 : i32
      %dma_start3A_201 = arith.constant 1 : i32
      %dma_start3A_202 = arith.constant 0 : i32
      %dma_start3A_203 = arith.constant 0 : i32
      %dma_start3A_204 = tpu.memref_slice %arg10[%dma_start3A_201, %dma_start3A_202, %dma_start3A_203] : memref<2x128x128xf32, #tpu.memory_space<vmem>> -> memref<1x128x128xf32, #tpu.memory_space<vmem>>
      %dma_start3A_205 = tpu.memref_squeeze %dma_start3A_204 : memref<1x128x128xf32, #tpu.memory_space<vmem>> -> memref<128x128xf32, #tpu.memory_space<vmem>>
      %dma_start3A_206 = arith.constant 0 : i32
      %dma_start3A_207 = tpu.memref_slice %arg8[%add3A_200, %dma_start3A_206] : memref<40x128xi32, #tpu.memory_space<vmem>> -> memref<1x128xi32, #tpu.memory_space<vmem>>
      %dma_start3A_208 = tpu.memref_squeeze %dma_start3A_207 : memref<1x128xi32, #tpu.memory_space<vmem>> -> memref<128xi32, #tpu.memory_space<vmem>>
      %dma_start3A_209 = arith.constant 0 : i32
      %dma_start3A_210 = arith.constant 0 : i32
      %dma_start3A_211 = tpu.memref_slice %arg2[%add3A_1, %dma_start3A_209, %dma_start3A_210] : memref<4x10240x128xf32, #tpu.memory_space<hbm>> -> memref<1x10240x128xf32, #tpu.memory_space<hbm>>
      %dma_start3A_212 = tpu.memref_squeeze %dma_start3A_211 : memref<1x10240x128xf32, #tpu.memory_space<hbm>> -> memref<10240x128xf32, #tpu.memory_space<hbm>>
      %dma_start3A_213 = arith.constant 0 : i32
      %dma_start3A_214 = arith.constant 0 : i32
      %dma_start3A_215 = tpu.memref_slice %dma_start3A_212[%dma_start3A_213, %dma_start3A_214] : memref<10240x128xf32, #tpu.memory_space<hbm>> -> memref<10240x128xf32, #tpu.memory_space<hbm>>
      tpu.enqueue_indirect_dma source(%dma_start3A_215 : memref<10240x128xf32, #tpu.memory_space<hbm>>) target(%dma_start3A_205 : memref<128x128xf32, #tpu.memory_space<vmem>>) offsets(%dma_start3A_208 : memref<128xi32, #tpu.memory_space<vmem>>) semaphore(%arg12 : memref<!tpu.dma_semaphore, #tpu.memory_space<semaphore_mem>>)
      %add3A_216 = arith.constant 0 : i32
      %add3A_217 = arith.addi %mul3A_175, %add3A_216 : i32
      %dma_wait3A_218 = arith.constant 0 : i32
      %dma_wait3A_219 = arith.constant 0 : i32
      %dma_wait3A_220 = arith.constant 0 : i32
      %dma_wait3A_221 = tpu.memref_slice %arg10[%dma_wait3A_218, %dma_wait3A_219, %dma_wait3A_220] : memref<2x128x128xf32, #tpu.memory_space<vmem>> -> memref<1x128x128xf32, #tpu.memory_space<vmem>>
      %dma_wait3A_222 = tpu.memref_squeeze %dma_wait3A_221 : memref<1x128x128xf32, #tpu.memory_space<vmem>> -> memref<128x128xf32, #tpu.memory_space<vmem>>
      %dma_wait3A_223 = arith.constant 0 : i32
      %dma_wait3A_224 = tpu.memref_slice %arg8[%add3A_217, %dma_wait3A_223] : memref<40x128xi32, #tpu.memory_space<vmem>> -> memref<1x128xi32, #tpu.memory_space<vmem>>
      %dma_wait3A_225 = tpu.memref_squeeze %dma_wait3A_224 : memref<1x128xi32, #tpu.memory_space<vmem>> -> memref<128xi32, #tpu.memory_space<vmem>>
      %dma_wait3A_226 = arith.constant 0 : i32
      %dma_wait3A_227 = arith.constant 0 : i32
      %dma_wait3A_228 = tpu.memref_slice %arg2[%add3A_1, %dma_wait3A_226, %dma_wait3A_227] : memref<4x10240x128xf32, #tpu.memory_space<hbm>> -> memref<1x10240x128xf32, #tpu.memory_space<hbm>>
      %dma_wait3A_229 = tpu.memref_squeeze %dma_wait3A_228 : memref<1x10240x128xf32, #tpu.memory_space<hbm>> -> memref<10240x128xf32, #tpu.memory_space<hbm>>
      %dma_wait3A_230 = arith.constant 0 : i32
      %dma_wait3A_231 = arith.constant 0 : i32
      %dma_wait3A_232 = tpu.memref_slice %dma_wait3A_229[%dma_wait3A_230, %dma_wait3A_231] : memref<10240x128xf32, #tpu.memory_space<hbm>> -> memref<10240x128xf32, #tpu.memory_space<hbm>>
      tpu.wait_indirect_dma semaphore(%arg11 : memref<!tpu.dma_semaphore, #tpu.memory_space<semaphore_mem>>) src(%dma_wait3A_232 : memref<10240x128xf32, #tpu.memory_space<hbm>>) dst(%dma_wait3A_222 : memref<128x128xf32, #tpu.memory_space<vmem>>)
      %add3A_233 = arith.constant 0 : i32
      %add3A_234 = arith.addi %mul3A_175, %add3A_233 : i32
      %dma_start3A_235 = arith.constant 0 : i32
      %dma_start3A_236 = arith.constant 0 : i32
      %dma_start3A_237 = arith.constant 0 : i32
      %dma_start3A_238 = tpu.memref_slice %arg10[%dma_start3A_235, %dma_start3A_236, %dma_start3A_237] : memref<2x128x128xf32, #tpu.memory_space<vmem>> -> memref<1x128x128xf32, #tpu.memory_space<vmem>>
      %dma_start3A_239 = tpu.memref_squeeze %dma_start3A_238 : memref<1x128x128xf32, #tpu.memory_space<vmem>> -> memref<128x128xf32, #tpu.memory_space<vmem>>
      %dma_start3A_240 = arith.constant 0 : i32
      %dma_start3A_241 = tpu.memref_slice %arg9[%add3A_234, %dma_start3A_240] : memref<40x128xi32, #tpu.memory_space<vmem>> -> memref<1x128xi32, #tpu.memory_space<vmem>>
      %dma_start3A_242 = tpu.memref_squeeze %dma_start3A_241 : memref<1x128xi32, #tpu.memory_space<vmem>> -> memref<128xi32, #tpu.memory_space<vmem>>
      %dma_start3A_243 = arith.constant 0 : i32
      %dma_start3A_244 = arith.constant 0 : i32
      %dma_start3A_245 = tpu.memref_slice %arg7[%dma_start3A_243, %dma_start3A_244] : memref<10240x128xf32, #tpu.memory_space<vmem_shared>> -> memref<10240x128xf32, #tpu.memory_space<vmem_shared>>
      tpu.enqueue_indirect_dma source(%dma_start3A_239 : memref<128x128xf32, #tpu.memory_space<vmem>>) target(%dma_start3A_245 : memref<10240x128xf32, #tpu.memory_space<vmem_shared>>) offsets(%dma_start3A_242 : memref<128xi32, #tpu.memory_space<vmem>>) semaphore(%arg13 : memref<!tpu.dma_semaphore, #tpu.memory_space<semaphore_mem>>) {add = true}
      %add3A_246 = arith.constant 1 : i32
      %add3A_247 = arith.addi %mul3A_175, %add3A_246 : i32
      %dma_wait3A_248 = arith.constant 1 : i32
      %dma_wait3A_249 = arith.constant 0 : i32
      %dma_wait3A_250 = arith.constant 0 : i32
      %dma_wait3A_251 = tpu.memref_slice %arg10[%dma_wait3A_248, %dma_wait3A_249, %dma_wait3A_250] : memref<2x128x128xf32, #tpu.memory_space<vmem>> -> memref<1x128x128xf32, #tpu.memory_space<vmem>>
      %dma_wait3A_252 = tpu.memref_squeeze %dma_wait3A_251 : memref<1x128x128xf32, #tpu.memory_space<vmem>> -> memref<128x128xf32, #tpu.memory_space<vmem>>
      %dma_wait3A_253 = arith.constant 0 : i32
      %dma_wait3A_254 = tpu.memref_slice %arg8[%add3A_247, %dma_wait3A_253] : memref<40x128xi32, #tpu.memory_space<vmem>> -> memref<1x128xi32, #tpu.memory_space<vmem>>
      %dma_wait3A_255 = tpu.memref_squeeze %dma_wait3A_254 : memref<1x128xi32, #tpu.memory_space<vmem>> -> memref<128xi32, #tpu.memory_space<vmem>>
      %dma_wait3A_256 = arith.constant 0 : i32
      %dma_wait3A_257 = arith.constant 0 : i32
      %dma_wait3A_258 = tpu.memref_slice %arg2[%add3A_1, %dma_wait3A_256, %dma_wait3A_257] : memref<4x10240x128xf32, #tpu.memory_space<hbm>> -> memref<1x10240x128xf32, #tpu.memory_space<hbm>>
      %dma_wait3A_259 = tpu.memref_squeeze %dma_wait3A_258 : memref<1x10240x128xf32, #tpu.memory_space<hbm>> -> memref<10240x128xf32, #tpu.memory_space<hbm>>
      %dma_wait3A_260 = arith.constant 0 : i32
      %dma_wait3A_261 = arith.constant 0 : i32
      %dma_wait3A_262 = tpu.memref_slice %dma_wait3A_259[%dma_wait3A_260, %dma_wait3A_261] : memref<10240x128xf32, #tpu.memory_space<hbm>> -> memref<10240x128xf32, #tpu.memory_space<hbm>>
      tpu.wait_indirect_dma semaphore(%arg12 : memref<!tpu.dma_semaphore, #tpu.memory_space<semaphore_mem>>) src(%dma_wait3A_262 : memref<10240x128xf32, #tpu.memory_space<hbm>>) dst(%dma_wait3A_252 : memref<128x128xf32, #tpu.memory_space<vmem>>)
      %add3A_263 = arith.constant 1 : i32
      %add3A_264 = arith.addi %mul3A_175, %add3A_263 : i32
      %dma_start3A_265 = arith.constant 1 : i32
      %dma_start3A_266 = arith.constant 0 : i32
      %dma_start3A_267 = arith.constant 0 : i32
      %dma_start3A_268 = tpu.memref_slice %arg10[%dma_start3A_265, %dma_start3A_266, %dma_start3A_267] : memref<2x128x128xf32, #tpu.memory_space<vmem>> -> memref<1x128x128xf32, #tpu.memory_space<vmem>>
      %dma_start3A_269 = tpu.memref_squeeze %dma_start3A_268 : memref<1x128x128xf32, #tpu.memory_space<vmem>> -> memref<128x128xf32, #tpu.memory_space<vmem>>
      %dma_start3A_270 = arith.constant 0 : i32
      %dma_start3A_271 = tpu.memref_slice %arg9[%add3A_264, %dma_start3A_270] : memref<40x128xi32, #tpu.memory_space<vmem>> -> memref<1x128xi32, #tpu.memory_space<vmem>>
      %dma_start3A_272 = tpu.memref_squeeze %dma_start3A_271 : memref<1x128xi32, #tpu.memory_space<vmem>> -> memref<128xi32, #tpu.memory_space<vmem>>
      %dma_start3A_273 = arith.constant 0 : i32
      %dma_start3A_274 = arith.constant 0 : i32
      %dma_start3A_275 = tpu.memref_slice %arg7[%dma_start3A_273, %dma_start3A_274] : memref<10240x128xf32, #tpu.memory_space<vmem_shared>> -> memref<10240x128xf32, #tpu.memory_space<vmem_shared>>
      tpu.enqueue_indirect_dma source(%dma_start3A_269 : memref<128x128xf32, #tpu.memory_space<vmem>>) target(%dma_start3A_275 : memref<10240x128xf32, #tpu.memory_space<vmem_shared>>) offsets(%dma_start3A_272 : memref<128xi32, #tpu.memory_space<vmem>>) semaphore(%arg14 : memref<!tpu.dma_semaphore, #tpu.memory_space<semaphore_mem>>) {add = true}
    }
    %scan3A_53 = arith.constant 20 : i32
    %dma_wait3A_54 = arith.constant 0 : i32
    %dma_wait3A_55 = arith.constant 38 : i32
    %dma_wait3A_56 = arith.constant 0 : i32
    %dma_wait3A_57 = arith.constant 0 : i32
    %dma_wait3A_58 = tpu.memref_slice %arg10[%dma_wait3A_54, %dma_wait3A_56, %dma_wait3A_57] : memref<2x128x128xf32, #tpu.memory_space<vmem>> -> memref<1x128x128xf32, #tpu.memory_space<vmem>>
    %dma_wait3A_59 = tpu.memref_squeeze %dma_wait3A_58 : memref<1x128x128xf32, #tpu.memory_space<vmem>> -> memref<128x128xf32, #tpu.memory_space<vmem>>
    %dma_wait3A_60 = arith.constant 0 : i32
    %dma_wait3A_61 = tpu.memref_slice %arg9[%dma_wait3A_55, %dma_wait3A_60] : memref<40x128xi32, #tpu.memory_space<vmem>> -> memref<1x128xi32, #tpu.memory_space<vmem>>
    %dma_wait3A_62 = tpu.memref_squeeze %dma_wait3A_61 : memref<1x128xi32, #tpu.memory_space<vmem>> -> memref<128xi32, #tpu.memory_space<vmem>>
    %dma_wait3A_63 = arith.constant 0 : i32
    %dma_wait3A_64 = arith.constant 0 : i32
    %dma_wait3A_65 = tpu.memref_slice %arg7[%dma_wait3A_63, %dma_wait3A_64] : memref<10240x128xf32, #tpu.memory_space<vmem_shared>> -> memref<10240x128xf32, #tpu.memory_space<vmem_shared>>
    tpu.wait_indirect_dma semaphore(%arg13 : memref<!tpu.dma_semaphore, #tpu.memory_space<semaphore_mem>>) src(%dma_wait3A_59 : memref<128x128xf32, #tpu.memory_space<vmem>>) dst(%dma_wait3A_65 : memref<10240x128xf32, #tpu.memory_space<vmem_shared>>)
    %dma_wait3A_66 = arith.constant 1 : i32
    %dma_wait3A_67 = arith.constant 39 : i32
    %dma_wait3A_68 = arith.constant 0 : i32
    %dma_wait3A_69 = arith.constant 0 : i32
    %dma_wait3A_70 = tpu.memref_slice %arg10[%dma_wait3A_66, %dma_wait3A_68, %dma_wait3A_69] : memref<2x128x128xf32, #tpu.memory_space<vmem>> -> memref<1x128x128xf32, #tpu.memory_space<vmem>>
    %dma_wait3A_71 = tpu.memref_squeeze %dma_wait3A_70 : memref<1x128x128xf32, #tpu.memory_space<vmem>> -> memref<128x128xf32, #tpu.memory_space<vmem>>
    %dma_wait3A_72 = arith.constant 0 : i32
    %dma_wait3A_73 = tpu.memref_slice %arg9[%dma_wait3A_67, %dma_wait3A_72] : memref<40x128xi32, #tpu.memory_space<vmem>> -> memref<1x128xi32, #tpu.memory_space<vmem>>
    %dma_wait3A_74 = tpu.memref_squeeze %dma_wait3A_73 : memref<1x128xi32, #tpu.memory_space<vmem>> -> memref<128xi32, #tpu.memory_space<vmem>>
    %dma_wait3A_75 = arith.constant 0 : i32
    %dma_wait3A_76 = arith.constant 0 : i32
    %dma_wait3A_77 = tpu.memref_slice %arg7[%dma_wait3A_75, %dma_wait3A_76] : memref<10240x128xf32, #tpu.memory_space<vmem_shared>> -> memref<10240x128xf32, #tpu.memory_space<vmem_shared>>
    tpu.wait_indirect_dma semaphore(%arg14 : memref<!tpu.dma_semaphore, #tpu.memory_space<semaphore_mem>>) src(%dma_wait3A_71 : memref<128x128xf32, #tpu.memory_space<vmem>>) dst(%dma_wait3A_77 : memref<10240x128xf32, #tpu.memory_space<vmem_shared>>)
    %barrier3A_78 = arith.constant 0 : index
    tpu.barrier barrier_id(%barrier3A_78)
    %mul3A_79 = arith.constant 640 : i32
    %mul3A_80 = arith.muli %arg1, %mul3A_79 : i32
    %mul3A_81 = arith.constant 640 : i32
    %mul3A_82 = arith.muli %arg1, %mul3A_81 : i32
    "tpu.region"() ({
      %run_scoped3A = tpu.sem_alloc : memref<!tpu.dma_semaphore, #tpu.memory_space<semaphore_mem>>
      %dma_start3A = arith.constant 0 : i32
      %dma_start3A_173 = arith.constant 0 : i32
      %dma_start3A_174 = tpu.memref_slice %arg6[%add3A_1, %dma_start3A, %dma_start3A_173] : memref<4x10240x128xf32, #tpu.memory_space<hbm>> -> memref<1x10240x128xf32, #tpu.memory_space<hbm>>
      %dma_start3A_175 = tpu.memref_squeeze %dma_start3A_174 : memref<1x10240x128xf32, #tpu.memory_space<hbm>> -> memref<10240x128xf32, #tpu.memory_space<hbm>>
      %dma_start3A_176 = arith.constant 0 : i32
      %dma_start3A_177 = tpu.memref_slice %dma_start3A_175[%mul3A_82, %dma_start3A_176] : memref<10240x128xf32, #tpu.memory_space<hbm>> -> memref<640x128xf32, #tpu.memory_space<hbm>>
      %dma_start3A_178 = arith.constant 0 : i32
      %dma_start3A_179 = tpu.memref_slice %arg7[%mul3A_80, %dma_start3A_178] : memref<10240x128xf32, #tpu.memory_space<vmem_shared>> -> memref<640x128xf32, #tpu.memory_space<vmem_shared>>
      tpu.enqueue_dma source(%dma_start3A_179 : memref<640x128xf32, #tpu.memory_space<vmem_shared>>) target(%dma_start3A_177 : memref<640x128xf32, #tpu.memory_space<hbm>>) target_semaphore(%run_scoped3A : memref<!tpu.dma_semaphore, #tpu.memory_space<semaphore_mem>>)
      %dma_wait3A_180 = arith.constant 0 : i32
      %dma_wait3A_181 = arith.constant 0 : i32
      %dma_wait3A_182 = tpu.memref_slice %arg6[%add3A_1, %dma_wait3A_180, %dma_wait3A_181] : memref<4x10240x128xf32, #tpu.memory_space<hbm>> -> memref<1x10240x128xf32, #tpu.memory_space<hbm>>
      %dma_wait3A_183 = tpu.memref_squeeze %dma_wait3A_182 : memref<1x10240x128xf32, #tpu.memory_space<hbm>> -> memref<10240x128xf32, #tpu.memory_space<hbm>>
      %dma_wait3A_184 = arith.constant 0 : i32
      %dma_wait3A_185 = tpu.memref_slice %dma_wait3A_183[%mul3A_82, %dma_wait3A_184] : memref<10240x128xf32, #tpu.memory_space<hbm>> -> memref<640x128xf32, #tpu.memory_space<hbm>>
      %dma_wait3A_186 = arith.constant 0 : i32
      %dma_wait3A_187 = tpu.memref_slice %arg7[%mul3A_80, %dma_wait3A_186] : memref<10240x128xf32, #tpu.memory_space<vmem_shared>> -> memref<640x128xf32, #tpu.memory_space<vmem_shared>>
      tpu.wait_dma2 semaphore(%run_scoped3A : memref<!tpu.dma_semaphore, #tpu.memory_space<semaphore_mem>>) src(%dma_wait3A_187 : memref<640x128xf32, #tpu.memory_space<vmem_shared>>) dst(%dma_wait3A_185 : memref<640x128xf32, #tpu.memory_space<hbm>>)
      tpu.yield
    }) : () -> ()
    %barrier3A_83 = arith.constant 0 : index
    tpu.barrier barrier_id(%barrier3A_83)
    %mul3A_84 = arith.constant 2 : i32
    %mul3A_85 = arith.muli %arg0, %mul3A_84 : i32
    %add3A_86 = arith.constant 1 : i32
    %add3A_87 = arith.addi %mul3A_85, %add3A_86 : i32
    %mul3A_88 = arith.constant 640 : i32
    %mul3A_89 = arith.muli %arg1, %mul3A_88 : i32
    "tpu.region"() ({
      %run_scoped3A = tpu.sem_alloc : memref<!tpu.dma_semaphore, #tpu.memory_space<semaphore_mem>>
      %dma_start3A = arith.constant 0 : i32
      %dma_start3A_173 = tpu.memref_slice %arg7[%mul3A_89, %dma_start3A] : memref<10240x128xf32, #tpu.memory_space<vmem_shared>> -> memref<640x128xf32, #tpu.memory_space<vmem_shared>>
      tpu.enqueue_dma source(%arg5 : memref<640x128xf32, #tpu.memory_space<hbm>>) target(%dma_start3A_173 : memref<640x128xf32, #tpu.memory_space<vmem_shared>>) target_semaphore(%run_scoped3A : memref<!tpu.dma_semaphore, #tpu.memory_space<semaphore_mem>>)
      %dma_wait3A_174 = arith.constant 0 : i32
      %dma_wait3A_175 = tpu.memref_slice %arg7[%mul3A_89, %dma_wait3A_174] : memref<10240x128xf32, #tpu.memory_space<vmem_shared>> -> memref<640x128xf32, #tpu.memory_space<vmem_shared>>
      tpu.wait_dma2 semaphore(%run_scoped3A : memref<!tpu.dma_semaphore, #tpu.memory_space<semaphore_mem>>) src(%arg5 : memref<640x128xf32, #tpu.memory_space<hbm>>) dst(%dma_wait3A_175 : memref<640x128xf32, #tpu.memory_space<vmem_shared>>)
      tpu.yield
    }) : () -> ()
    %barrier3A_90 = arith.constant 0 : index
    tpu.barrier barrier_id(%barrier3A_90)
    %mul3A_91 = arith.constant 80 : i32
    %mul3A_92 = arith.muli %arg1, %mul3A_91 : i32
    %add3A_93 = arith.constant 0 : i32
    %add3A_94 = arith.addi %mul3A_92, %add3A_93 : i32
    "tpu.region"() ({
      %run_scoped3A = tpu.sem_alloc : memref<!tpu.dma_semaphore, #tpu.memory_space<semaphore_mem>>
      %dma_start3A = arith.constant 0 : i32
      %dma_start3A_173 = tpu.memref_slice %arg3[%add3A_94, %dma_start3A] : memref<1280x128xi32, #tpu.memory_space<hbm>> -> memref<40x128xi32, #tpu.memory_space<hbm>>
      %dma_start3A_174 = arith.constant 0 : i32
      %dma_start3A_175 = tpu.memref_slice %arg3[%add3A_94, %dma_start3A_174] : memref<1280x128xi32, #tpu.memory_space<hbm>> -> memref<40x128xi32, #tpu.memory_space<hbm>>
      tpu.enqueue_dma source(%dma_start3A_175 : memref<40x128xi32, #tpu.memory_space<hbm>>) target(%arg8 : memref<40x128xi32, #tpu.memory_space<vmem>>) target_semaphore(%run_scoped3A : memref<!tpu.dma_semaphore, #tpu.memory_space<semaphore_mem>>)
      %dma_wait3A_176 = arith.constant 0 : i32
      %dma_wait3A_177 = tpu.memref_slice %arg3[%add3A_94, %dma_wait3A_176] : memref<1280x128xi32, #tpu.memory_space<hbm>> -> memref<40x128xi32, #tpu.memory_space<hbm>>
      %dma_wait3A_178 = arith.constant 0 : i32
      %dma_wait3A_179 = tpu.memref_slice %arg3[%add3A_94, %dma_wait3A_178] : memref<1280x128xi32, #tpu.memory_space<hbm>> -> memref<40x128xi32, #tpu.memory_space<hbm>>
      tpu.wait_dma2 semaphore(%run_scoped3A : memref<!tpu.dma_semaphore, #tpu.memory_space<semaphore_mem>>) src(%dma_wait3A_179 : memref<40x128xi32, #tpu.memory_space<hbm>>) dst(%arg8 : memref<40x128xi32, #tpu.memory_space<vmem>>)
      tpu.yield
    }) : () -> ()
    %mul3A_95 = arith.constant 80 : i32
    %mul3A_96 = arith.muli %arg1, %mul3A_95 : i32
    %add3A_97 = arith.constant 0 : i32
    %add3A_98 = arith.addi %mul3A_96, %add3A_97 : i32
    "tpu.region"() ({
      %run_scoped3A = tpu.sem_alloc : memref<!tpu.dma_semaphore, #tpu.memory_space<semaphore_mem>>
      %dma_start3A = arith.constant 0 : i32
      %dma_start3A_173 = tpu.memref_slice %arg4[%add3A_98, %dma_start3A] : memref<1280x128xi32, #tpu.memory_space<hbm>> -> memref<40x128xi32, #tpu.memory_space<hbm>>
      %dma_start3A_174 = arith.constant 0 : i32
      %dma_start3A_175 = tpu.memref_slice %arg4[%add3A_98, %dma_start3A_174] : memref<1280x128xi32, #tpu.memory_space<hbm>> -> memref<40x128xi32, #tpu.memory_space<hbm>>
      tpu.enqueue_dma source(%dma_start3A_175 : memref<40x128xi32, #tpu.memory_space<hbm>>) target(%arg9 : memref<40x128xi32, #tpu.memory_space<vmem>>) target_semaphore(%run_scoped3A : memref<!tpu.dma_semaphore, #tpu.memory_space<semaphore_mem>>)
      %dma_wait3A_176 = arith.constant 0 : i32
      %dma_wait3A_177 = tpu.memref_slice %arg4[%add3A_98, %dma_wait3A_176] : memref<1280x128xi32, #tpu.memory_space<hbm>> -> memref<40x128xi32, #tpu.memory_space<hbm>>
      %dma_wait3A_178 = arith.constant 0 : i32
      %dma_wait3A_179 = tpu.memref_slice %arg4[%add3A_98, %dma_wait3A_178] : memref<1280x128xi32, #tpu.memory_space<hbm>> -> memref<40x128xi32, #tpu.memory_space<hbm>>
      tpu.wait_dma2 semaphore(%run_scoped3A : memref<!tpu.dma_semaphore, #tpu.memory_space<semaphore_mem>>) src(%dma_wait3A_179 : memref<40x128xi32, #tpu.memory_space<hbm>>) dst(%arg9 : memref<40x128xi32, #tpu.memory_space<vmem>>)
      tpu.yield
    }) : () -> ()
    %scan3A_99 = arith.constant 0 : i32
    %scan3A_100 = arith.constant 0 : i32
    %scan3A_101 = arith.constant 20 : i32
    %scan3A_102 = arith.addi %scan3A_100, %scan3A_101 : i32
    %scan3A_103 = arith.constant 1 : i32
    scf.for %scan3A_173 = %scan3A_100 to %scan3A_102 step %scan3A_103  : i32 {
      %mul3A_174 = arith.constant 2 : i32
      %mul3A_175 = arith.muli %scan3A_173, %mul3A_174 : i32
      %gt3A = arith.constant 0 : i32
      %gt3A_176 = arith.cmpi sgt, %scan3A_173, %gt3A : i32
      %convert_element_type3A = arith.extui %gt3A_176 : i1 to i32
      %cond3A = arith.constant 0 : i32
      %cond3A_177 = arith.cmpi ne, %convert_element_type3A, %cond3A : i32
      scf.if %cond3A_177 {
        %sub3A = arith.constant 2 : i32
        %sub3A_276 = arith.subi %mul3A_175, %sub3A : i32
        %add3A_277 = arith.constant 0 : i32
        %add3A_278 = arith.addi %sub3A_276, %add3A_277 : i32
        %dma_wait3A_279 = arith.constant 0 : i32
        %dma_wait3A_280 = arith.constant 0 : i32
        %dma_wait3A_281 = arith.constant 0 : i32
        %dma_wait3A_282 = tpu.memref_slice %arg10[%dma_wait3A_279, %dma_wait3A_280, %dma_wait3A_281] : memref<2x128x128xf32, #tpu.memory_space<vmem>> -> memref<1x128x128xf32, #tpu.memory_space<vmem>>
        %dma_wait3A_283 = tpu.memref_squeeze %dma_wait3A_282 : memref<1x128x128xf32, #tpu.memory_space<vmem>> -> memref<128x128xf32, #tpu.memory_space<vmem>>
        %dma_wait3A_284 = arith.constant 0 : i32
        %dma_wait3A_285 = tpu.memref_slice %arg9[%add3A_278, %dma_wait3A_284] : memref<40x128xi32, #tpu.memory_space<vmem>> -> memref<1x128xi32, #tpu.memory_space<vmem>>
        %dma_wait3A_286 = tpu.memref_squeeze %dma_wait3A_285 : memref<1x128xi32, #tpu.memory_space<vmem>> -> memref<128xi32, #tpu.memory_space<vmem>>
        %dma_wait3A_287 = arith.constant 0 : i32
        %dma_wait3A_288 = arith.constant 0 : i32
        %dma_wait3A_289 = tpu.memref_slice %arg7[%dma_wait3A_287, %dma_wait3A_288] : memref<10240x128xf32, #tpu.memory_space<vmem_shared>> -> memref<10240x128xf32, #tpu.memory_space<vmem_shared>>
        tpu.wait_indirect_dma semaphore(%arg13 : memref<!tpu.dma_semaphore, #tpu.memory_space<semaphore_mem>>) src(%dma_wait3A_283 : memref<128x128xf32, #tpu.memory_space<vmem>>) dst(%dma_wait3A_289 : memref<10240x128xf32, #tpu.memory_space<vmem_shared>>)
      } else {
      }
      %add3A_178 = arith.constant 0 : i32
      %add3A_179 = arith.addi %mul3A_175, %add3A_178 : i32
      %dma_start3A = arith.constant 0 : i32
      %dma_start3A_180 = arith.constant 0 : i32
      %dma_start3A_181 = arith.constant 0 : i32
      %dma_start3A_182 = tpu.memref_slice %arg10[%dma_start3A, %dma_start3A_180, %dma_start3A_181] : memref<2x128x128xf32, #tpu.memory_space<vmem>> -> memref<1x128x128xf32, #tpu.memory_space<vmem>>
      %dma_start3A_183 = tpu.memref_squeeze %dma_start3A_182 : memref<1x128x128xf32, #tpu.memory_space<vmem>> -> memref<128x128xf32, #tpu.memory_space<vmem>>
      %dma_start3A_184 = arith.constant 0 : i32
      %dma_start3A_185 = tpu.memref_slice %arg8[%add3A_179, %dma_start3A_184] : memref<40x128xi32, #tpu.memory_space<vmem>> -> memref<1x128xi32, #tpu.memory_space<vmem>>
      %dma_start3A_186 = tpu.memref_squeeze %dma_start3A_185 : memref<1x128xi32, #tpu.memory_space<vmem>> -> memref<128xi32, #tpu.memory_space<vmem>>
      %dma_start3A_187 = arith.constant 0 : i32
      %dma_start3A_188 = arith.constant 0 : i32
      %dma_start3A_189 = tpu.memref_slice %arg2[%add3A_87, %dma_start3A_187, %dma_start3A_188] : memref<4x10240x128xf32, #tpu.memory_space<hbm>> -> memref<1x10240x128xf32, #tpu.memory_space<hbm>>
      %dma_start3A_190 = tpu.memref_squeeze %dma_start3A_189 : memref<1x10240x128xf32, #tpu.memory_space<hbm>> -> memref<10240x128xf32, #tpu.memory_space<hbm>>
      %dma_start3A_191 = arith.constant 0 : i32
      %dma_start3A_192 = arith.constant 0 : i32
      %dma_start3A_193 = tpu.memref_slice %dma_start3A_190[%dma_start3A_191, %dma_start3A_192] : memref<10240x128xf32, #tpu.memory_space<hbm>> -> memref<10240x128xf32, #tpu.memory_space<hbm>>
      tpu.enqueue_indirect_dma source(%dma_start3A_193 : memref<10240x128xf32, #tpu.memory_space<hbm>>) target(%dma_start3A_183 : memref<128x128xf32, #tpu.memory_space<vmem>>) offsets(%dma_start3A_186 : memref<128xi32, #tpu.memory_space<vmem>>) semaphore(%arg11 : memref<!tpu.dma_semaphore, #tpu.memory_space<semaphore_mem>>)
      %gt3A_194 = arith.constant 0 : i32
      %gt3A_195 = arith.cmpi sgt, %scan3A_173, %gt3A_194 : i32
      %convert_element_type3A_196 = arith.extui %gt3A_195 : i1 to i32
      %cond3A_197 = arith.constant 0 : i32
      %cond3A_198 = arith.cmpi ne, %convert_element_type3A_196, %cond3A_197 : i32
      scf.if %cond3A_198 {
        %sub3A = arith.constant 2 : i32
        %sub3A_276 = arith.subi %mul3A_175, %sub3A : i32
        %add3A_277 = arith.constant 1 : i32
        %add3A_278 = arith.addi %sub3A_276, %add3A_277 : i32
        %dma_wait3A_279 = arith.constant 1 : i32
        %dma_wait3A_280 = arith.constant 0 : i32
        %dma_wait3A_281 = arith.constant 0 : i32
        %dma_wait3A_282 = tpu.memref_slice %arg10[%dma_wait3A_279, %dma_wait3A_280, %dma_wait3A_281] : memref<2x128x128xf32, #tpu.memory_space<vmem>> -> memref<1x128x128xf32, #tpu.memory_space<vmem>>
        %dma_wait3A_283 = tpu.memref_squeeze %dma_wait3A_282 : memref<1x128x128xf32, #tpu.memory_space<vmem>> -> memref<128x128xf32, #tpu.memory_space<vmem>>
        %dma_wait3A_284 = arith.constant 0 : i32
        %dma_wait3A_285 = tpu.memref_slice %arg9[%add3A_278, %dma_wait3A_284] : memref<40x128xi32, #tpu.memory_space<vmem>> -> memref<1x128xi32, #tpu.memory_space<vmem>>
        %dma_wait3A_286 = tpu.memref_squeeze %dma_wait3A_285 : memref<1x128xi32, #tpu.memory_space<vmem>> -> memref<128xi32, #tpu.memory_space<vmem>>
        %dma_wait3A_287 = arith.constant 0 : i32
        %dma_wait3A_288 = arith.constant 0 : i32
        %dma_wait3A_289 = tpu.memref_slice %arg7[%dma_wait3A_287, %dma_wait3A_288] : memref<10240x128xf32, #tpu.memory_space<vmem_shared>> -> memref<10240x128xf32, #tpu.memory_space<vmem_shared>>
        tpu.wait_indirect_dma semaphore(%arg14 : memref<!tpu.dma_semaphore, #tpu.memory_space<semaphore_mem>>) src(%dma_wait3A_283 : memref<128x128xf32, #tpu.memory_space<vmem>>) dst(%dma_wait3A_289 : memref<10240x128xf32, #tpu.memory_space<vmem_shared>>)
      } else {
      }
      %add3A_199 = arith.constant 1 : i32
      %add3A_200 = arith.addi %mul3A_175, %add3A_199 : i32
      %dma_start3A_201 = arith.constant 1 : i32
      %dma_start3A_202 = arith.constant 0 : i32
      %dma_start3A_203 = arith.constant 0 : i32
      %dma_start3A_204 = tpu.memref_slice %arg10[%dma_start3A_201, %dma_start3A_202, %dma_start3A_203] : memref<2x128x128xf32, #tpu.memory_space<vmem>> -> memref<1x128x128xf32, #tpu.memory_space<vmem>>
      %dma_start3A_205 = tpu.memref_squeeze %dma_start3A_204 : memref<1x128x128xf32, #tpu.memory_space<vmem>> -> memref<128x128xf32, #tpu.memory_space<vmem>>
      %dma_start3A_206 = arith.constant 0 : i32
      %dma_start3A_207 = tpu.memref_slice %arg8[%add3A_200, %dma_start3A_206] : memref<40x128xi32, #tpu.memory_space<vmem>> -> memref<1x128xi32, #tpu.memory_space<vmem>>
      %dma_start3A_208 = tpu.memref_squeeze %dma_start3A_207 : memref<1x128xi32, #tpu.memory_space<vmem>> -> memref<128xi32, #tpu.memory_space<vmem>>
      %dma_start3A_209 = arith.constant 0 : i32
      %dma_start3A_210 = arith.constant 0 : i32
      %dma_start3A_211 = tpu.memref_slice %arg2[%add3A_87, %dma_start3A_209, %dma_start3A_210] : memref<4x10240x128xf32, #tpu.memory_space<hbm>> -> memref<1x10240x128xf32, #tpu.memory_space<hbm>>
      %dma_start3A_212 = tpu.memref_squeeze %dma_start3A_211 : memref<1x10240x128xf32, #tpu.memory_space<hbm>> -> memref<10240x128xf32, #tpu.memory_space<hbm>>
      %dma_start3A_213 = arith.constant 0 : i32
      %dma_start3A_214 = arith.constant 0 : i32
      %dma_start3A_215 = tpu.memref_slice %dma_start3A_212[%dma_start3A_213, %dma_start3A_214] : memref<10240x128xf32, #tpu.memory_space<hbm>> -> memref<10240x128xf32, #tpu.memory_space<hbm>>
      tpu.enqueue_indirect_dma source(%dma_start3A_215 : memref<10240x128xf32, #tpu.memory_space<hbm>>) target(%dma_start3A_205 : memref<128x128xf32, #tpu.memory_space<vmem>>) offsets(%dma_start3A_208 : memref<128xi32, #tpu.memory_space<vmem>>) semaphore(%arg12 : memref<!tpu.dma_semaphore, #tpu.memory_space<semaphore_mem>>)
      %add3A_216 = arith.constant 0 : i32
      %add3A_217 = arith.addi %mul3A_175, %add3A_216 : i32
      %dma_wait3A_218 = arith.constant 0 : i32
      %dma_wait3A_219 = arith.constant 0 : i32
      %dma_wait3A_220 = arith.constant 0 : i32
      %dma_wait3A_221 = tpu.memref_slice %arg10[%dma_wait3A_218, %dma_wait3A_219, %dma_wait3A_220] : memref<2x128x128xf32, #tpu.memory_space<vmem>> -> memref<1x128x128xf32, #tpu.memory_space<vmem>>
      %dma_wait3A_222 = tpu.memref_squeeze %dma_wait3A_221 : memref<1x128x128xf32, #tpu.memory_space<vmem>> -> memref<128x128xf32, #tpu.memory_space<vmem>>
      %dma_wait3A_223 = arith.constant 0 : i32
      %dma_wait3A_224 = tpu.memref_slice %arg8[%add3A_217, %dma_wait3A_223] : memref<40x128xi32, #tpu.memory_space<vmem>> -> memref<1x128xi32, #tpu.memory_space<vmem>>
      %dma_wait3A_225 = tpu.memref_squeeze %dma_wait3A_224 : memref<1x128xi32, #tpu.memory_space<vmem>> -> memref<128xi32, #tpu.memory_space<vmem>>
      %dma_wait3A_226 = arith.constant 0 : i32
      %dma_wait3A_227 = arith.constant 0 : i32
      %dma_wait3A_228 = tpu.memref_slice %arg2[%add3A_87, %dma_wait3A_226, %dma_wait3A_227] : memref<4x10240x128xf32, #tpu.memory_space<hbm>> -> memref<1x10240x128xf32, #tpu.memory_space<hbm>>
      %dma_wait3A_229 = tpu.memref_squeeze %dma_wait3A_228 : memref<1x10240x128xf32, #tpu.memory_space<hbm>> -> memref<10240x128xf32, #tpu.memory_space<hbm>>
      %dma_wait3A_230 = arith.constant 0 : i32
      %dma_wait3A_231 = arith.constant 0 : i32
      %dma_wait3A_232 = tpu.memref_slice %dma_wait3A_229[%dma_wait3A_230, %dma_wait3A_231] : memref<10240x128xf32, #tpu.memory_space<hbm>> -> memref<10240x128xf32, #tpu.memory_space<hbm>>
      tpu.wait_indirect_dma semaphore(%arg11 : memref<!tpu.dma_semaphore, #tpu.memory_space<semaphore_mem>>) src(%dma_wait3A_232 : memref<10240x128xf32, #tpu.memory_space<hbm>>) dst(%dma_wait3A_222 : memref<128x128xf32, #tpu.memory_space<vmem>>)
      %add3A_233 = arith.constant 0 : i32
      %add3A_234 = arith.addi %mul3A_175, %add3A_233 : i32
      %dma_start3A_235 = arith.constant 0 : i32
      %dma_start3A_236 = arith.constant 0 : i32
      %dma_start3A_237 = arith.constant 0 : i32
      %dma_start3A_238 = tpu.memref_slice %arg10[%dma_start3A_235, %dma_start3A_236, %dma_start3A_237] : memref<2x128x128xf32, #tpu.memory_space<vmem>> -> memref<1x128x128xf32, #tpu.memory_space<vmem>>
      %dma_start3A_239 = tpu.memref_squeeze %dma_start3A_238 : memref<1x128x128xf32, #tpu.memory_space<vmem>> -> memref<128x128xf32, #tpu.memory_space<vmem>>
      %dma_start3A_240 = arith.constant 0 : i32
      %dma_start3A_241 = tpu.memref_slice %arg9[%add3A_234, %dma_start3A_240] : memref<40x128xi32, #tpu.memory_space<vmem>> -> memref<1x128xi32, #tpu.memory_space<vmem>>
      %dma_start3A_242 = tpu.memref_squeeze %dma_start3A_241 : memref<1x128xi32, #tpu.memory_space<vmem>> -> memref<128xi32, #tpu.memory_space<vmem>>
      %dma_start3A_243 = arith.constant 0 : i32
      %dma_start3A_244 = arith.constant 0 : i32
      %dma_start3A_245 = tpu.memref_slice %arg7[%dma_start3A_243, %dma_start3A_244] : memref<10240x128xf32, #tpu.memory_space<vmem_shared>> -> memref<10240x128xf32, #tpu.memory_space<vmem_shared>>
      tpu.enqueue_indirect_dma source(%dma_start3A_239 : memref<128x128xf32, #tpu.memory_space<vmem>>) target(%dma_start3A_245 : memref<10240x128xf32, #tpu.memory_space<vmem_shared>>) offsets(%dma_start3A_242 : memref<128xi32, #tpu.memory_space<vmem>>) semaphore(%arg13 : memref<!tpu.dma_semaphore, #tpu.memory_space<semaphore_mem>>) {add = true}
      %add3A_246 = arith.constant 1 : i32
      %add3A_247 = arith.addi %mul3A_175, %add3A_246 : i32
      %dma_wait3A_248 = arith.constant 1 : i32
      %dma_wait3A_249 = arith.constant 0 : i32
      %dma_wait3A_250 = arith.constant 0 : i32
      %dma_wait3A_251 = tpu.memref_slice %arg10[%dma_wait3A_248, %dma_wait3A_249, %dma_wait3A_250] : memref<2x128x128xf32, #tpu.memory_space<vmem>> -> memref<1x128x128xf32, #tpu.memory_space<vmem>>
      %dma_wait3A_252 = tpu.memref_squeeze %dma_wait3A_251 : memref<1x128x128xf32, #tpu.memory_space<vmem>> -> memref<128x128xf32, #tpu.memory_space<vmem>>
      %dma_wait3A_253 = arith.constant 0 : i32
      %dma_wait3A_254 = tpu.memref_slice %arg8[%add3A_247, %dma_wait3A_253] : memref<40x128xi32, #tpu.memory_space<vmem>> -> memref<1x128xi32, #tpu.memory_space<vmem>>
      %dma_wait3A_255 = tpu.memref_squeeze %dma_wait3A_254 : memref<1x128xi32, #tpu.memory_space<vmem>> -> memref<128xi32, #tpu.memory_space<vmem>>
      %dma_wait3A_256 = arith.constant 0 : i32
      %dma_wait3A_257 = arith.constant 0 : i32
      %dma_wait3A_258 = tpu.memref_slice %arg2[%add3A_87, %dma_wait3A_256, %dma_wait3A_257] : memref<4x10240x128xf32, #tpu.memory_space<hbm>> -> memref<1x10240x128xf32, #tpu.memory_space<hbm>>
      %dma_wait3A_259 = tpu.memref_squeeze %dma_wait3A_258 : memref<1x10240x128xf32, #tpu.memory_space<hbm>> -> memref<10240x128xf32, #tpu.memory_space<hbm>>
      %dma_wait3A_260 = arith.constant 0 : i32
      %dma_wait3A_261 = arith.constant 0 : i32
      %dma_wait3A_262 = tpu.memref_slice %dma_wait3A_259[%dma_wait3A_260, %dma_wait3A_261] : memref<10240x128xf32, #tpu.memory_space<hbm>> -> memref<10240x128xf32, #tpu.memory_space<hbm>>
      tpu.wait_indirect_dma semaphore(%arg12 : memref<!tpu.dma_semaphore, #tpu.memory_space<semaphore_mem>>) src(%dma_wait3A_262 : memref<10240x128xf32, #tpu.memory_space<hbm>>) dst(%dma_wait3A_252 : memref<128x128xf32, #tpu.memory_space<vmem>>)
      %add3A_263 = arith.constant 1 : i32
      %add3A_264 = arith.addi %mul3A_175, %add3A_263 : i32
      %dma_start3A_265 = arith.constant 1 : i32
      %dma_start3A_266 = arith.constant 0 : i32
      %dma_start3A_267 = arith.constant 0 : i32
      %dma_start3A_268 = tpu.memref_slice %arg10[%dma_start3A_265, %dma_start3A_266, %dma_start3A_267] : memref<2x128x128xf32, #tpu.memory_space<vmem>> -> memref<1x128x128xf32, #tpu.memory_space<vmem>>
      %dma_start3A_269 = tpu.memref_squeeze %dma_start3A_268 : memref<1x128x128xf32, #tpu.memory_space<vmem>> -> memref<128x128xf32, #tpu.memory_space<vmem>>
      %dma_start3A_270 = arith.constant 0 : i32
      %dma_start3A_271 = tpu.memref_slice %arg9[%add3A_264, %dma_start3A_270] : memref<40x128xi32, #tpu.memory_space<vmem>> -> memref<1x128xi32, #tpu.memory_space<vmem>>
      %dma_start3A_272 = tpu.memref_squeeze %dma_start3A_271 : memref<1x128xi32, #tpu.memory_space<vmem>> -> memref<128xi32, #tpu.memory_space<vmem>>
      %dma_start3A_273 = arith.constant 0 : i32
      %dma_start3A_274 = arith.constant 0 : i32
      %dma_start3A_275 = tpu.memref_slice %arg7[%dma_start3A_273, %dma_start3A_274] : memref<10240x128xf32, #tpu.memory_space<vmem_shared>> -> memref<10240x128xf32, #tpu.memory_space<vmem_shared>>
      tpu.enqueue_indirect_dma source(%dma_start3A_269 : memref<128x128xf32, #tpu.memory_space<vmem>>) target(%dma_start3A_275 : memref<10240x128xf32, #tpu.memory_space<vmem_shared>>) offsets(%dma_start3A_272 : memref<128xi32, #tpu.memory_space<vmem>>) semaphore(%arg14 : memref<!tpu.dma_semaphore, #tpu.memory_space<semaphore_mem>>) {add = true}
    }
    %scan3A_104 = arith.constant 20 : i32
    %dma_wait3A_105 = arith.constant 0 : i32
    %dma_wait3A_106 = arith.constant 38 : i32
    %dma_wait3A_107 = arith.constant 0 : i32
    %dma_wait3A_108 = arith.constant 0 : i32
    %dma_wait3A_109 = tpu.memref_slice %arg10[%dma_wait3A_105, %dma_wait3A_107, %dma_wait3A_108] : memref<2x128x128xf32, #tpu.memory_space<vmem>> -> memref<1x128x128xf32, #tpu.memory_space<vmem>>
    %dma_wait3A_110 = tpu.memref_squeeze %dma_wait3A_109 : memref<1x128x128xf32, #tpu.memory_space<vmem>> -> memref<128x128xf32, #tpu.memory_space<vmem>>
    %dma_wait3A_111 = arith.constant 0 : i32
    %dma_wait3A_112 = tpu.memref_slice %arg9[%dma_wait3A_106, %dma_wait3A_111] : memref<40x128xi32, #tpu.memory_space<vmem>> -> memref<1x128xi32, #tpu.memory_space<vmem>>
    %dma_wait3A_113 = tpu.memref_squeeze %dma_wait3A_112 : memref<1x128xi32, #tpu.memory_space<vmem>> -> memref<128xi32, #tpu.memory_space<vmem>>
    %dma_wait3A_114 = arith.constant 0 : i32
    %dma_wait3A_115 = arith.constant 0 : i32
    %dma_wait3A_116 = tpu.memref_slice %arg7[%dma_wait3A_114, %dma_wait3A_115] : memref<10240x128xf32, #tpu.memory_space<vmem_shared>> -> memref<10240x128xf32, #tpu.memory_space<vmem_shared>>
    tpu.wait_indirect_dma semaphore(%arg13 : memref<!tpu.dma_semaphore, #tpu.memory_space<semaphore_mem>>) src(%dma_wait3A_110 : memref<128x128xf32, #tpu.memory_space<vmem>>) dst(%dma_wait3A_116 : memref<10240x128xf32, #tpu.memory_space<vmem_shared>>)
    %dma_wait3A_117 = arith.constant 1 : i32
    %dma_wait3A_118 = arith.constant 39 : i32
    %dma_wait3A_119 = arith.constant 0 : i32
    %dma_wait3A_120 = arith.constant 0 : i32
    %dma_wait3A_121 = tpu.memref_slice %arg10[%dma_wait3A_117, %dma_wait3A_119, %dma_wait3A_120] : memref<2x128x128xf32, #tpu.memory_space<vmem>> -> memref<1x128x128xf32, #tpu.memory_space<vmem>>
    %dma_wait3A_122 = tpu.memref_squeeze %dma_wait3A_121 : memref<1x128x128xf32, #tpu.memory_space<vmem>> -> memref<128x128xf32, #tpu.memory_space<vmem>>
    %dma_wait3A_123 = arith.constant 0 : i32
    %dma_wait3A_124 = tpu.memref_slice %arg9[%dma_wait3A_118, %dma_wait3A_123] : memref<40x128xi32, #tpu.memory_space<vmem>> -> memref<1x128xi32, #tpu.memory_space<vmem>>
    %dma_wait3A_125 = tpu.memref_squeeze %dma_wait3A_124 : memref<1x128xi32, #tpu.memory_space<vmem>> -> memref<128xi32, #tpu.memory_space<vmem>>
    %dma_wait3A_126 = arith.constant 0 : i32
    %dma_wait3A_127 = arith.constant 0 : i32
    %dma_wait3A_128 = tpu.memref_slice %arg7[%dma_wait3A_126, %dma_wait3A_127] : memref<10240x128xf32, #tpu.memory_space<vmem_shared>> -> memref<10240x128xf32, #tpu.memory_space<vmem_shared>>
    tpu.wait_indirect_dma semaphore(%arg14 : memref<!tpu.dma_semaphore, #tpu.memory_space<semaphore_mem>>) src(%dma_wait3A_122 : memref<128x128xf32, #tpu.memory_space<vmem>>) dst(%dma_wait3A_128 : memref<10240x128xf32, #tpu.memory_space<vmem_shared>>)
    %mul3A_129 = arith.constant 80 : i32
    %mul3A_130 = arith.muli %arg1, %mul3A_129 : i32
    %add3A_131 = arith.constant 40 : i32
    %add3A_132 = arith.addi %mul3A_130, %add3A_131 : i32
    "tpu.region"() ({
      %run_scoped3A = tpu.sem_alloc : memref<!tpu.dma_semaphore, #tpu.memory_space<semaphore_mem>>
      %dma_start3A = arith.constant 0 : i32
      %dma_start3A_173 = tpu.memref_slice %arg3[%add3A_132, %dma_start3A] : memref<1280x128xi32, #tpu.memory_space<hbm>> -> memref<40x128xi32, #tpu.memory_space<hbm>>
      %dma_start3A_174 = arith.constant 0 : i32
      %dma_start3A_175 = tpu.memref_slice %arg3[%add3A_132, %dma_start3A_174] : memref<1280x128xi32, #tpu.memory_space<hbm>> -> memref<40x128xi32, #tpu.memory_space<hbm>>
      tpu.enqueue_dma source(%dma_start3A_175 : memref<40x128xi32, #tpu.memory_space<hbm>>) target(%arg8 : memref<40x128xi32, #tpu.memory_space<vmem>>) target_semaphore(%run_scoped3A : memref<!tpu.dma_semaphore, #tpu.memory_space<semaphore_mem>>)
      %dma_wait3A_176 = arith.constant 0 : i32
      %dma_wait3A_177 = tpu.memref_slice %arg3[%add3A_132, %dma_wait3A_176] : memref<1280x128xi32, #tpu.memory_space<hbm>> -> memref<40x128xi32, #tpu.memory_space<hbm>>
      %dma_wait3A_178 = arith.constant 0 : i32
      %dma_wait3A_179 = tpu.memref_slice %arg3[%add3A_132, %dma_wait3A_178] : memref<1280x128xi32, #tpu.memory_space<hbm>> -> memref<40x128xi32, #tpu.memory_space<hbm>>
      tpu.wait_dma2 semaphore(%run_scoped3A : memref<!tpu.dma_semaphore, #tpu.memory_space<semaphore_mem>>) src(%dma_wait3A_179 : memref<40x128xi32, #tpu.memory_space<hbm>>) dst(%arg8 : memref<40x128xi32, #tpu.memory_space<vmem>>)
      tpu.yield
    }) : () -> ()
    %mul3A_133 = arith.constant 80 : i32
    %mul3A_134 = arith.muli %arg1, %mul3A_133 : i32
    %add3A_135 = arith.constant 40 : i32
    %add3A_136 = arith.addi %mul3A_134, %add3A_135 : i32
    "tpu.region"() ({
      %run_scoped3A = tpu.sem_alloc : memref<!tpu.dma_semaphore, #tpu.memory_space<semaphore_mem>>
      %dma_start3A = arith.constant 0 : i32
      %dma_start3A_173 = tpu.memref_slice %arg4[%add3A_136, %dma_start3A] : memref<1280x128xi32, #tpu.memory_space<hbm>> -> memref<40x128xi32, #tpu.memory_space<hbm>>
      %dma_start3A_174 = arith.constant 0 : i32
      %dma_start3A_175 = tpu.memref_slice %arg4[%add3A_136, %dma_start3A_174] : memref<1280x128xi32, #tpu.memory_space<hbm>> -> memref<40x128xi32, #tpu.memory_space<hbm>>
      tpu.enqueue_dma source(%dma_start3A_175 : memref<40x128xi32, #tpu.memory_space<hbm>>) target(%arg9 : memref<40x128xi32, #tpu.memory_space<vmem>>) target_semaphore(%run_scoped3A : memref<!tpu.dma_semaphore, #tpu.memory_space<semaphore_mem>>)
      %dma_wait3A_176 = arith.constant 0 : i32
      %dma_wait3A_177 = tpu.memref_slice %arg4[%add3A_136, %dma_wait3A_176] : memref<1280x128xi32, #tpu.memory_space<hbm>> -> memref<40x128xi32, #tpu.memory_space<hbm>>
      %dma_wait3A_178 = arith.constant 0 : i32
      %dma_wait3A_179 = tpu.memref_slice %arg4[%add3A_136, %dma_wait3A_178] : memref<1280x128xi32, #tpu.memory_space<hbm>> -> memref<40x128xi32, #tpu.memory_space<hbm>>
      tpu.wait_dma2 semaphore(%run_scoped3A : memref<!tpu.dma_semaphore, #tpu.memory_space<semaphore_mem>>) src(%dma_wait3A_179 : memref<40x128xi32, #tpu.memory_space<hbm>>) dst(%arg9 : memref<40x128xi32, #tpu.memory_space<vmem>>)
      tpu.yield
    }) : () -> ()
    %scan3A_137 = arith.constant 0 : i32
    %scan3A_138 = arith.constant 0 : i32
    %scan3A_139 = arith.constant 20 : i32
    %scan3A_140 = arith.addi %scan3A_138, %scan3A_139 : i32
    %scan3A_141 = arith.constant 1 : i32
    scf.for %scan3A_173 = %scan3A_138 to %scan3A_140 step %scan3A_141  : i32 {
      %mul3A_174 = arith.constant 2 : i32
      %mul3A_175 = arith.muli %scan3A_173, %mul3A_174 : i32
      %gt3A = arith.constant 0 : i32
      %gt3A_176 = arith.cmpi sgt, %scan3A_173, %gt3A : i32
      %convert_element_type3A = arith.extui %gt3A_176 : i1 to i32
      %cond3A = arith.constant 0 : i32
      %cond3A_177 = arith.cmpi ne, %convert_element_type3A, %cond3A : i32
      scf.if %cond3A_177 {
        %sub3A = arith.constant 2 : i32
        %sub3A_276 = arith.subi %mul3A_175, %sub3A : i32
        %add3A_277 = arith.constant 0 : i32
        %add3A_278 = arith.addi %sub3A_276, %add3A_277 : i32
        %dma_wait3A_279 = arith.constant 0 : i32
        %dma_wait3A_280 = arith.constant 0 : i32
        %dma_wait3A_281 = arith.constant 0 : i32
        %dma_wait3A_282 = tpu.memref_slice %arg10[%dma_wait3A_279, %dma_wait3A_280, %dma_wait3A_281] : memref<2x128x128xf32, #tpu.memory_space<vmem>> -> memref<1x128x128xf32, #tpu.memory_space<vmem>>
        %dma_wait3A_283 = tpu.memref_squeeze %dma_wait3A_282 : memref<1x128x128xf32, #tpu.memory_space<vmem>> -> memref<128x128xf32, #tpu.memory_space<vmem>>
        %dma_wait3A_284 = arith.constant 0 : i32
        %dma_wait3A_285 = tpu.memref_slice %arg9[%add3A_278, %dma_wait3A_284] : memref<40x128xi32, #tpu.memory_space<vmem>> -> memref<1x128xi32, #tpu.memory_space<vmem>>
        %dma_wait3A_286 = tpu.memref_squeeze %dma_wait3A_285 : memref<1x128xi32, #tpu.memory_space<vmem>> -> memref<128xi32, #tpu.memory_space<vmem>>
        %dma_wait3A_287 = arith.constant 0 : i32
        %dma_wait3A_288 = arith.constant 0 : i32
        %dma_wait3A_289 = tpu.memref_slice %arg7[%dma_wait3A_287, %dma_wait3A_288] : memref<10240x128xf32, #tpu.memory_space<vmem_shared>> -> memref<10240x128xf32, #tpu.memory_space<vmem_shared>>
        tpu.wait_indirect_dma semaphore(%arg13 : memref<!tpu.dma_semaphore, #tpu.memory_space<semaphore_mem>>) src(%dma_wait3A_283 : memref<128x128xf32, #tpu.memory_space<vmem>>) dst(%dma_wait3A_289 : memref<10240x128xf32, #tpu.memory_space<vmem_shared>>)
      } else {
      }
      %add3A_178 = arith.constant 0 : i32
      %add3A_179 = arith.addi %mul3A_175, %add3A_178 : i32
      %dma_start3A = arith.constant 0 : i32
      %dma_start3A_180 = arith.constant 0 : i32
      %dma_start3A_181 = arith.constant 0 : i32
      %dma_start3A_182 = tpu.memref_slice %arg10[%dma_start3A, %dma_start3A_180, %dma_start3A_181] : memref<2x128x128xf32, #tpu.memory_space<vmem>> -> memref<1x128x128xf32, #tpu.memory_space<vmem>>
      %dma_start3A_183 = tpu.memref_squeeze %dma_start3A_182 : memref<1x128x128xf32, #tpu.memory_space<vmem>> -> memref<128x128xf32, #tpu.memory_space<vmem>>
      %dma_start3A_184 = arith.constant 0 : i32
      %dma_start3A_185 = tpu.memref_slice %arg8[%add3A_179, %dma_start3A_184] : memref<40x128xi32, #tpu.memory_space<vmem>> -> memref<1x128xi32, #tpu.memory_space<vmem>>
      %dma_start3A_186 = tpu.memref_squeeze %dma_start3A_185 : memref<1x128xi32, #tpu.memory_space<vmem>> -> memref<128xi32, #tpu.memory_space<vmem>>
      %dma_start3A_187 = arith.constant 0 : i32
      %dma_start3A_188 = arith.constant 0 : i32
      %dma_start3A_189 = tpu.memref_slice %arg2[%add3A_87, %dma_start3A_187, %dma_start3A_188] : memref<4x10240x128xf32, #tpu.memory_space<hbm>> -> memref<1x10240x128xf32, #tpu.memory_space<hbm>>
      %dma_start3A_190 = tpu.memref_squeeze %dma_start3A_189 : memref<1x10240x128xf32, #tpu.memory_space<hbm>> -> memref<10240x128xf32, #tpu.memory_space<hbm>>
      %dma_start3A_191 = arith.constant 0 : i32
      %dma_start3A_192 = arith.constant 0 : i32
      %dma_start3A_193 = tpu.memref_slice %dma_start3A_190[%dma_start3A_191, %dma_start3A_192] : memref<10240x128xf32, #tpu.memory_space<hbm>> -> memref<10240x128xf32, #tpu.memory_space<hbm>>
      tpu.enqueue_indirect_dma source(%dma_start3A_193 : memref<10240x128xf32, #tpu.memory_space<hbm>>) target(%dma_start3A_183 : memref<128x128xf32, #tpu.memory_space<vmem>>) offsets(%dma_start3A_186 : memref<128xi32, #tpu.memory_space<vmem>>) semaphore(%arg11 : memref<!tpu.dma_semaphore, #tpu.memory_space<semaphore_mem>>)
      %gt3A_194 = arith.constant 0 : i32
      %gt3A_195 = arith.cmpi sgt, %scan3A_173, %gt3A_194 : i32
      %convert_element_type3A_196 = arith.extui %gt3A_195 : i1 to i32
      %cond3A_197 = arith.constant 0 : i32
      %cond3A_198 = arith.cmpi ne, %convert_element_type3A_196, %cond3A_197 : i32
      scf.if %cond3A_198 {
        %sub3A = arith.constant 2 : i32
        %sub3A_276 = arith.subi %mul3A_175, %sub3A : i32
        %add3A_277 = arith.constant 1 : i32
        %add3A_278 = arith.addi %sub3A_276, %add3A_277 : i32
        %dma_wait3A_279 = arith.constant 1 : i32
        %dma_wait3A_280 = arith.constant 0 : i32
        %dma_wait3A_281 = arith.constant 0 : i32
        %dma_wait3A_282 = tpu.memref_slice %arg10[%dma_wait3A_279, %dma_wait3A_280, %dma_wait3A_281] : memref<2x128x128xf32, #tpu.memory_space<vmem>> -> memref<1x128x128xf32, #tpu.memory_space<vmem>>
        %dma_wait3A_283 = tpu.memref_squeeze %dma_wait3A_282 : memref<1x128x128xf32, #tpu.memory_space<vmem>> -> memref<128x128xf32, #tpu.memory_space<vmem>>
        %dma_wait3A_284 = arith.constant 0 : i32
        %dma_wait3A_285 = tpu.memref_slice %arg9[%add3A_278, %dma_wait3A_284] : memref<40x128xi32, #tpu.memory_space<vmem>> -> memref<1x128xi32, #tpu.memory_space<vmem>>
        %dma_wait3A_286 = tpu.memref_squeeze %dma_wait3A_285 : memref<1x128xi32, #tpu.memory_space<vmem>> -> memref<128xi32, #tpu.memory_space<vmem>>
        %dma_wait3A_287 = arith.constant 0 : i32
        %dma_wait3A_288 = arith.constant 0 : i32
        %dma_wait3A_289 = tpu.memref_slice %arg7[%dma_wait3A_287, %dma_wait3A_288] : memref<10240x128xf32, #tpu.memory_space<vmem_shared>> -> memref<10240x128xf32, #tpu.memory_space<vmem_shared>>
        tpu.wait_indirect_dma semaphore(%arg14 : memref<!tpu.dma_semaphore, #tpu.memory_space<semaphore_mem>>) src(%dma_wait3A_283 : memref<128x128xf32, #tpu.memory_space<vmem>>) dst(%dma_wait3A_289 : memref<10240x128xf32, #tpu.memory_space<vmem_shared>>)
      } else {
      }
      %add3A_199 = arith.constant 1 : i32
      %add3A_200 = arith.addi %mul3A_175, %add3A_199 : i32
      %dma_start3A_201 = arith.constant 1 : i32
      %dma_start3A_202 = arith.constant 0 : i32
      %dma_start3A_203 = arith.constant 0 : i32
      %dma_start3A_204 = tpu.memref_slice %arg10[%dma_start3A_201, %dma_start3A_202, %dma_start3A_203] : memref<2x128x128xf32, #tpu.memory_space<vmem>> -> memref<1x128x128xf32, #tpu.memory_space<vmem>>
      %dma_start3A_205 = tpu.memref_squeeze %dma_start3A_204 : memref<1x128x128xf32, #tpu.memory_space<vmem>> -> memref<128x128xf32, #tpu.memory_space<vmem>>
      %dma_start3A_206 = arith.constant 0 : i32
      %dma_start3A_207 = tpu.memref_slice %arg8[%add3A_200, %dma_start3A_206] : memref<40x128xi32, #tpu.memory_space<vmem>> -> memref<1x128xi32, #tpu.memory_space<vmem>>
      %dma_start3A_208 = tpu.memref_squeeze %dma_start3A_207 : memref<1x128xi32, #tpu.memory_space<vmem>> -> memref<128xi32, #tpu.memory_space<vmem>>
      %dma_start3A_209 = arith.constant 0 : i32
      %dma_start3A_210 = arith.constant 0 : i32
      %dma_start3A_211 = tpu.memref_slice %arg2[%add3A_87, %dma_start3A_209, %dma_start3A_210] : memref<4x10240x128xf32, #tpu.memory_space<hbm>> -> memref<1x10240x128xf32, #tpu.memory_space<hbm>>
      %dma_start3A_212 = tpu.memref_squeeze %dma_start3A_211 : memref<1x10240x128xf32, #tpu.memory_space<hbm>> -> memref<10240x128xf32, #tpu.memory_space<hbm>>
      %dma_start3A_213 = arith.constant 0 : i32
      %dma_start3A_214 = arith.constant 0 : i32
      %dma_start3A_215 = tpu.memref_slice %dma_start3A_212[%dma_start3A_213, %dma_start3A_214] : memref<10240x128xf32, #tpu.memory_space<hbm>> -> memref<10240x128xf32, #tpu.memory_space<hbm>>
      tpu.enqueue_indirect_dma source(%dma_start3A_215 : memref<10240x128xf32, #tpu.memory_space<hbm>>) target(%dma_start3A_205 : memref<128x128xf32, #tpu.memory_space<vmem>>) offsets(%dma_start3A_208 : memref<128xi32, #tpu.memory_space<vmem>>) semaphore(%arg12 : memref<!tpu.dma_semaphore, #tpu.memory_space<semaphore_mem>>)
      %add3A_216 = arith.constant 0 : i32
      %add3A_217 = arith.addi %mul3A_175, %add3A_216 : i32
      %dma_wait3A_218 = arith.constant 0 : i32
      %dma_wait3A_219 = arith.constant 0 : i32
      %dma_wait3A_220 = arith.constant 0 : i32
      %dma_wait3A_221 = tpu.memref_slice %arg10[%dma_wait3A_218, %dma_wait3A_219, %dma_wait3A_220] : memref<2x128x128xf32, #tpu.memory_space<vmem>> -> memref<1x128x128xf32, #tpu.memory_space<vmem>>
      %dma_wait3A_222 = tpu.memref_squeeze %dma_wait3A_221 : memref<1x128x128xf32, #tpu.memory_space<vmem>> -> memref<128x128xf32, #tpu.memory_space<vmem>>
      %dma_wait3A_223 = arith.constant 0 : i32
      %dma_wait3A_224 = tpu.memref_slice %arg8[%add3A_217, %dma_wait3A_223] : memref<40x128xi32, #tpu.memory_space<vmem>> -> memref<1x128xi32, #tpu.memory_space<vmem>>
      %dma_wait3A_225 = tpu.memref_squeeze %dma_wait3A_224 : memref<1x128xi32, #tpu.memory_space<vmem>> -> memref<128xi32, #tpu.memory_space<vmem>>
      %dma_wait3A_226 = arith.constant 0 : i32
      %dma_wait3A_227 = arith.constant 0 : i32
      %dma_wait3A_228 = tpu.memref_slice %arg2[%add3A_87, %dma_wait3A_226, %dma_wait3A_227] : memref<4x10240x128xf32, #tpu.memory_space<hbm>> -> memref<1x10240x128xf32, #tpu.memory_space<hbm>>
      %dma_wait3A_229 = tpu.memref_squeeze %dma_wait3A_228 : memref<1x10240x128xf32, #tpu.memory_space<hbm>> -> memref<10240x128xf32, #tpu.memory_space<hbm>>
      %dma_wait3A_230 = arith.constant 0 : i32
      %dma_wait3A_231 = arith.constant 0 : i32
      %dma_wait3A_232 = tpu.memref_slice %dma_wait3A_229[%dma_wait3A_230, %dma_wait3A_231] : memref<10240x128xf32, #tpu.memory_space<hbm>> -> memref<10240x128xf32, #tpu.memory_space<hbm>>
      tpu.wait_indirect_dma semaphore(%arg11 : memref<!tpu.dma_semaphore, #tpu.memory_space<semaphore_mem>>) src(%dma_wait3A_232 : memref<10240x128xf32, #tpu.memory_space<hbm>>) dst(%dma_wait3A_222 : memref<128x128xf32, #tpu.memory_space<vmem>>)
      %add3A_233 = arith.constant 0 : i32
      %add3A_234 = arith.addi %mul3A_175, %add3A_233 : i32
      %dma_start3A_235 = arith.constant 0 : i32
      %dma_start3A_236 = arith.constant 0 : i32
      %dma_start3A_237 = arith.constant 0 : i32
      %dma_start3A_238 = tpu.memref_slice %arg10[%dma_start3A_235, %dma_start3A_236, %dma_start3A_237] : memref<2x128x128xf32, #tpu.memory_space<vmem>> -> memref<1x128x128xf32, #tpu.memory_space<vmem>>
      %dma_start3A_239 = tpu.memref_squeeze %dma_start3A_238 : memref<1x128x128xf32, #tpu.memory_space<vmem>> -> memref<128x128xf32, #tpu.memory_space<vmem>>
      %dma_start3A_240 = arith.constant 0 : i32
      %dma_start3A_241 = tpu.memref_slice %arg9[%add3A_234, %dma_start3A_240] : memref<40x128xi32, #tpu.memory_space<vmem>> -> memref<1x128xi32, #tpu.memory_space<vmem>>
      %dma_start3A_242 = tpu.memref_squeeze %dma_start3A_241 : memref<1x128xi32, #tpu.memory_space<vmem>> -> memref<128xi32, #tpu.memory_space<vmem>>
      %dma_start3A_243 = arith.constant 0 : i32
      %dma_start3A_244 = arith.constant 0 : i32
      %dma_start3A_245 = tpu.memref_slice %arg7[%dma_start3A_243, %dma_start3A_244] : memref<10240x128xf32, #tpu.memory_space<vmem_shared>> -> memref<10240x128xf32, #tpu.memory_space<vmem_shared>>
      tpu.enqueue_indirect_dma source(%dma_start3A_239 : memref<128x128xf32, #tpu.memory_space<vmem>>) target(%dma_start3A_245 : memref<10240x128xf32, #tpu.memory_space<vmem_shared>>) offsets(%dma_start3A_242 : memref<128xi32, #tpu.memory_space<vmem>>) semaphore(%arg13 : memref<!tpu.dma_semaphore, #tpu.memory_space<semaphore_mem>>) {add = true}
      %add3A_246 = arith.constant 1 : i32
      %add3A_247 = arith.addi %mul3A_175, %add3A_246 : i32
      %dma_wait3A_248 = arith.constant 1 : i32
      %dma_wait3A_249 = arith.constant 0 : i32
      %dma_wait3A_250 = arith.constant 0 : i32
      %dma_wait3A_251 = tpu.memref_slice %arg10[%dma_wait3A_248, %dma_wait3A_249, %dma_wait3A_250] : memref<2x128x128xf32, #tpu.memory_space<vmem>> -> memref<1x128x128xf32, #tpu.memory_space<vmem>>
      %dma_wait3A_252 = tpu.memref_squeeze %dma_wait3A_251 : memref<1x128x128xf32, #tpu.memory_space<vmem>> -> memref<128x128xf32, #tpu.memory_space<vmem>>
      %dma_wait3A_253 = arith.constant 0 : i32
      %dma_wait3A_254 = tpu.memref_slice %arg8[%add3A_247, %dma_wait3A_253] : memref<40x128xi32, #tpu.memory_space<vmem>> -> memref<1x128xi32, #tpu.memory_space<vmem>>
      %dma_wait3A_255 = tpu.memref_squeeze %dma_wait3A_254 : memref<1x128xi32, #tpu.memory_space<vmem>> -> memref<128xi32, #tpu.memory_space<vmem>>
      %dma_wait3A_256 = arith.constant 0 : i32
      %dma_wait3A_257 = arith.constant 0 : i32
      %dma_wait3A_258 = tpu.memref_slice %arg2[%add3A_87, %dma_wait3A_256, %dma_wait3A_257] : memref<4x10240x128xf32, #tpu.memory_space<hbm>> -> memref<1x10240x128xf32, #tpu.memory_space<hbm>>
      %dma_wait3A_259 = tpu.memref_squeeze %dma_wait3A_258 : memref<1x10240x128xf32, #tpu.memory_space<hbm>> -> memref<10240x128xf32, #tpu.memory_space<hbm>>
      %dma_wait3A_260 = arith.constant 0 : i32
      %dma_wait3A_261 = arith.constant 0 : i32
      %dma_wait3A_262 = tpu.memref_slice %dma_wait3A_259[%dma_wait3A_260, %dma_wait3A_261] : memref<10240x128xf32, #tpu.memory_space<hbm>> -> memref<10240x128xf32, #tpu.memory_space<hbm>>
      tpu.wait_indirect_dma semaphore(%arg12 : memref<!tpu.dma_semaphore, #tpu.memory_space<semaphore_mem>>) src(%dma_wait3A_262 : memref<10240x128xf32, #tpu.memory_space<hbm>>) dst(%dma_wait3A_252 : memref<128x128xf32, #tpu.memory_space<vmem>>)
      %add3A_263 = arith.constant 1 : i32
      %add3A_264 = arith.addi %mul3A_175, %add3A_263 : i32
      %dma_start3A_265 = arith.constant 1 : i32
      %dma_start3A_266 = arith.constant 0 : i32
      %dma_start3A_267 = arith.constant 0 : i32
      %dma_start3A_268 = tpu.memref_slice %arg10[%dma_start3A_265, %dma_start3A_266, %dma_start3A_267] : memref<2x128x128xf32, #tpu.memory_space<vmem>> -> memref<1x128x128xf32, #tpu.memory_space<vmem>>
      %dma_start3A_269 = tpu.memref_squeeze %dma_start3A_268 : memref<1x128x128xf32, #tpu.memory_space<vmem>> -> memref<128x128xf32, #tpu.memory_space<vmem>>
      %dma_start3A_270 = arith.constant 0 : i32
      %dma_start3A_271 = tpu.memref_slice %arg9[%add3A_264, %dma_start3A_270] : memref<40x128xi32, #tpu.memory_space<vmem>> -> memref<1x128xi32, #tpu.memory_space<vmem>>
      %dma_start3A_272 = tpu.memref_squeeze %dma_start3A_271 : memref<1x128xi32, #tpu.memory_space<vmem>> -> memref<128xi32, #tpu.memory_space<vmem>>
      %dma_start3A_273 = arith.constant 0 : i32
      %dma_start3A_274 = arith.constant 0 : i32
      %dma_start3A_275 = tpu.memref_slice %arg7[%dma_start3A_273, %dma_start3A_274] : memref<10240x128xf32, #tpu.memory_space<vmem_shared>> -> memref<10240x128xf32, #tpu.memory_space<vmem_shared>>
      tpu.enqueue_indirect_dma source(%dma_start3A_269 : memref<128x128xf32, #tpu.memory_space<vmem>>) target(%dma_start3A_275 : memref<10240x128xf32, #tpu.memory_space<vmem_shared>>) offsets(%dma_start3A_272 : memref<128xi32, #tpu.memory_space<vmem>>) semaphore(%arg14 : memref<!tpu.dma_semaphore, #tpu.memory_space<semaphore_mem>>) {add = true}
    }
    %scan3A_142 = arith.constant 20 : i32
    %dma_wait3A_143 = arith.constant 0 : i32
    %dma_wait3A_144 = arith.constant 38 : i32
    %dma_wait3A_145 = arith.constant 0 : i32
    %dma_wait3A_146 = arith.constant 0 : i32
    %dma_wait3A_147 = tpu.memref_slice %arg10[%dma_wait3A_143, %dma_wait3A_145, %dma_wait3A_146] : memref<2x128x128xf32, #tpu.memory_space<vmem>> -> memref<1x128x128xf32, #tpu.memory_space<vmem>>
    %dma_wait3A_148 = tpu.memref_squeeze %dma_wait3A_147 : memref<1x128x128xf32, #tpu.memory_space<vmem>> -> memref<128x128xf32, #tpu.memory_space<vmem>>
    %dma_wait3A_149 = arith.constant 0 : i32
    %dma_wait3A_150 = tpu.memref_slice %arg9[%dma_wait3A_144, %dma_wait3A_149] : memref<40x128xi32, #tpu.memory_space<vmem>> -> memref<1x128xi32, #tpu.memory_space<vmem>>
    %dma_wait3A_151 = tpu.memref_squeeze %dma_wait3A_150 : memref<1x128xi32, #tpu.memory_space<vmem>> -> memref<128xi32, #tpu.memory_space<vmem>>
    %dma_wait3A_152 = arith.constant 0 : i32
    %dma_wait3A_153 = arith.constant 0 : i32
    %dma_wait3A_154 = tpu.memref_slice %arg7[%dma_wait3A_152, %dma_wait3A_153] : memref<10240x128xf32, #tpu.memory_space<vmem_shared>> -> memref<10240x128xf32, #tpu.memory_space<vmem_shared>>
    tpu.wait_indirect_dma semaphore(%arg13 : memref<!tpu.dma_semaphore, #tpu.memory_space<semaphore_mem>>) src(%dma_wait3A_148 : memref<128x128xf32, #tpu.memory_space<vmem>>) dst(%dma_wait3A_154 : memref<10240x128xf32, #tpu.memory_space<vmem_shared>>)
    %dma_wait3A_155 = arith.constant 1 : i32
    %dma_wait3A_156 = arith.constant 39 : i32
    %dma_wait3A_157 = arith.constant 0 : i32
    %dma_wait3A_158 = arith.constant 0 : i32
    %dma_wait3A_159 = tpu.memref_slice %arg10[%dma_wait3A_155, %dma_wait3A_157, %dma_wait3A_158] : memref<2x128x128xf32, #tpu.memory_space<vmem>> -> memref<1x128x128xf32, #tpu.memory_space<vmem>>
    %dma_wait3A_160 = tpu.memref_squeeze %dma_wait3A_159 : memref<1x128x128xf32, #tpu.memory_space<vmem>> -> memref<128x128xf32, #tpu.memory_space<vmem>>
    %dma_wait3A_161 = arith.constant 0 : i32
    %dma_wait3A_162 = tpu.memref_slice %arg9[%dma_wait3A_156, %dma_wait3A_161] : memref<40x128xi32, #tpu.memory_space<vmem>> -> memref<1x128xi32, #tpu.memory_space<vmem>>
    %dma_wait3A_163 = tpu.memref_squeeze %dma_wait3A_162 : memref<1x128xi32, #tpu.memory_space<vmem>> -> memref<128xi32, #tpu.memory_space<vmem>>
    %dma_wait3A_164 = arith.constant 0 : i32
    %dma_wait3A_165 = arith.constant 0 : i32
    %dma_wait3A_166 = tpu.memref_slice %arg7[%dma_wait3A_164, %dma_wait3A_165] : memref<10240x128xf32, #tpu.memory_space<vmem_shared>> -> memref<10240x128xf32, #tpu.memory_space<vmem_shared>>
    tpu.wait_indirect_dma semaphore(%arg14 : memref<!tpu.dma_semaphore, #tpu.memory_space<semaphore_mem>>) src(%dma_wait3A_160 : memref<128x128xf32, #tpu.memory_space<vmem>>) dst(%dma_wait3A_166 : memref<10240x128xf32, #tpu.memory_space<vmem_shared>>)
    %barrier3A_167 = arith.constant 0 : index
    tpu.barrier barrier_id(%barrier3A_167)
    %mul3A_168 = arith.constant 640 : i32
    %mul3A_169 = arith.muli %arg1, %mul3A_168 : i32
    %mul3A_170 = arith.constant 640 : i32
    %mul3A_171 = arith.muli %arg1, %mul3A_170 : i32
    "tpu.region"() ({
      %run_scoped3A = tpu.sem_alloc : memref<!tpu.dma_semaphore, #tpu.memory_space<semaphore_mem>>
      %dma_start3A = arith.constant 0 : i32
      %dma_start3A_173 = arith.constant 0 : i32
      %dma_start3A_174 = tpu.memref_slice %arg6[%add3A_87, %dma_start3A, %dma_start3A_173] : memref<4x10240x128xf32, #tpu.memory_space<hbm>> -> memref<1x10240x128xf32, #tpu.memory_space<hbm>>
      %dma_start3A_175 = tpu.memref_squeeze %dma_start3A_174 : memref<1x10240x128xf32, #tpu.memory_space<hbm>> -> memref<10240x128xf32, #tpu.memory_space<hbm>>
      %dma_start3A_176 = arith.constant 0 : i32
      %dma_start3A_177 = tpu.memref_slice %dma_start3A_175[%mul3A_171, %dma_start3A_176] : memref<10240x128xf32, #tpu.memory_space<hbm>> -> memref<640x128xf32, #tpu.memory_space<hbm>>
      %dma_start3A_178 = arith.constant 0 : i32
      %dma_start3A_179 = tpu.memref_slice %arg7[%mul3A_169, %dma_start3A_178] : memref<10240x128xf32, #tpu.memory_space<vmem_shared>> -> memref<640x128xf32, #tpu.memory_space<vmem_shared>>
      tpu.enqueue_dma source(%dma_start3A_179 : memref<640x128xf32, #tpu.memory_space<vmem_shared>>) target(%dma_start3A_177 : memref<640x128xf32, #tpu.memory_space<hbm>>) target_semaphore(%run_scoped3A : memref<!tpu.dma_semaphore, #tpu.memory_space<semaphore_mem>>)
      %dma_wait3A_180 = arith.constant 0 : i32
      %dma_wait3A_181 = arith.constant 0 : i32
      %dma_wait3A_182 = tpu.memref_slice %arg6[%add3A_87, %dma_wait3A_180, %dma_wait3A_181] : memref<4x10240x128xf32, #tpu.memory_space<hbm>> -> memref<1x10240x128xf32, #tpu.memory_space<hbm>>
      %dma_wait3A_183 = tpu.memref_squeeze %dma_wait3A_182 : memref<1x10240x128xf32, #tpu.memory_space<hbm>> -> memref<10240x128xf32, #tpu.memory_space<hbm>>
      %dma_wait3A_184 = arith.constant 0 : i32
      %dma_wait3A_185 = tpu.memref_slice %dma_wait3A_183[%mul3A_171, %dma_wait3A_184] : memref<10240x128xf32, #tpu.memory_space<hbm>> -> memref<640x128xf32, #tpu.memory_space<hbm>>
      %dma_wait3A_186 = arith.constant 0 : i32
      %dma_wait3A_187 = tpu.memref_slice %arg7[%mul3A_169, %dma_wait3A_186] : memref<10240x128xf32, #tpu.memory_space<vmem_shared>> -> memref<640x128xf32, #tpu.memory_space<vmem_shared>>
      tpu.wait_dma2 semaphore(%run_scoped3A : memref<!tpu.dma_semaphore, #tpu.memory_space<semaphore_mem>>) src(%dma_wait3A_187 : memref<640x128xf32, #tpu.memory_space<vmem_shared>>) dst(%dma_wait3A_185 : memref<640x128xf32, #tpu.memory_space<hbm>>)
      tpu.yield
    }) : () -> ()
    %barrier3A_172 = arith.constant 0 : index
    tpu.barrier barrier_id(%barrier3A_172)
    return
  }
}

#map = affine_map<(d0, d1) -> (0, 0, 0)>
#map1 = affine_map<(d0, d1) -> (0, 0)>
module attributes {stable_mosaic.version = 14 : i64} {
  func.func @body(%arg0: i32, %arg1: i32, %arg2: memref<2x10240x128xf32, #tpu.memory_space<hbm>>, %arg3: memref<1280x128xi32, #tpu.memory_space<hbm>>, %arg4: memref<1280x128xi32, #tpu.memory_space<hbm>>, %arg5: memref<640x128xf32, #tpu.memory_space<hbm>>, %arg6: memref<2x10240x128xf32, #tpu.memory_space<hbm>>, %arg7: memref<10240x128xf32, #tpu.memory_space<vmem_shared>>, %arg8: memref<40x128xi32, #tpu.memory_space<vmem>>, %arg9: memref<40x128xi32, #tpu.memory_space<vmem>>, %arg10: memref<2x128x128xf32, #tpu.memory_space<vmem>>, %arg11: memref<!tpu.dma_semaphore, #tpu.memory_space<semaphore_mem>>, %arg12: memref<!tpu.dma_semaphore, #tpu.memory_space<semaphore_mem>>, %arg13: memref<!tpu.dma_semaphore, #tpu.memory_space<semaphore_mem>>, %arg14: memref<!tpu.dma_semaphore, #tpu.memory_space<semaphore_mem>>) attributes {dimension_semantics = [#tpu.dimension_semantics<core_parallel>, #tpu.dimension_semantics<subcore_parallel>], iteration_bounds = array<i64: 2, 16>, scalar_prefetch = 0 : i64, scratch_operands = 8 : i64, tpu.core_type = #tpu.core_type<sc_vector_subcore>, window_params = [{transform_indices = #map}, {transform_indices = #map1}, {transform_indices = #map1}, {transform_indices = #map1}, {transform_indices = #map}]} {
    %mul3A = arith.constant 1 : i32
    %mul3A_0 = arith.muli %arg0, %mul3A : i32
    %add3A = arith.constant 0 : i32
    %add3A_1 = arith.addi %mul3A_0, %add3A : i32
    %mul3A_2 = arith.constant 640 : i32
    %mul3A_3 = arith.muli %arg1, %mul3A_2 : i32
    "tpu.region"() ({
      %run_scoped3A = tpu.sem_alloc : memref<!tpu.dma_semaphore, #tpu.memory_space<semaphore_mem>>
      %dma_start3A = arith.constant 0 : i32
      %dma_start3A_84 = tpu.memref_slice %arg7[%mul3A_3, %dma_start3A] : memref<10240x128xf32, #tpu.memory_space<vmem_shared>> -> memref<640x128xf32, #tpu.memory_space<vmem_shared>>
      tpu.enqueue_dma source(%arg5 : memref<640x128xf32, #tpu.memory_space<hbm>>) target(%dma_start3A_84 : memref<640x128xf32, #tpu.memory_space<vmem_shared>>) target_semaphore(%run_scoped3A : memref<!tpu.dma_semaphore, #tpu.memory_space<semaphore_mem>>)
      %dma_wait3A_85 = arith.constant 0 : i32
      %dma_wait3A_86 = tpu.memref_slice %arg7[%mul3A_3, %dma_wait3A_85] : memref<10240x128xf32, #tpu.memory_space<vmem_shared>> -> memref<640x128xf32, #tpu.memory_space<vmem_shared>>
      tpu.wait_dma2 semaphore(%run_scoped3A : memref<!tpu.dma_semaphore, #tpu.memory_space<semaphore_mem>>) src(%arg5 : memref<640x128xf32, #tpu.memory_space<hbm>>) dst(%dma_wait3A_86 : memref<640x128xf32, #tpu.memory_space<vmem_shared>>)
      tpu.yield
    }) : () -> ()
    %barrier3A = arith.constant 0 : index
    tpu.barrier barrier_id(%barrier3A)
    %mul3A_4 = arith.constant 80 : i32
    %mul3A_5 = arith.muli %arg1, %mul3A_4 : i32
    %add3A_6 = arith.constant 0 : i32
    %add3A_7 = arith.addi %mul3A_5, %add3A_6 : i32
    "tpu.region"() ({
      %run_scoped3A = tpu.sem_alloc : memref<!tpu.dma_semaphore, #tpu.memory_space<semaphore_mem>>
      %dma_start3A = arith.constant 0 : i32
      %dma_start3A_84 = tpu.memref_slice %arg3[%add3A_7, %dma_start3A] : memref<1280x128xi32, #tpu.memory_space<hbm>> -> memref<40x128xi32, #tpu.memory_space<hbm>>
      %dma_start3A_85 = arith.constant 0 : i32
      %dma_start3A_86 = tpu.memref_slice %arg3[%add3A_7, %dma_start3A_85] : memref<1280x128xi32, #tpu.memory_space<hbm>> -> memref<40x128xi32, #tpu.memory_space<hbm>>
      tpu.enqueue_dma source(%dma_start3A_86 : memref<40x128xi32, #tpu.memory_space<hbm>>) target(%arg8 : memref<40x128xi32, #tpu.memory_space<vmem>>) target_semaphore(%run_scoped3A : memref<!tpu.dma_semaphore, #tpu.memory_space<semaphore_mem>>)
      %dma_wait3A_87 = arith.constant 0 : i32
      %dma_wait3A_88 = tpu.memref_slice %arg3[%add3A_7, %dma_wait3A_87] : memref<1280x128xi32, #tpu.memory_space<hbm>> -> memref<40x128xi32, #tpu.memory_space<hbm>>
      %dma_wait3A_89 = arith.constant 0 : i32
      %dma_wait3A_90 = tpu.memref_slice %arg3[%add3A_7, %dma_wait3A_89] : memref<1280x128xi32, #tpu.memory_space<hbm>> -> memref<40x128xi32, #tpu.memory_space<hbm>>
      tpu.wait_dma2 semaphore(%run_scoped3A : memref<!tpu.dma_semaphore, #tpu.memory_space<semaphore_mem>>) src(%dma_wait3A_90 : memref<40x128xi32, #tpu.memory_space<hbm>>) dst(%arg8 : memref<40x128xi32, #tpu.memory_space<vmem>>)
      tpu.yield
    }) : () -> ()
    %mul3A_8 = arith.constant 80 : i32
    %mul3A_9 = arith.muli %arg1, %mul3A_8 : i32
    %add3A_10 = arith.constant 0 : i32
    %add3A_11 = arith.addi %mul3A_9, %add3A_10 : i32
    "tpu.region"() ({
      %run_scoped3A = tpu.sem_alloc : memref<!tpu.dma_semaphore, #tpu.memory_space<semaphore_mem>>
      %dma_start3A = arith.constant 0 : i32
      %dma_start3A_84 = tpu.memref_slice %arg4[%add3A_11, %dma_start3A] : memref<1280x128xi32, #tpu.memory_space<hbm>> -> memref<40x128xi32, #tpu.memory_space<hbm>>
      %dma_start3A_85 = arith.constant 0 : i32
      %dma_start3A_86 = tpu.memref_slice %arg4[%add3A_11, %dma_start3A_85] : memref<1280x128xi32, #tpu.memory_space<hbm>> -> memref<40x128xi32, #tpu.memory_space<hbm>>
      tpu.enqueue_dma source(%dma_start3A_86 : memref<40x128xi32, #tpu.memory_space<hbm>>) target(%arg9 : memref<40x128xi32, #tpu.memory_space<vmem>>) target_semaphore(%run_scoped3A : memref<!tpu.dma_semaphore, #tpu.memory_space<semaphore_mem>>)
      %dma_wait3A_87 = arith.constant 0 : i32
      %dma_wait3A_88 = tpu.memref_slice %arg4[%add3A_11, %dma_wait3A_87] : memref<1280x128xi32, #tpu.memory_space<hbm>> -> memref<40x128xi32, #tpu.memory_space<hbm>>
      %dma_wait3A_89 = arith.constant 0 : i32
      %dma_wait3A_90 = tpu.memref_slice %arg4[%add3A_11, %dma_wait3A_89] : memref<1280x128xi32, #tpu.memory_space<hbm>> -> memref<40x128xi32, #tpu.memory_space<hbm>>
      tpu.wait_dma2 semaphore(%run_scoped3A : memref<!tpu.dma_semaphore, #tpu.memory_space<semaphore_mem>>) src(%dma_wait3A_90 : memref<40x128xi32, #tpu.memory_space<hbm>>) dst(%arg9 : memref<40x128xi32, #tpu.memory_space<vmem>>)
      tpu.yield
    }) : () -> ()
    %scan3A = arith.constant 0 : i32
    %scan3A_12 = arith.constant 0 : i32
    %scan3A_13 = arith.constant 20 : i32
    %scan3A_14 = arith.addi %scan3A_12, %scan3A_13 : i32
    %scan3A_15 = arith.constant 1 : i32
    scf.for %scan3A_84 = %scan3A_12 to %scan3A_14 step %scan3A_15  : i32 {
      %mul3A_85 = arith.constant 2 : i32
      %mul3A_86 = arith.muli %scan3A_84, %mul3A_85 : i32
      %gt3A = arith.constant 0 : i32
      %gt3A_87 = arith.cmpi sgt, %scan3A_84, %gt3A : i32
      %convert_element_type3A = arith.extui %gt3A_87 : i1 to i32
      %cond3A = arith.constant 0 : i32
      %cond3A_88 = arith.cmpi ne, %convert_element_type3A, %cond3A : i32
      scf.if %cond3A_88 {
        %sub3A = arith.constant 2 : i32
        %sub3A_187 = arith.subi %mul3A_86, %sub3A : i32
        %add3A_188 = arith.constant 0 : i32
        %add3A_189 = arith.addi %sub3A_187, %add3A_188 : i32
        %dma_wait3A_190 = arith.constant 0 : i32
        %dma_wait3A_191 = arith.constant 0 : i32
        %dma_wait3A_192 = arith.constant 0 : i32
        %dma_wait3A_193 = tpu.memref_slice %arg10[%dma_wait3A_190, %dma_wait3A_191, %dma_wait3A_192] : memref<2x128x128xf32, #tpu.memory_space<vmem>> -> memref<1x128x128xf32, #tpu.memory_space<vmem>>
        %dma_wait3A_194 = tpu.memref_squeeze %dma_wait3A_193 : memref<1x128x128xf32, #tpu.memory_space<vmem>> -> memref<128x128xf32, #tpu.memory_space<vmem>>
        %dma_wait3A_195 = arith.constant 0 : i32
        %dma_wait3A_196 = tpu.memref_slice %arg9[%add3A_189, %dma_wait3A_195] : memref<40x128xi32, #tpu.memory_space<vmem>> -> memref<1x128xi32, #tpu.memory_space<vmem>>
        %dma_wait3A_197 = tpu.memref_squeeze %dma_wait3A_196 : memref<1x128xi32, #tpu.memory_space<vmem>> -> memref<128xi32, #tpu.memory_space<vmem>>
        %dma_wait3A_198 = arith.constant 0 : i32
        %dma_wait3A_199 = arith.constant 0 : i32
        %dma_wait3A_200 = tpu.memref_slice %arg7[%dma_wait3A_198, %dma_wait3A_199] : memref<10240x128xf32, #tpu.memory_space<vmem_shared>> -> memref<10240x128xf32, #tpu.memory_space<vmem_shared>>
        tpu.wait_indirect_dma semaphore(%arg13 : memref<!tpu.dma_semaphore, #tpu.memory_space<semaphore_mem>>) src(%dma_wait3A_194 : memref<128x128xf32, #tpu.memory_space<vmem>>) dst(%dma_wait3A_200 : memref<10240x128xf32, #tpu.memory_space<vmem_shared>>)
      } else {
      }
      %add3A_89 = arith.constant 0 : i32
      %add3A_90 = arith.addi %mul3A_86, %add3A_89 : i32
      %dma_start3A = arith.constant 0 : i32
      %dma_start3A_91 = arith.constant 0 : i32
      %dma_start3A_92 = arith.constant 0 : i32
      %dma_start3A_93 = tpu.memref_slice %arg10[%dma_start3A, %dma_start3A_91, %dma_start3A_92] : memref<2x128x128xf32, #tpu.memory_space<vmem>> -> memref<1x128x128xf32, #tpu.memory_space<vmem>>
      %dma_start3A_94 = tpu.memref_squeeze %dma_start3A_93 : memref<1x128x128xf32, #tpu.memory_space<vmem>> -> memref<128x128xf32, #tpu.memory_space<vmem>>
      %dma_start3A_95 = arith.constant 0 : i32
      %dma_start3A_96 = tpu.memref_slice %arg8[%add3A_90, %dma_start3A_95] : memref<40x128xi32, #tpu.memory_space<vmem>> -> memref<1x128xi32, #tpu.memory_space<vmem>>
      %dma_start3A_97 = tpu.memref_squeeze %dma_start3A_96 : memref<1x128xi32, #tpu.memory_space<vmem>> -> memref<128xi32, #tpu.memory_space<vmem>>
      %dma_start3A_98 = arith.constant 0 : i32
      %dma_start3A_99 = arith.constant 0 : i32
      %dma_start3A_100 = tpu.memref_slice %arg2[%add3A_1, %dma_start3A_98, %dma_start3A_99] : memref<2x10240x128xf32, #tpu.memory_space<hbm>> -> memref<1x10240x128xf32, #tpu.memory_space<hbm>>
      %dma_start3A_101 = tpu.memref_squeeze %dma_start3A_100 : memref<1x10240x128xf32, #tpu.memory_space<hbm>> -> memref<10240x128xf32, #tpu.memory_space<hbm>>
      %dma_start3A_102 = arith.constant 0 : i32
      %dma_start3A_103 = arith.constant 0 : i32
      %dma_start3A_104 = tpu.memref_slice %dma_start3A_101[%dma_start3A_102, %dma_start3A_103] : memref<10240x128xf32, #tpu.memory_space<hbm>> -> memref<10240x128xf32, #tpu.memory_space<hbm>>
      tpu.enqueue_indirect_dma source(%dma_start3A_104 : memref<10240x128xf32, #tpu.memory_space<hbm>>) target(%dma_start3A_94 : memref<128x128xf32, #tpu.memory_space<vmem>>) offsets(%dma_start3A_97 : memref<128xi32, #tpu.memory_space<vmem>>) semaphore(%arg11 : memref<!tpu.dma_semaphore, #tpu.memory_space<semaphore_mem>>)
      %gt3A_105 = arith.constant 0 : i32
      %gt3A_106 = arith.cmpi sgt, %scan3A_84, %gt3A_105 : i32
      %convert_element_type3A_107 = arith.extui %gt3A_106 : i1 to i32
      %cond3A_108 = arith.constant 0 : i32
      %cond3A_109 = arith.cmpi ne, %convert_element_type3A_107, %cond3A_108 : i32
      scf.if %cond3A_109 {
        %sub3A = arith.constant 2 : i32
        %sub3A_187 = arith.subi %mul3A_86, %sub3A : i32
        %add3A_188 = arith.constant 1 : i32
        %add3A_189 = arith.addi %sub3A_187, %add3A_188 : i32
        %dma_wait3A_190 = arith.constant 1 : i32
        %dma_wait3A_191 = arith.constant 0 : i32
        %dma_wait3A_192 = arith.constant 0 : i32
        %dma_wait3A_193 = tpu.memref_slice %arg10[%dma_wait3A_190, %dma_wait3A_191, %dma_wait3A_192] : memref<2x128x128xf32, #tpu.memory_space<vmem>> -> memref<1x128x128xf32, #tpu.memory_space<vmem>>
        %dma_wait3A_194 = tpu.memref_squeeze %dma_wait3A_193 : memref<1x128x128xf32, #tpu.memory_space<vmem>> -> memref<128x128xf32, #tpu.memory_space<vmem>>
        %dma_wait3A_195 = arith.constant 0 : i32
        %dma_wait3A_196 = tpu.memref_slice %arg9[%add3A_189, %dma_wait3A_195] : memref<40x128xi32, #tpu.memory_space<vmem>> -> memref<1x128xi32, #tpu.memory_space<vmem>>
        %dma_wait3A_197 = tpu.memref_squeeze %dma_wait3A_196 : memref<1x128xi32, #tpu.memory_space<vmem>> -> memref<128xi32, #tpu.memory_space<vmem>>
        %dma_wait3A_198 = arith.constant 0 : i32
        %dma_wait3A_199 = arith.constant 0 : i32
        %dma_wait3A_200 = tpu.memref_slice %arg7[%dma_wait3A_198, %dma_wait3A_199] : memref<10240x128xf32, #tpu.memory_space<vmem_shared>> -> memref<10240x128xf32, #tpu.memory_space<vmem_shared>>
        tpu.wait_indirect_dma semaphore(%arg14 : memref<!tpu.dma_semaphore, #tpu.memory_space<semaphore_mem>>) src(%dma_wait3A_194 : memref<128x128xf32, #tpu.memory_space<vmem>>) dst(%dma_wait3A_200 : memref<10240x128xf32, #tpu.memory_space<vmem_shared>>)
      } else {
      }
      %add3A_110 = arith.constant 1 : i32
      %add3A_111 = arith.addi %mul3A_86, %add3A_110 : i32
      %dma_start3A_112 = arith.constant 1 : i32
      %dma_start3A_113 = arith.constant 0 : i32
      %dma_start3A_114 = arith.constant 0 : i32
      %dma_start3A_115 = tpu.memref_slice %arg10[%dma_start3A_112, %dma_start3A_113, %dma_start3A_114] : memref<2x128x128xf32, #tpu.memory_space<vmem>> -> memref<1x128x128xf32, #tpu.memory_space<vmem>>
      %dma_start3A_116 = tpu.memref_squeeze %dma_start3A_115 : memref<1x128x128xf32, #tpu.memory_space<vmem>> -> memref<128x128xf32, #tpu.memory_space<vmem>>
      %dma_start3A_117 = arith.constant 0 : i32
      %dma_start3A_118 = tpu.memref_slice %arg8[%add3A_111, %dma_start3A_117] : memref<40x128xi32, #tpu.memory_space<vmem>> -> memref<1x128xi32, #tpu.memory_space<vmem>>
      %dma_start3A_119 = tpu.memref_squeeze %dma_start3A_118 : memref<1x128xi32, #tpu.memory_space<vmem>> -> memref<128xi32, #tpu.memory_space<vmem>>
      %dma_start3A_120 = arith.constant 0 : i32
      %dma_start3A_121 = arith.constant 0 : i32
      %dma_start3A_122 = tpu.memref_slice %arg2[%add3A_1, %dma_start3A_120, %dma_start3A_121] : memref<2x10240x128xf32, #tpu.memory_space<hbm>> -> memref<1x10240x128xf32, #tpu.memory_space<hbm>>
      %dma_start3A_123 = tpu.memref_squeeze %dma_start3A_122 : memref<1x10240x128xf32, #tpu.memory_space<hbm>> -> memref<10240x128xf32, #tpu.memory_space<hbm>>
      %dma_start3A_124 = arith.constant 0 : i32
      %dma_start3A_125 = arith.constant 0 : i32
      %dma_start3A_126 = tpu.memref_slice %dma_start3A_123[%dma_start3A_124, %dma_start3A_125] : memref<10240x128xf32, #tpu.memory_space<hbm>> -> memref<10240x128xf32, #tpu.memory_space<hbm>>
      tpu.enqueue_indirect_dma source(%dma_start3A_126 : memref<10240x128xf32, #tpu.memory_space<hbm>>) target(%dma_start3A_116 : memref<128x128xf32, #tpu.memory_space<vmem>>) offsets(%dma_start3A_119 : memref<128xi32, #tpu.memory_space<vmem>>) semaphore(%arg12 : memref<!tpu.dma_semaphore, #tpu.memory_space<semaphore_mem>>)
      %add3A_127 = arith.constant 0 : i32
      %add3A_128 = arith.addi %mul3A_86, %add3A_127 : i32
      %dma_wait3A_129 = arith.constant 0 : i32
      %dma_wait3A_130 = arith.constant 0 : i32
      %dma_wait3A_131 = arith.constant 0 : i32
      %dma_wait3A_132 = tpu.memref_slice %arg10[%dma_wait3A_129, %dma_wait3A_130, %dma_wait3A_131] : memref<2x128x128xf32, #tpu.memory_space<vmem>> -> memref<1x128x128xf32, #tpu.memory_space<vmem>>
      %dma_wait3A_133 = tpu.memref_squeeze %dma_wait3A_132 : memref<1x128x128xf32, #tpu.memory_space<vmem>> -> memref<128x128xf32, #tpu.memory_space<vmem>>
      %dma_wait3A_134 = arith.constant 0 : i32
      %dma_wait3A_135 = tpu.memref_slice %arg8[%add3A_128, %dma_wait3A_134] : memref<40x128xi32, #tpu.memory_space<vmem>> -> memref<1x128xi32, #tpu.memory_space<vmem>>
      %dma_wait3A_136 = tpu.memref_squeeze %dma_wait3A_135 : memref<1x128xi32, #tpu.memory_space<vmem>> -> memref<128xi32, #tpu.memory_space<vmem>>
      %dma_wait3A_137 = arith.constant 0 : i32
      %dma_wait3A_138 = arith.constant 0 : i32
      %dma_wait3A_139 = tpu.memref_slice %arg2[%add3A_1, %dma_wait3A_137, %dma_wait3A_138] : memref<2x10240x128xf32, #tpu.memory_space<hbm>> -> memref<1x10240x128xf32, #tpu.memory_space<hbm>>
      %dma_wait3A_140 = tpu.memref_squeeze %dma_wait3A_139 : memref<1x10240x128xf32, #tpu.memory_space<hbm>> -> memref<10240x128xf32, #tpu.memory_space<hbm>>
      %dma_wait3A_141 = arith.constant 0 : i32
      %dma_wait3A_142 = arith.constant 0 : i32
      %dma_wait3A_143 = tpu.memref_slice %dma_wait3A_140[%dma_wait3A_141, %dma_wait3A_142] : memref<10240x128xf32, #tpu.memory_space<hbm>> -> memref<10240x128xf32, #tpu.memory_space<hbm>>
      tpu.wait_indirect_dma semaphore(%arg11 : memref<!tpu.dma_semaphore, #tpu.memory_space<semaphore_mem>>) src(%dma_wait3A_143 : memref<10240x128xf32, #tpu.memory_space<hbm>>) dst(%dma_wait3A_133 : memref<128x128xf32, #tpu.memory_space<vmem>>)
      %add3A_144 = arith.constant 0 : i32
      %add3A_145 = arith.addi %mul3A_86, %add3A_144 : i32
      %dma_start3A_146 = arith.constant 0 : i32
      %dma_start3A_147 = arith.constant 0 : i32
      %dma_start3A_148 = arith.constant 0 : i32
      %dma_start3A_149 = tpu.memref_slice %arg10[%dma_start3A_146, %dma_start3A_147, %dma_start3A_148] : memref<2x128x128xf32, #tpu.memory_space<vmem>> -> memref<1x128x128xf32, #tpu.memory_space<vmem>>
      %dma_start3A_150 = tpu.memref_squeeze %dma_start3A_149 : memref<1x128x128xf32, #tpu.memory_space<vmem>> -> memref<128x128xf32, #tpu.memory_space<vmem>>
      %dma_start3A_151 = arith.constant 0 : i32
      %dma_start3A_152 = tpu.memref_slice %arg9[%add3A_145, %dma_start3A_151] : memref<40x128xi32, #tpu.memory_space<vmem>> -> memref<1x128xi32, #tpu.memory_space<vmem>>
      %dma_start3A_153 = tpu.memref_squeeze %dma_start3A_152 : memref<1x128xi32, #tpu.memory_space<vmem>> -> memref<128xi32, #tpu.memory_space<vmem>>
      %dma_start3A_154 = arith.constant 0 : i32
      %dma_start3A_155 = arith.constant 0 : i32
      %dma_start3A_156 = tpu.memref_slice %arg7[%dma_start3A_154, %dma_start3A_155] : memref<10240x128xf32, #tpu.memory_space<vmem_shared>> -> memref<10240x128xf32, #tpu.memory_space<vmem_shared>>
      tpu.enqueue_indirect_dma source(%dma_start3A_150 : memref<128x128xf32, #tpu.memory_space<vmem>>) target(%dma_start3A_156 : memref<10240x128xf32, #tpu.memory_space<vmem_shared>>) offsets(%dma_start3A_153 : memref<128xi32, #tpu.memory_space<vmem>>) semaphore(%arg13 : memref<!tpu.dma_semaphore, #tpu.memory_space<semaphore_mem>>) {add = true}
      %add3A_157 = arith.constant 1 : i32
      %add3A_158 = arith.addi %mul3A_86, %add3A_157 : i32
      %dma_wait3A_159 = arith.constant 1 : i32
      %dma_wait3A_160 = arith.constant 0 : i32
      %dma_wait3A_161 = arith.constant 0 : i32
      %dma_wait3A_162 = tpu.memref_slice %arg10[%dma_wait3A_159, %dma_wait3A_160, %dma_wait3A_161] : memref<2x128x128xf32, #tpu.memory_space<vmem>> -> memref<1x128x128xf32, #tpu.memory_space<vmem>>
      %dma_wait3A_163 = tpu.memref_squeeze %dma_wait3A_162 : memref<1x128x128xf32, #tpu.memory_space<vmem>> -> memref<128x128xf32, #tpu.memory_space<vmem>>
      %dma_wait3A_164 = arith.constant 0 : i32
      %dma_wait3A_165 = tpu.memref_slice %arg8[%add3A_158, %dma_wait3A_164] : memref<40x128xi32, #tpu.memory_space<vmem>> -> memref<1x128xi32, #tpu.memory_space<vmem>>
      %dma_wait3A_166 = tpu.memref_squeeze %dma_wait3A_165 : memref<1x128xi32, #tpu.memory_space<vmem>> -> memref<128xi32, #tpu.memory_space<vmem>>
      %dma_wait3A_167 = arith.constant 0 : i32
      %dma_wait3A_168 = arith.constant 0 : i32
      %dma_wait3A_169 = tpu.memref_slice %arg2[%add3A_1, %dma_wait3A_167, %dma_wait3A_168] : memref<2x10240x128xf32, #tpu.memory_space<hbm>> -> memref<1x10240x128xf32, #tpu.memory_space<hbm>>
      %dma_wait3A_170 = tpu.memref_squeeze %dma_wait3A_169 : memref<1x10240x128xf32, #tpu.memory_space<hbm>> -> memref<10240x128xf32, #tpu.memory_space<hbm>>
      %dma_wait3A_171 = arith.constant 0 : i32
      %dma_wait3A_172 = arith.constant 0 : i32
      %dma_wait3A_173 = tpu.memref_slice %dma_wait3A_170[%dma_wait3A_171, %dma_wait3A_172] : memref<10240x128xf32, #tpu.memory_space<hbm>> -> memref<10240x128xf32, #tpu.memory_space<hbm>>
      tpu.wait_indirect_dma semaphore(%arg12 : memref<!tpu.dma_semaphore, #tpu.memory_space<semaphore_mem>>) src(%dma_wait3A_173 : memref<10240x128xf32, #tpu.memory_space<hbm>>) dst(%dma_wait3A_163 : memref<128x128xf32, #tpu.memory_space<vmem>>)
      %add3A_174 = arith.constant 1 : i32
      %add3A_175 = arith.addi %mul3A_86, %add3A_174 : i32
      %dma_start3A_176 = arith.constant 1 : i32
      %dma_start3A_177 = arith.constant 0 : i32
      %dma_start3A_178 = arith.constant 0 : i32
      %dma_start3A_179 = tpu.memref_slice %arg10[%dma_start3A_176, %dma_start3A_177, %dma_start3A_178] : memref<2x128x128xf32, #tpu.memory_space<vmem>> -> memref<1x128x128xf32, #tpu.memory_space<vmem>>
      %dma_start3A_180 = tpu.memref_squeeze %dma_start3A_179 : memref<1x128x128xf32, #tpu.memory_space<vmem>> -> memref<128x128xf32, #tpu.memory_space<vmem>>
      %dma_start3A_181 = arith.constant 0 : i32
      %dma_start3A_182 = tpu.memref_slice %arg9[%add3A_175, %dma_start3A_181] : memref<40x128xi32, #tpu.memory_space<vmem>> -> memref<1x128xi32, #tpu.memory_space<vmem>>
      %dma_start3A_183 = tpu.memref_squeeze %dma_start3A_182 : memref<1x128xi32, #tpu.memory_space<vmem>> -> memref<128xi32, #tpu.memory_space<vmem>>
      %dma_start3A_184 = arith.constant 0 : i32
      %dma_start3A_185 = arith.constant 0 : i32
      %dma_start3A_186 = tpu.memref_slice %arg7[%dma_start3A_184, %dma_start3A_185] : memref<10240x128xf32, #tpu.memory_space<vmem_shared>> -> memref<10240x128xf32, #tpu.memory_space<vmem_shared>>
      tpu.enqueue_indirect_dma source(%dma_start3A_180 : memref<128x128xf32, #tpu.memory_space<vmem>>) target(%dma_start3A_186 : memref<10240x128xf32, #tpu.memory_space<vmem_shared>>) offsets(%dma_start3A_183 : memref<128xi32, #tpu.memory_space<vmem>>) semaphore(%arg14 : memref<!tpu.dma_semaphore, #tpu.memory_space<semaphore_mem>>) {add = true}
    }
    %scan3A_16 = arith.constant 20 : i32
    %dma_wait3A = arith.constant 0 : i32
    %dma_wait3A_17 = arith.constant 38 : i32
    %dma_wait3A_18 = arith.constant 0 : i32
    %dma_wait3A_19 = arith.constant 0 : i32
    %dma_wait3A_20 = tpu.memref_slice %arg10[%dma_wait3A, %dma_wait3A_18, %dma_wait3A_19] : memref<2x128x128xf32, #tpu.memory_space<vmem>> -> memref<1x128x128xf32, #tpu.memory_space<vmem>>
    %dma_wait3A_21 = tpu.memref_squeeze %dma_wait3A_20 : memref<1x128x128xf32, #tpu.memory_space<vmem>> -> memref<128x128xf32, #tpu.memory_space<vmem>>
    %dma_wait3A_22 = arith.constant 0 : i32
    %dma_wait3A_23 = tpu.memref_slice %arg9[%dma_wait3A_17, %dma_wait3A_22] : memref<40x128xi32, #tpu.memory_space<vmem>> -> memref<1x128xi32, #tpu.memory_space<vmem>>
    %dma_wait3A_24 = tpu.memref_squeeze %dma_wait3A_23 : memref<1x128xi32, #tpu.memory_space<vmem>> -> memref<128xi32, #tpu.memory_space<vmem>>
    %dma_wait3A_25 = arith.constant 0 : i32
    %dma_wait3A_26 = arith.constant 0 : i32
    %dma_wait3A_27 = tpu.memref_slice %arg7[%dma_wait3A_25, %dma_wait3A_26] : memref<10240x128xf32, #tpu.memory_space<vmem_shared>> -> memref<10240x128xf32, #tpu.memory_space<vmem_shared>>
    tpu.wait_indirect_dma semaphore(%arg13 : memref<!tpu.dma_semaphore, #tpu.memory_space<semaphore_mem>>) src(%dma_wait3A_21 : memref<128x128xf32, #tpu.memory_space<vmem>>) dst(%dma_wait3A_27 : memref<10240x128xf32, #tpu.memory_space<vmem_shared>>)
    %dma_wait3A_28 = arith.constant 1 : i32
    %dma_wait3A_29 = arith.constant 39 : i32
    %dma_wait3A_30 = arith.constant 0 : i32
    %dma_wait3A_31 = arith.constant 0 : i32
    %dma_wait3A_32 = tpu.memref_slice %arg10[%dma_wait3A_28, %dma_wait3A_30, %dma_wait3A_31] : memref<2x128x128xf32, #tpu.memory_space<vmem>> -> memref<1x128x128xf32, #tpu.memory_space<vmem>>
    %dma_wait3A_33 = tpu.memref_squeeze %dma_wait3A_32 : memref<1x128x128xf32, #tpu.memory_space<vmem>> -> memref<128x128xf32, #tpu.memory_space<vmem>>
    %dma_wait3A_34 = arith.constant 0 : i32
    %dma_wait3A_35 = tpu.memref_slice %arg9[%dma_wait3A_29, %dma_wait3A_34] : memref<40x128xi32, #tpu.memory_space<vmem>> -> memref<1x128xi32, #tpu.memory_space<vmem>>
    %dma_wait3A_36 = tpu.memref_squeeze %dma_wait3A_35 : memref<1x128xi32, #tpu.memory_space<vmem>> -> memref<128xi32, #tpu.memory_space<vmem>>
    %dma_wait3A_37 = arith.constant 0 : i32
    %dma_wait3A_38 = arith.constant 0 : i32
    %dma_wait3A_39 = tpu.memref_slice %arg7[%dma_wait3A_37, %dma_wait3A_38] : memref<10240x128xf32, #tpu.memory_space<vmem_shared>> -> memref<10240x128xf32, #tpu.memory_space<vmem_shared>>
    tpu.wait_indirect_dma semaphore(%arg14 : memref<!tpu.dma_semaphore, #tpu.memory_space<semaphore_mem>>) src(%dma_wait3A_33 : memref<128x128xf32, #tpu.memory_space<vmem>>) dst(%dma_wait3A_39 : memref<10240x128xf32, #tpu.memory_space<vmem_shared>>)
    %mul3A_40 = arith.constant 80 : i32
    %mul3A_41 = arith.muli %arg1, %mul3A_40 : i32
    %add3A_42 = arith.constant 40 : i32
    %add3A_43 = arith.addi %mul3A_41, %add3A_42 : i32
    "tpu.region"() ({
      %run_scoped3A = tpu.sem_alloc : memref<!tpu.dma_semaphore, #tpu.memory_space<semaphore_mem>>
      %dma_start3A = arith.constant 0 : i32
      %dma_start3A_84 = tpu.memref_slice %arg3[%add3A_43, %dma_start3A] : memref<1280x128xi32, #tpu.memory_space<hbm>> -> memref<40x128xi32, #tpu.memory_space<hbm>>
      %dma_start3A_85 = arith.constant 0 : i32
      %dma_start3A_86 = tpu.memref_slice %arg3[%add3A_43, %dma_start3A_85] : memref<1280x128xi32, #tpu.memory_space<hbm>> -> memref<40x128xi32, #tpu.memory_space<hbm>>
      tpu.enqueue_dma source(%dma_start3A_86 : memref<40x128xi32, #tpu.memory_space<hbm>>) target(%arg8 : memref<40x128xi32, #tpu.memory_space<vmem>>) target_semaphore(%run_scoped3A : memref<!tpu.dma_semaphore, #tpu.memory_space<semaphore_mem>>)
      %dma_wait3A_87 = arith.constant 0 : i32
      %dma_wait3A_88 = tpu.memref_slice %arg3[%add3A_43, %dma_wait3A_87] : memref<1280x128xi32, #tpu.memory_space<hbm>> -> memref<40x128xi32, #tpu.memory_space<hbm>>
      %dma_wait3A_89 = arith.constant 0 : i32
      %dma_wait3A_90 = tpu.memref_slice %arg3[%add3A_43, %dma_wait3A_89] : memref<1280x128xi32, #tpu.memory_space<hbm>> -> memref<40x128xi32, #tpu.memory_space<hbm>>
      tpu.wait_dma2 semaphore(%run_scoped3A : memref<!tpu.dma_semaphore, #tpu.memory_space<semaphore_mem>>) src(%dma_wait3A_90 : memref<40x128xi32, #tpu.memory_space<hbm>>) dst(%arg8 : memref<40x128xi32, #tpu.memory_space<vmem>>)
      tpu.yield
    }) : () -> ()
    %mul3A_44 = arith.constant 80 : i32
    %mul3A_45 = arith.muli %arg1, %mul3A_44 : i32
    %add3A_46 = arith.constant 40 : i32
    %add3A_47 = arith.addi %mul3A_45, %add3A_46 : i32
    "tpu.region"() ({
      %run_scoped3A = tpu.sem_alloc : memref<!tpu.dma_semaphore, #tpu.memory_space<semaphore_mem>>
      %dma_start3A = arith.constant 0 : i32
      %dma_start3A_84 = tpu.memref_slice %arg4[%add3A_47, %dma_start3A] : memref<1280x128xi32, #tpu.memory_space<hbm>> -> memref<40x128xi32, #tpu.memory_space<hbm>>
      %dma_start3A_85 = arith.constant 0 : i32
      %dma_start3A_86 = tpu.memref_slice %arg4[%add3A_47, %dma_start3A_85] : memref<1280x128xi32, #tpu.memory_space<hbm>> -> memref<40x128xi32, #tpu.memory_space<hbm>>
      tpu.enqueue_dma source(%dma_start3A_86 : memref<40x128xi32, #tpu.memory_space<hbm>>) target(%arg9 : memref<40x128xi32, #tpu.memory_space<vmem>>) target_semaphore(%run_scoped3A : memref<!tpu.dma_semaphore, #tpu.memory_space<semaphore_mem>>)
      %dma_wait3A_87 = arith.constant 0 : i32
      %dma_wait3A_88 = tpu.memref_slice %arg4[%add3A_47, %dma_wait3A_87] : memref<1280x128xi32, #tpu.memory_space<hbm>> -> memref<40x128xi32, #tpu.memory_space<hbm>>
      %dma_wait3A_89 = arith.constant 0 : i32
      %dma_wait3A_90 = tpu.memref_slice %arg4[%add3A_47, %dma_wait3A_89] : memref<1280x128xi32, #tpu.memory_space<hbm>> -> memref<40x128xi32, #tpu.memory_space<hbm>>
      tpu.wait_dma2 semaphore(%run_scoped3A : memref<!tpu.dma_semaphore, #tpu.memory_space<semaphore_mem>>) src(%dma_wait3A_90 : memref<40x128xi32, #tpu.memory_space<hbm>>) dst(%arg9 : memref<40x128xi32, #tpu.memory_space<vmem>>)
      tpu.yield
    }) : () -> ()
    %scan3A_48 = arith.constant 0 : i32
    %scan3A_49 = arith.constant 0 : i32
    %scan3A_50 = arith.constant 20 : i32
    %scan3A_51 = arith.addi %scan3A_49, %scan3A_50 : i32
    %scan3A_52 = arith.constant 1 : i32
    scf.for %scan3A_84 = %scan3A_49 to %scan3A_51 step %scan3A_52  : i32 {
      %mul3A_85 = arith.constant 2 : i32
      %mul3A_86 = arith.muli %scan3A_84, %mul3A_85 : i32
      %gt3A = arith.constant 0 : i32
      %gt3A_87 = arith.cmpi sgt, %scan3A_84, %gt3A : i32
      %convert_element_type3A = arith.extui %gt3A_87 : i1 to i32
      %cond3A = arith.constant 0 : i32
      %cond3A_88 = arith.cmpi ne, %convert_element_type3A, %cond3A : i32
      scf.if %cond3A_88 {
        %sub3A = arith.constant 2 : i32
        %sub3A_187 = arith.subi %mul3A_86, %sub3A : i32
        %add3A_188 = arith.constant 0 : i32
        %add3A_189 = arith.addi %sub3A_187, %add3A_188 : i32
        %dma_wait3A_190 = arith.constant 0 : i32
        %dma_wait3A_191 = arith.constant 0 : i32
        %dma_wait3A_192 = arith.constant 0 : i32
        %dma_wait3A_193 = tpu.memref_slice %arg10[%dma_wait3A_190, %dma_wait3A_191, %dma_wait3A_192] : memref<2x128x128xf32, #tpu.memory_space<vmem>> -> memref<1x128x128xf32, #tpu.memory_space<vmem>>
        %dma_wait3A_194 = tpu.memref_squeeze %dma_wait3A_193 : memref<1x128x128xf32, #tpu.memory_space<vmem>> -> memref<128x128xf32, #tpu.memory_space<vmem>>
        %dma_wait3A_195 = arith.constant 0 : i32
        %dma_wait3A_196 = tpu.memref_slice %arg9[%add3A_189, %dma_wait3A_195] : memref<40x128xi32, #tpu.memory_space<vmem>> -> memref<1x128xi32, #tpu.memory_space<vmem>>
        %dma_wait3A_197 = tpu.memref_squeeze %dma_wait3A_196 : memref<1x128xi32, #tpu.memory_space<vmem>> -> memref<128xi32, #tpu.memory_space<vmem>>
        %dma_wait3A_198 = arith.constant 0 : i32
        %dma_wait3A_199 = arith.constant 0 : i32
        %dma_wait3A_200 = tpu.memref_slice %arg7[%dma_wait3A_198, %dma_wait3A_199] : memref<10240x128xf32, #tpu.memory_space<vmem_shared>> -> memref<10240x128xf32, #tpu.memory_space<vmem_shared>>
        tpu.wait_indirect_dma semaphore(%arg13 : memref<!tpu.dma_semaphore, #tpu.memory_space<semaphore_mem>>) src(%dma_wait3A_194 : memref<128x128xf32, #tpu.memory_space<vmem>>) dst(%dma_wait3A_200 : memref<10240x128xf32, #tpu.memory_space<vmem_shared>>)
      } else {
      }
      %add3A_89 = arith.constant 0 : i32
      %add3A_90 = arith.addi %mul3A_86, %add3A_89 : i32
      %dma_start3A = arith.constant 0 : i32
      %dma_start3A_91 = arith.constant 0 : i32
      %dma_start3A_92 = arith.constant 0 : i32
      %dma_start3A_93 = tpu.memref_slice %arg10[%dma_start3A, %dma_start3A_91, %dma_start3A_92] : memref<2x128x128xf32, #tpu.memory_space<vmem>> -> memref<1x128x128xf32, #tpu.memory_space<vmem>>
      %dma_start3A_94 = tpu.memref_squeeze %dma_start3A_93 : memref<1x128x128xf32, #tpu.memory_space<vmem>> -> memref<128x128xf32, #tpu.memory_space<vmem>>
      %dma_start3A_95 = arith.constant 0 : i32
      %dma_start3A_96 = tpu.memref_slice %arg8[%add3A_90, %dma_start3A_95] : memref<40x128xi32, #tpu.memory_space<vmem>> -> memref<1x128xi32, #tpu.memory_space<vmem>>
      %dma_start3A_97 = tpu.memref_squeeze %dma_start3A_96 : memref<1x128xi32, #tpu.memory_space<vmem>> -> memref<128xi32, #tpu.memory_space<vmem>>
      %dma_start3A_98 = arith.constant 0 : i32
      %dma_start3A_99 = arith.constant 0 : i32
      %dma_start3A_100 = tpu.memref_slice %arg2[%add3A_1, %dma_start3A_98, %dma_start3A_99] : memref<2x10240x128xf32, #tpu.memory_space<hbm>> -> memref<1x10240x128xf32, #tpu.memory_space<hbm>>
      %dma_start3A_101 = tpu.memref_squeeze %dma_start3A_100 : memref<1x10240x128xf32, #tpu.memory_space<hbm>> -> memref<10240x128xf32, #tpu.memory_space<hbm>>
      %dma_start3A_102 = arith.constant 0 : i32
      %dma_start3A_103 = arith.constant 0 : i32
      %dma_start3A_104 = tpu.memref_slice %dma_start3A_101[%dma_start3A_102, %dma_start3A_103] : memref<10240x128xf32, #tpu.memory_space<hbm>> -> memref<10240x128xf32, #tpu.memory_space<hbm>>
      tpu.enqueue_indirect_dma source(%dma_start3A_104 : memref<10240x128xf32, #tpu.memory_space<hbm>>) target(%dma_start3A_94 : memref<128x128xf32, #tpu.memory_space<vmem>>) offsets(%dma_start3A_97 : memref<128xi32, #tpu.memory_space<vmem>>) semaphore(%arg11 : memref<!tpu.dma_semaphore, #tpu.memory_space<semaphore_mem>>)
      %gt3A_105 = arith.constant 0 : i32
      %gt3A_106 = arith.cmpi sgt, %scan3A_84, %gt3A_105 : i32
      %convert_element_type3A_107 = arith.extui %gt3A_106 : i1 to i32
      %cond3A_108 = arith.constant 0 : i32
      %cond3A_109 = arith.cmpi ne, %convert_element_type3A_107, %cond3A_108 : i32
      scf.if %cond3A_109 {
        %sub3A = arith.constant 2 : i32
        %sub3A_187 = arith.subi %mul3A_86, %sub3A : i32
        %add3A_188 = arith.constant 1 : i32
        %add3A_189 = arith.addi %sub3A_187, %add3A_188 : i32
        %dma_wait3A_190 = arith.constant 1 : i32
        %dma_wait3A_191 = arith.constant 0 : i32
        %dma_wait3A_192 = arith.constant 0 : i32
        %dma_wait3A_193 = tpu.memref_slice %arg10[%dma_wait3A_190, %dma_wait3A_191, %dma_wait3A_192] : memref<2x128x128xf32, #tpu.memory_space<vmem>> -> memref<1x128x128xf32, #tpu.memory_space<vmem>>
        %dma_wait3A_194 = tpu.memref_squeeze %dma_wait3A_193 : memref<1x128x128xf32, #tpu.memory_space<vmem>> -> memref<128x128xf32, #tpu.memory_space<vmem>>
        %dma_wait3A_195 = arith.constant 0 : i32
        %dma_wait3A_196 = tpu.memref_slice %arg9[%add3A_189, %dma_wait3A_195] : memref<40x128xi32, #tpu.memory_space<vmem>> -> memref<1x128xi32, #tpu.memory_space<vmem>>
        %dma_wait3A_197 = tpu.memref_squeeze %dma_wait3A_196 : memref<1x128xi32, #tpu.memory_space<vmem>> -> memref<128xi32, #tpu.memory_space<vmem>>
        %dma_wait3A_198 = arith.constant 0 : i32
        %dma_wait3A_199 = arith.constant 0 : i32
        %dma_wait3A_200 = tpu.memref_slice %arg7[%dma_wait3A_198, %dma_wait3A_199] : memref<10240x128xf32, #tpu.memory_space<vmem_shared>> -> memref<10240x128xf32, #tpu.memory_space<vmem_shared>>
        tpu.wait_indirect_dma semaphore(%arg14 : memref<!tpu.dma_semaphore, #tpu.memory_space<semaphore_mem>>) src(%dma_wait3A_194 : memref<128x128xf32, #tpu.memory_space<vmem>>) dst(%dma_wait3A_200 : memref<10240x128xf32, #tpu.memory_space<vmem_shared>>)
      } else {
      }
      %add3A_110 = arith.constant 1 : i32
      %add3A_111 = arith.addi %mul3A_86, %add3A_110 : i32
      %dma_start3A_112 = arith.constant 1 : i32
      %dma_start3A_113 = arith.constant 0 : i32
      %dma_start3A_114 = arith.constant 0 : i32
      %dma_start3A_115 = tpu.memref_slice %arg10[%dma_start3A_112, %dma_start3A_113, %dma_start3A_114] : memref<2x128x128xf32, #tpu.memory_space<vmem>> -> memref<1x128x128xf32, #tpu.memory_space<vmem>>
      %dma_start3A_116 = tpu.memref_squeeze %dma_start3A_115 : memref<1x128x128xf32, #tpu.memory_space<vmem>> -> memref<128x128xf32, #tpu.memory_space<vmem>>
      %dma_start3A_117 = arith.constant 0 : i32
      %dma_start3A_118 = tpu.memref_slice %arg8[%add3A_111, %dma_start3A_117] : memref<40x128xi32, #tpu.memory_space<vmem>> -> memref<1x128xi32, #tpu.memory_space<vmem>>
      %dma_start3A_119 = tpu.memref_squeeze %dma_start3A_118 : memref<1x128xi32, #tpu.memory_space<vmem>> -> memref<128xi32, #tpu.memory_space<vmem>>
      %dma_start3A_120 = arith.constant 0 : i32
      %dma_start3A_121 = arith.constant 0 : i32
      %dma_start3A_122 = tpu.memref_slice %arg2[%add3A_1, %dma_start3A_120, %dma_start3A_121] : memref<2x10240x128xf32, #tpu.memory_space<hbm>> -> memref<1x10240x128xf32, #tpu.memory_space<hbm>>
      %dma_start3A_123 = tpu.memref_squeeze %dma_start3A_122 : memref<1x10240x128xf32, #tpu.memory_space<hbm>> -> memref<10240x128xf32, #tpu.memory_space<hbm>>
      %dma_start3A_124 = arith.constant 0 : i32
      %dma_start3A_125 = arith.constant 0 : i32
      %dma_start3A_126 = tpu.memref_slice %dma_start3A_123[%dma_start3A_124, %dma_start3A_125] : memref<10240x128xf32, #tpu.memory_space<hbm>> -> memref<10240x128xf32, #tpu.memory_space<hbm>>
      tpu.enqueue_indirect_dma source(%dma_start3A_126 : memref<10240x128xf32, #tpu.memory_space<hbm>>) target(%dma_start3A_116 : memref<128x128xf32, #tpu.memory_space<vmem>>) offsets(%dma_start3A_119 : memref<128xi32, #tpu.memory_space<vmem>>) semaphore(%arg12 : memref<!tpu.dma_semaphore, #tpu.memory_space<semaphore_mem>>)
      %add3A_127 = arith.constant 0 : i32
      %add3A_128 = arith.addi %mul3A_86, %add3A_127 : i32
      %dma_wait3A_129 = arith.constant 0 : i32
      %dma_wait3A_130 = arith.constant 0 : i32
      %dma_wait3A_131 = arith.constant 0 : i32
      %dma_wait3A_132 = tpu.memref_slice %arg10[%dma_wait3A_129, %dma_wait3A_130, %dma_wait3A_131] : memref<2x128x128xf32, #tpu.memory_space<vmem>> -> memref<1x128x128xf32, #tpu.memory_space<vmem>>
      %dma_wait3A_133 = tpu.memref_squeeze %dma_wait3A_132 : memref<1x128x128xf32, #tpu.memory_space<vmem>> -> memref<128x128xf32, #tpu.memory_space<vmem>>
      %dma_wait3A_134 = arith.constant 0 : i32
      %dma_wait3A_135 = tpu.memref_slice %arg8[%add3A_128, %dma_wait3A_134] : memref<40x128xi32, #tpu.memory_space<vmem>> -> memref<1x128xi32, #tpu.memory_space<vmem>>
      %dma_wait3A_136 = tpu.memref_squeeze %dma_wait3A_135 : memref<1x128xi32, #tpu.memory_space<vmem>> -> memref<128xi32, #tpu.memory_space<vmem>>
      %dma_wait3A_137 = arith.constant 0 : i32
      %dma_wait3A_138 = arith.constant 0 : i32
      %dma_wait3A_139 = tpu.memref_slice %arg2[%add3A_1, %dma_wait3A_137, %dma_wait3A_138] : memref<2x10240x128xf32, #tpu.memory_space<hbm>> -> memref<1x10240x128xf32, #tpu.memory_space<hbm>>
      %dma_wait3A_140 = tpu.memref_squeeze %dma_wait3A_139 : memref<1x10240x128xf32, #tpu.memory_space<hbm>> -> memref<10240x128xf32, #tpu.memory_space<hbm>>
      %dma_wait3A_141 = arith.constant 0 : i32
      %dma_wait3A_142 = arith.constant 0 : i32
      %dma_wait3A_143 = tpu.memref_slice %dma_wait3A_140[%dma_wait3A_141, %dma_wait3A_142] : memref<10240x128xf32, #tpu.memory_space<hbm>> -> memref<10240x128xf32, #tpu.memory_space<hbm>>
      tpu.wait_indirect_dma semaphore(%arg11 : memref<!tpu.dma_semaphore, #tpu.memory_space<semaphore_mem>>) src(%dma_wait3A_143 : memref<10240x128xf32, #tpu.memory_space<hbm>>) dst(%dma_wait3A_133 : memref<128x128xf32, #tpu.memory_space<vmem>>)
      %add3A_144 = arith.constant 0 : i32
      %add3A_145 = arith.addi %mul3A_86, %add3A_144 : i32
      %dma_start3A_146 = arith.constant 0 : i32
      %dma_start3A_147 = arith.constant 0 : i32
      %dma_start3A_148 = arith.constant 0 : i32
      %dma_start3A_149 = tpu.memref_slice %arg10[%dma_start3A_146, %dma_start3A_147, %dma_start3A_148] : memref<2x128x128xf32, #tpu.memory_space<vmem>> -> memref<1x128x128xf32, #tpu.memory_space<vmem>>
      %dma_start3A_150 = tpu.memref_squeeze %dma_start3A_149 : memref<1x128x128xf32, #tpu.memory_space<vmem>> -> memref<128x128xf32, #tpu.memory_space<vmem>>
      %dma_start3A_151 = arith.constant 0 : i32
      %dma_start3A_152 = tpu.memref_slice %arg9[%add3A_145, %dma_start3A_151] : memref<40x128xi32, #tpu.memory_space<vmem>> -> memref<1x128xi32, #tpu.memory_space<vmem>>
      %dma_start3A_153 = tpu.memref_squeeze %dma_start3A_152 : memref<1x128xi32, #tpu.memory_space<vmem>> -> memref<128xi32, #tpu.memory_space<vmem>>
      %dma_start3A_154 = arith.constant 0 : i32
      %dma_start3A_155 = arith.constant 0 : i32
      %dma_start3A_156 = tpu.memref_slice %arg7[%dma_start3A_154, %dma_start3A_155] : memref<10240x128xf32, #tpu.memory_space<vmem_shared>> -> memref<10240x128xf32, #tpu.memory_space<vmem_shared>>
      tpu.enqueue_indirect_dma source(%dma_start3A_150 : memref<128x128xf32, #tpu.memory_space<vmem>>) target(%dma_start3A_156 : memref<10240x128xf32, #tpu.memory_space<vmem_shared>>) offsets(%dma_start3A_153 : memref<128xi32, #tpu.memory_space<vmem>>) semaphore(%arg13 : memref<!tpu.dma_semaphore, #tpu.memory_space<semaphore_mem>>) {add = true}
      %add3A_157 = arith.constant 1 : i32
      %add3A_158 = arith.addi %mul3A_86, %add3A_157 : i32
      %dma_wait3A_159 = arith.constant 1 : i32
      %dma_wait3A_160 = arith.constant 0 : i32
      %dma_wait3A_161 = arith.constant 0 : i32
      %dma_wait3A_162 = tpu.memref_slice %arg10[%dma_wait3A_159, %dma_wait3A_160, %dma_wait3A_161] : memref<2x128x128xf32, #tpu.memory_space<vmem>> -> memref<1x128x128xf32, #tpu.memory_space<vmem>>
      %dma_wait3A_163 = tpu.memref_squeeze %dma_wait3A_162 : memref<1x128x128xf32, #tpu.memory_space<vmem>> -> memref<128x128xf32, #tpu.memory_space<vmem>>
      %dma_wait3A_164 = arith.constant 0 : i32
      %dma_wait3A_165 = tpu.memref_slice %arg8[%add3A_158, %dma_wait3A_164] : memref<40x128xi32, #tpu.memory_space<vmem>> -> memref<1x128xi32, #tpu.memory_space<vmem>>
      %dma_wait3A_166 = tpu.memref_squeeze %dma_wait3A_165 : memref<1x128xi32, #tpu.memory_space<vmem>> -> memref<128xi32, #tpu.memory_space<vmem>>
      %dma_wait3A_167 = arith.constant 0 : i32
      %dma_wait3A_168 = arith.constant 0 : i32
      %dma_wait3A_169 = tpu.memref_slice %arg2[%add3A_1, %dma_wait3A_167, %dma_wait3A_168] : memref<2x10240x128xf32, #tpu.memory_space<hbm>> -> memref<1x10240x128xf32, #tpu.memory_space<hbm>>
      %dma_wait3A_170 = tpu.memref_squeeze %dma_wait3A_169 : memref<1x10240x128xf32, #tpu.memory_space<hbm>> -> memref<10240x128xf32, #tpu.memory_space<hbm>>
      %dma_wait3A_171 = arith.constant 0 : i32
      %dma_wait3A_172 = arith.constant 0 : i32
      %dma_wait3A_173 = tpu.memref_slice %dma_wait3A_170[%dma_wait3A_171, %dma_wait3A_172] : memref<10240x128xf32, #tpu.memory_space<hbm>> -> memref<10240x128xf32, #tpu.memory_space<hbm>>
      tpu.wait_indirect_dma semaphore(%arg12 : memref<!tpu.dma_semaphore, #tpu.memory_space<semaphore_mem>>) src(%dma_wait3A_173 : memref<10240x128xf32, #tpu.memory_space<hbm>>) dst(%dma_wait3A_163 : memref<128x128xf32, #tpu.memory_space<vmem>>)
      %add3A_174 = arith.constant 1 : i32
      %add3A_175 = arith.addi %mul3A_86, %add3A_174 : i32
      %dma_start3A_176 = arith.constant 1 : i32
      %dma_start3A_177 = arith.constant 0 : i32
      %dma_start3A_178 = arith.constant 0 : i32
      %dma_start3A_179 = tpu.memref_slice %arg10[%dma_start3A_176, %dma_start3A_177, %dma_start3A_178] : memref<2x128x128xf32, #tpu.memory_space<vmem>> -> memref<1x128x128xf32, #tpu.memory_space<vmem>>
      %dma_start3A_180 = tpu.memref_squeeze %dma_start3A_179 : memref<1x128x128xf32, #tpu.memory_space<vmem>> -> memref<128x128xf32, #tpu.memory_space<vmem>>
      %dma_start3A_181 = arith.constant 0 : i32
      %dma_start3A_182 = tpu.memref_slice %arg9[%add3A_175, %dma_start3A_181] : memref<40x128xi32, #tpu.memory_space<vmem>> -> memref<1x128xi32, #tpu.memory_space<vmem>>
      %dma_start3A_183 = tpu.memref_squeeze %dma_start3A_182 : memref<1x128xi32, #tpu.memory_space<vmem>> -> memref<128xi32, #tpu.memory_space<vmem>>
      %dma_start3A_184 = arith.constant 0 : i32
      %dma_start3A_185 = arith.constant 0 : i32
      %dma_start3A_186 = tpu.memref_slice %arg7[%dma_start3A_184, %dma_start3A_185] : memref<10240x128xf32, #tpu.memory_space<vmem_shared>> -> memref<10240x128xf32, #tpu.memory_space<vmem_shared>>
      tpu.enqueue_indirect_dma source(%dma_start3A_180 : memref<128x128xf32, #tpu.memory_space<vmem>>) target(%dma_start3A_186 : memref<10240x128xf32, #tpu.memory_space<vmem_shared>>) offsets(%dma_start3A_183 : memref<128xi32, #tpu.memory_space<vmem>>) semaphore(%arg14 : memref<!tpu.dma_semaphore, #tpu.memory_space<semaphore_mem>>) {add = true}
    }
    %scan3A_53 = arith.constant 20 : i32
    %dma_wait3A_54 = arith.constant 0 : i32
    %dma_wait3A_55 = arith.constant 38 : i32
    %dma_wait3A_56 = arith.constant 0 : i32
    %dma_wait3A_57 = arith.constant 0 : i32
    %dma_wait3A_58 = tpu.memref_slice %arg10[%dma_wait3A_54, %dma_wait3A_56, %dma_wait3A_57] : memref<2x128x128xf32, #tpu.memory_space<vmem>> -> memref<1x128x128xf32, #tpu.memory_space<vmem>>
    %dma_wait3A_59 = tpu.memref_squeeze %dma_wait3A_58 : memref<1x128x128xf32, #tpu.memory_space<vmem>> -> memref<128x128xf32, #tpu.memory_space<vmem>>
    %dma_wait3A_60 = arith.constant 0 : i32
    %dma_wait3A_61 = tpu.memref_slice %arg9[%dma_wait3A_55, %dma_wait3A_60] : memref<40x128xi32, #tpu.memory_space<vmem>> -> memref<1x128xi32, #tpu.memory_space<vmem>>
    %dma_wait3A_62 = tpu.memref_squeeze %dma_wait3A_61 : memref<1x128xi32, #tpu.memory_space<vmem>> -> memref<128xi32, #tpu.memory_space<vmem>>
    %dma_wait3A_63 = arith.constant 0 : i32
    %dma_wait3A_64 = arith.constant 0 : i32
    %dma_wait3A_65 = tpu.memref_slice %arg7[%dma_wait3A_63, %dma_wait3A_64] : memref<10240x128xf32, #tpu.memory_space<vmem_shared>> -> memref<10240x128xf32, #tpu.memory_space<vmem_shared>>
    tpu.wait_indirect_dma semaphore(%arg13 : memref<!tpu.dma_semaphore, #tpu.memory_space<semaphore_mem>>) src(%dma_wait3A_59 : memref<128x128xf32, #tpu.memory_space<vmem>>) dst(%dma_wait3A_65 : memref<10240x128xf32, #tpu.memory_space<vmem_shared>>)
    %dma_wait3A_66 = arith.constant 1 : i32
    %dma_wait3A_67 = arith.constant 39 : i32
    %dma_wait3A_68 = arith.constant 0 : i32
    %dma_wait3A_69 = arith.constant 0 : i32
    %dma_wait3A_70 = tpu.memref_slice %arg10[%dma_wait3A_66, %dma_wait3A_68, %dma_wait3A_69] : memref<2x128x128xf32, #tpu.memory_space<vmem>> -> memref<1x128x128xf32, #tpu.memory_space<vmem>>
    %dma_wait3A_71 = tpu.memref_squeeze %dma_wait3A_70 : memref<1x128x128xf32, #tpu.memory_space<vmem>> -> memref<128x128xf32, #tpu.memory_space<vmem>>
    %dma_wait3A_72 = arith.constant 0 : i32
    %dma_wait3A_73 = tpu.memref_slice %arg9[%dma_wait3A_67, %dma_wait3A_72] : memref<40x128xi32, #tpu.memory_space<vmem>> -> memref<1x128xi32, #tpu.memory_space<vmem>>
    %dma_wait3A_74 = tpu.memref_squeeze %dma_wait3A_73 : memref<1x128xi32, #tpu.memory_space<vmem>> -> memref<128xi32, #tpu.memory_space<vmem>>
    %dma_wait3A_75 = arith.constant 0 : i32
    %dma_wait3A_76 = arith.constant 0 : i32
    %dma_wait3A_77 = tpu.memref_slice %arg7[%dma_wait3A_75, %dma_wait3A_76] : memref<10240x128xf32, #tpu.memory_space<vmem_shared>> -> memref<10240x128xf32, #tpu.memory_space<vmem_shared>>
    tpu.wait_indirect_dma semaphore(%arg14 : memref<!tpu.dma_semaphore, #tpu.memory_space<semaphore_mem>>) src(%dma_wait3A_71 : memref<128x128xf32, #tpu.memory_space<vmem>>) dst(%dma_wait3A_77 : memref<10240x128xf32, #tpu.memory_space<vmem_shared>>)
    %barrier3A_78 = arith.constant 0 : index
    tpu.barrier barrier_id(%barrier3A_78)
    %mul3A_79 = arith.constant 640 : i32
    %mul3A_80 = arith.muli %arg1, %mul3A_79 : i32
    %mul3A_81 = arith.constant 640 : i32
    %mul3A_82 = arith.muli %arg1, %mul3A_81 : i32
    "tpu.region"() ({
      %run_scoped3A = tpu.sem_alloc : memref<!tpu.dma_semaphore, #tpu.memory_space<semaphore_mem>>
      %dma_start3A = arith.constant 0 : i32
      %dma_start3A_84 = arith.constant 0 : i32
      %dma_start3A_85 = tpu.memref_slice %arg6[%add3A_1, %dma_start3A, %dma_start3A_84] : memref<2x10240x128xf32, #tpu.memory_space<hbm>> -> memref<1x10240x128xf32, #tpu.memory_space<hbm>>
      %dma_start3A_86 = tpu.memref_squeeze %dma_start3A_85 : memref<1x10240x128xf32, #tpu.memory_space<hbm>> -> memref<10240x128xf32, #tpu.memory_space<hbm>>
      %dma_start3A_87 = arith.constant 0 : i32
      %dma_start3A_88 = tpu.memref_slice %dma_start3A_86[%mul3A_82, %dma_start3A_87] : memref<10240x128xf32, #tpu.memory_space<hbm>> -> memref<640x128xf32, #tpu.memory_space<hbm>>
      %dma_start3A_89 = arith.constant 0 : i32
      %dma_start3A_90 = tpu.memref_slice %arg7[%mul3A_80, %dma_start3A_89] : memref<10240x128xf32, #tpu.memory_space<vmem_shared>> -> memref<640x128xf32, #tpu.memory_space<vmem_shared>>
      tpu.enqueue_dma source(%dma_start3A_90 : memref<640x128xf32, #tpu.memory_space<vmem_shared>>) target(%dma_start3A_88 : memref<640x128xf32, #tpu.memory_space<hbm>>) target_semaphore(%run_scoped3A : memref<!tpu.dma_semaphore, #tpu.memory_space<semaphore_mem>>)
      %dma_wait3A_91 = arith.constant 0 : i32
      %dma_wait3A_92 = arith.constant 0 : i32
      %dma_wait3A_93 = tpu.memref_slice %arg6[%add3A_1, %dma_wait3A_91, %dma_wait3A_92] : memref<2x10240x128xf32, #tpu.memory_space<hbm>> -> memref<1x10240x128xf32, #tpu.memory_space<hbm>>
      %dma_wait3A_94 = tpu.memref_squeeze %dma_wait3A_93 : memref<1x10240x128xf32, #tpu.memory_space<hbm>> -> memref<10240x128xf32, #tpu.memory_space<hbm>>
      %dma_wait3A_95 = arith.constant 0 : i32
      %dma_wait3A_96 = tpu.memref_slice %dma_wait3A_94[%mul3A_82, %dma_wait3A_95] : memref<10240x128xf32, #tpu.memory_space<hbm>> -> memref<640x128xf32, #tpu.memory_space<hbm>>
      %dma_wait3A_97 = arith.constant 0 : i32
      %dma_wait3A_98 = tpu.memref_slice %arg7[%mul3A_80, %dma_wait3A_97] : memref<10240x128xf32, #tpu.memory_space<vmem_shared>> -> memref<640x128xf32, #tpu.memory_space<vmem_shared>>
      tpu.wait_dma2 semaphore(%run_scoped3A : memref<!tpu.dma_semaphore, #tpu.memory_space<semaphore_mem>>) src(%dma_wait3A_98 : memref<640x128xf32, #tpu.memory_space<vmem_shared>>) dst(%dma_wait3A_96 : memref<640x128xf32, #tpu.memory_space<hbm>>)
      tpu.yield
    }) : () -> ()
    %barrier3A_83 = arith.constant 0 : index
    tpu.barrier barrier_id(%barrier3A_83)
    return
  }
}

module attributes {stable_mosaic.version = 14 : i64} {
  func.func @_mm0_body(%arg0: i32, %arg1: memref<2x400x128xf32, #tpu.memory_space<vmem>>, %arg2: memref<256x512xf32, #tpu.memory_space<vmem>>, %arg3: memref<1x512xf32, #tpu.memory_space<vmem>>, %arg4: memref<4x400x128xf32, #tpu.memory_space<vmem>>) attributes {dimension_semantics = [#tpu.dimension_semantics<arbitrary>], iteration_bounds = array<i64: 25>, scalar_prefetch = 0 : i64, scratch_operands = 0 : i64, tpu.core_type = #tpu.core_type<tc>, window_params = [{transform_indices = @transform_0, window_bounds = array<i64: 2, 400, 128>}, {pipeline_mode = #tpu.pipeline_mode<synchronous>, transform_indices = @transform_1, window_bounds = array<i64: 256, 512>}, {pipeline_mode = #tpu.pipeline_mode<synchronous>, transform_indices = @transform_2, window_bounds = array<i64: 1, 512>}, {transform_indices = @transform_3, window_bounds = array<i64: 4, 400, 128>}]} {
    %get3A = arith.constant 0 : index
    %get3A_0 = arith.constant 0 : index
    %get3A_1 = vector.load %arg2[%get3A, %get3A_0] : memref<256x512xf32, #tpu.memory_space<vmem>>, vector<256x512xf32>
    %get3A_2 = arith.constant 0 : index
    %get3A_3 = arith.constant 0 : index
    %get3A_4 = arith.constant 0 : index
    %get3A_5 = vector.load %arg1[%get3A_2, %get3A_3, %get3A_4] : memref<2x400x128xf32, #tpu.memory_space<vmem>>, vector<1x400x128xf32>
    %get3A_6 = vector.shape_cast %get3A_5 : vector<1x400x128xf32> to vector<400x128xf32>
    %slice3A = vector.extract_strided_slice %get3A_1 {offsets = [0, 0], sizes = [128, 512], strides = [1, 1]} : vector<256x512xf32> to vector<128x512xf32>
    %dot_general3A = arith.constant dense<0.000000e+00> : vector<400x512xf32>
    %dot_general3A_7 = tpu.matmul %get3A_6, %slice3A, %dot_general3A {dimension_numbers = #tpu.dot_dimension_numbers<[1], [0], [0], [1], [0, 0, 1, 1], [], []>, transpose_lhs_hint = false} : vector<400x128xf32>, vector<128x512xf32>, vector<400x512xf32> -> vector<400x512xf32>
    %get3A_8 = arith.constant 1 : index
    %get3A_9 = arith.constant 0 : index
    %get3A_10 = arith.constant 0 : index
    %get3A_11 = vector.load %arg1[%get3A_8, %get3A_9, %get3A_10] : memref<2x400x128xf32, #tpu.memory_space<vmem>>, vector<1x400x128xf32>
    %get3A_12 = vector.shape_cast %get3A_11 : vector<1x400x128xf32> to vector<400x128xf32>
    %slice3A_13 = vector.extract_strided_slice %get3A_1 {offsets = [128, 0], sizes = [128, 512], strides = [1, 1]} : vector<256x512xf32> to vector<128x512xf32>
    %dot_general3A_14 = arith.constant dense<0.000000e+00> : vector<400x512xf32>
    %dot_general3A_15 = tpu.matmul %get3A_12, %slice3A_13, %dot_general3A_14 {dimension_numbers = #tpu.dot_dimension_numbers<[1], [0], [0], [1], [0, 0, 1, 1], [], []>, transpose_lhs_hint = false} : vector<400x128xf32>, vector<128x512xf32>, vector<400x512xf32> -> vector<400x512xf32>
    %add3A = arith.addf %dot_general3A_7, %dot_general3A_15 : vector<400x512xf32>
    %get3A_16 = arith.constant 0 : index
    %get3A_17 = arith.constant 0 : index
    %get3A_18 = vector.load %arg3[%get3A_16, %get3A_17] : memref<1x512xf32, #tpu.memory_space<vmem>>, vector<1x512xf32>
    %add3A_19 = vector.broadcast %get3A_18 : vector<1x512xf32> to vector<400x512xf32>
    %add3A_20 = arith.addf %add3A, %add3A_19 : vector<400x512xf32>
    %max3A = arith.constant 0.000000e+00 : f32
    %max3A_21 = vector.broadcast %max3A : f32 to vector<400x512xf32>
    %max3A_22 = arith.maximumf %add3A_20, %max3A_21 : vector<400x512xf32>
    %slice3A_23 = vector.extract_strided_slice %max3A_22 {offsets = [0, 0], sizes = [400, 128], strides = [1, 1]} : vector<400x512xf32> to vector<400x128xf32>
    %swap3A = arith.constant 0 : index
    %swap3A_24 = arith.constant 0 : index
    %swap3A_25 = arith.constant 0 : index
    %swap3A_26 = vector.load %arg4[%swap3A, %swap3A_24, %swap3A_25] : memref<4x400x128xf32, #tpu.memory_space<vmem>>, vector<1x400x128xf32>
    %swap3A_27 = vector.shape_cast %swap3A_26 : vector<1x400x128xf32> to vector<400x128xf32>
    %swap3A_28 = vector.shape_cast %slice3A_23 : vector<400x128xf32> to vector<1x400x128xf32>
    tpu.vector_store %arg4[%swap3A, %swap3A_24, %swap3A_25], %swap3A_28 {strides = array<i32>} : memref<4x400x128xf32, #tpu.memory_space<vmem>>, vector<1x400x128xf32>,
    %slice3A_29 = vector.extract_strided_slice %max3A_22 {offsets = [0, 128], sizes = [400, 128], strides = [1, 1]} : vector<400x512xf32> to vector<400x128xf32>
    %swap3A_30 = arith.constant 1 : index
    %swap3A_31 = arith.constant 0 : index
    %swap3A_32 = arith.constant 0 : index
    %swap3A_33 = vector.load %arg4[%swap3A_30, %swap3A_31, %swap3A_32] : memref<4x400x128xf32, #tpu.memory_space<vmem>>, vector<1x400x128xf32>
    %swap3A_34 = vector.shape_cast %swap3A_33 : vector<1x400x128xf32> to vector<400x128xf32>
    %swap3A_35 = vector.shape_cast %slice3A_29 : vector<400x128xf32> to vector<1x400x128xf32>
    tpu.vector_store %arg4[%swap3A_30, %swap3A_31, %swap3A_32], %swap3A_35 {strides = array<i32>} : memref<4x400x128xf32, #tpu.memory_space<vmem>>, vector<1x400x128xf32>,
    %slice3A_36 = vector.extract_strided_slice %max3A_22 {offsets = [0, 256], sizes = [400, 128], strides = [1, 1]} : vector<400x512xf32> to vector<400x128xf32>
    %swap3A_37 = arith.constant 2 : index
    %swap3A_38 = arith.constant 0 : index
    %swap3A_39 = arith.constant 0 : index
    %swap3A_40 = vector.load %arg4[%swap3A_37, %swap3A_38, %swap3A_39] : memref<4x400x128xf32, #tpu.memory_space<vmem>>, vector<1x400x128xf32>
    %swap3A_41 = vector.shape_cast %swap3A_40 : vector<1x400x128xf32> to vector<400x128xf32>
    %swap3A_42 = vector.shape_cast %slice3A_36 : vector<400x128xf32> to vector<1x400x128xf32>
    tpu.vector_store %arg4[%swap3A_37, %swap3A_38, %swap3A_39], %swap3A_42 {strides = array<i32>} : memref<4x400x128xf32, #tpu.memory_space<vmem>>, vector<1x400x128xf32>,
    %slice3A_43 = vector.extract_strided_slice %max3A_22 {offsets = [0, 384], sizes = [400, 128], strides = [1, 1]} : vector<400x512xf32> to vector<400x128xf32>
    %swap3A_44 = arith.constant 3 : index
    %swap3A_45 = arith.constant 0 : index
    %swap3A_46 = arith.constant 0 : index
    %swap3A_47 = vector.load %arg4[%swap3A_44, %swap3A_45, %swap3A_46] : memref<4x400x128xf32, #tpu.memory_space<vmem>>, vector<1x400x128xf32>
    %swap3A_48 = vector.shape_cast %swap3A_47 : vector<1x400x128xf32> to vector<400x128xf32>
    %swap3A_49 = vector.shape_cast %slice3A_43 : vector<400x128xf32> to vector<1x400x128xf32>
    tpu.vector_store %arg4[%swap3A_44, %swap3A_45, %swap3A_46], %swap3A_49 {strides = array<i32>} : memref<4x400x128xf32, #tpu.memory_space<vmem>>, vector<1x400x128xf32>,
    return
  }
  func.func @transform_0(%arg0: i32) -> (i32, i32, i32) {
    %c0_i32 = arith.constant 0 : i32
    %c0_i32_0 = arith.constant 0 : i32
    %c0_i32_1 = arith.constant 0 : i32
    return %c0_i32, %arg0, %c0_i32_0 : i32, i32, i32
  }
  func.func @transform_1(%arg0: i32) -> (i32, i32) {
    %c0_i32 = arith.constant 0 : i32
    %c0_i32_0 = arith.constant 0 : i32
    %c0_i32_1 = arith.constant 0 : i32
    return %c0_i32, %c0_i32_0 : i32, i32
  }
  func.func @transform_2(%arg0: i32) -> (i32, i32) {
    %c0_i32 = arith.constant 0 : i32
    %c0_i32_0 = arith.constant 0 : i32
    %c0_i32_1 = arith.constant 0 : i32
    return %c0_i32, %c0_i32_0 : i32, i32
  }
  func.func @transform_3(%arg0: i32) -> (i32, i32, i32) {
    %c0_i32 = arith.constant 0 : i32
    %c0_i32_0 = arith.constant 0 : i32
    %c0_i32_1 = arith.constant 0 : i32
    return %c0_i32, %arg0, %c0_i32_0 : i32, i32, i32
  }
}

module attributes {stable_mosaic.version = 14 : i64} {
  func.func @_final_body(%arg0: i32, %arg1: memref<4x400x128xf32, #tpu.memory_space<vmem>>, %arg2: memref<4x400x128xf32, #tpu.memory_space<vmem>>, %arg3: memref<4x128x512xf32, #tpu.memory_space<vmem>>, %arg4: memref<1x512xf32, #tpu.memory_space<vmem>>, %arg5: memref<8x1024xf32, #tpu.memory_space<vmem>>, %arg6: memref<7x64x1024xf32, #tpu.memory_space<vmem>>, %arg7: memref<400x64xf32, #tpu.memory_space<vmem>>) attributes {dimension_semantics = [#tpu.dimension_semantics<arbitrary>], iteration_bounds = array<i64: 25>, scalar_prefetch = 0 : i64, scratch_operands = 0 : i64, tpu.core_type = #tpu.core_type<tc>, window_params = [{transform_indices = @transform_0, window_bounds = array<i64: 4, 400, 128>}, {transform_indices = @transform_1, window_bounds = array<i64: 4, 400, 128>}, {pipeline_mode = #tpu.pipeline_mode<synchronous>, transform_indices = @transform_2, window_bounds = array<i64: 4, 128, 512>}, {pipeline_mode = #tpu.pipeline_mode<synchronous>, transform_indices = @transform_3, window_bounds = array<i64: 1, 512>}, {pipeline_mode = #tpu.pipeline_mode<synchronous>, transform_indices = @transform_4, window_bounds = array<i64: 8, 1024>}, {pipeline_mode = #tpu.pipeline_mode<synchronous>, transform_indices = @transform_5, window_bounds = array<i64: 7, 64, 1024>}, {transform_indices = @transform_6, window_bounds = array<i64: 400, 64>}]} {
    %get3A = arith.constant 0 : index
    %get3A_0 = arith.constant 0 : index
    %get3A_1 = arith.constant 0 : index
    %get3A_2 = vector.load %arg1[%get3A, %get3A_0, %get3A_1] : memref<4x400x128xf32, #tpu.memory_space<vmem>>, vector<1x400x128xf32>
    %get3A_3 = vector.shape_cast %get3A_2 : vector<1x400x128xf32> to vector<400x128xf32>
    %get3A_4 = arith.constant 0 : index
    %get3A_5 = arith.constant 0 : index
    %get3A_6 = arith.constant 0 : index
    %get3A_7 = vector.load %arg3[%get3A_4, %get3A_5, %get3A_6] : memref<4x128x512xf32, #tpu.memory_space<vmem>>, vector<1x128x512xf32>
    %get3A_8 = vector.shape_cast %get3A_7 : vector<1x128x512xf32> to vector<128x512xf32>
    %dot_general3A = arith.constant dense<0.000000e+00> : vector<400x512xf32>
    %dot_general3A_9 = tpu.matmul %get3A_3, %get3A_8, %dot_general3A {dimension_numbers = #tpu.dot_dimension_numbers<[1], [0], [0], [1], [0, 0, 1, 1], [], []>, transpose_lhs_hint = false} : vector<400x128xf32>, vector<128x512xf32>, vector<400x512xf32> -> vector<400x512xf32>
    %get3A_10 = arith.constant 1 : index
    %get3A_11 = arith.constant 0 : index
    %get3A_12 = arith.constant 0 : index
    %get3A_13 = vector.load %arg1[%get3A_10, %get3A_11, %get3A_12] : memref<4x400x128xf32, #tpu.memory_space<vmem>>, vector<1x400x128xf32>
    %get3A_14 = vector.shape_cast %get3A_13 : vector<1x400x128xf32> to vector<400x128xf32>
    %get3A_15 = arith.constant 1 : index
    %get3A_16 = arith.constant 0 : index
    %get3A_17 = arith.constant 0 : index
    %get3A_18 = vector.load %arg3[%get3A_15, %get3A_16, %get3A_17] : memref<4x128x512xf32, #tpu.memory_space<vmem>>, vector<1x128x512xf32>
    %get3A_19 = vector.shape_cast %get3A_18 : vector<1x128x512xf32> to vector<128x512xf32>
    %dot_general3A_20 = arith.constant dense<0.000000e+00> : vector<400x512xf32>
    %dot_general3A_21 = tpu.matmul %get3A_14, %get3A_19, %dot_general3A_20 {dimension_numbers = #tpu.dot_dimension_numbers<[1], [0], [0], [1], [0, 0, 1, 1], [], []>, transpose_lhs_hint = false} : vector<400x128xf32>, vector<128x512xf32>, vector<400x512xf32> -> vector<400x512xf32>
    %add3A = arith.addf %dot_general3A_9, %dot_general3A_21 : vector<400x512xf32>
    %get3A_22 = arith.constant 2 : index
    %get3A_23 = arith.constant 0 : index
    %get3A_24 = arith.constant 0 : index
    %get3A_25 = vector.load %arg1[%get3A_22, %get3A_23, %get3A_24] : memref<4x400x128xf32, #tpu.memory_space<vmem>>, vector<1x400x128xf32>
    %get3A_26 = vector.shape_cast %get3A_25 : vector<1x400x128xf32> to vector<400x128xf32>
    %get3A_27 = arith.constant 2 : index
    %get3A_28 = arith.constant 0 : index
    %get3A_29 = arith.constant 0 : index
    %get3A_30 = vector.load %arg3[%get3A_27, %get3A_28, %get3A_29] : memref<4x128x512xf32, #tpu.memory_space<vmem>>, vector<1x128x512xf32>
    %get3A_31 = vector.shape_cast %get3A_30 : vector<1x128x512xf32> to vector<128x512xf32>
    %dot_general3A_32 = arith.constant dense<0.000000e+00> : vector<400x512xf32>
    %dot_general3A_33 = tpu.matmul %get3A_26, %get3A_31, %dot_general3A_32 {dimension_numbers = #tpu.dot_dimension_numbers<[1], [0], [0], [1], [0, 0, 1, 1], [], []>, transpose_lhs_hint = false} : vector<400x128xf32>, vector<128x512xf32>, vector<400x512xf32> -> vector<400x512xf32>
    %add3A_34 = arith.addf %add3A, %dot_general3A_33 : vector<400x512xf32>
    %get3A_35 = arith.constant 3 : index
    %get3A_36 = arith.constant 0 : index
    %get3A_37 = arith.constant 0 : index
    %get3A_38 = vector.load %arg1[%get3A_35, %get3A_36, %get3A_37] : memref<4x400x128xf32, #tpu.memory_space<vmem>>, vector<1x400x128xf32>
    %get3A_39 = vector.shape_cast %get3A_38 : vector<1x400x128xf32> to vector<400x128xf32>
    %get3A_40 = arith.constant 3 : index
    %get3A_41 = arith.constant 0 : index
    %get3A_42 = arith.constant 0 : index
    %get3A_43 = vector.load %arg3[%get3A_40, %get3A_41, %get3A_42] : memref<4x128x512xf32, #tpu.memory_space<vmem>>, vector<1x128x512xf32>
    %get3A_44 = vector.shape_cast %get3A_43 : vector<1x128x512xf32> to vector<128x512xf32>
    %dot_general3A_45 = arith.constant dense<0.000000e+00> : vector<400x512xf32>
    %dot_general3A_46 = tpu.matmul %get3A_39, %get3A_44, %dot_general3A_45 {dimension_numbers = #tpu.dot_dimension_numbers<[1], [0], [0], [1], [0, 0, 1, 1], [], []>, transpose_lhs_hint = false} : vector<400x128xf32>, vector<128x512xf32>, vector<400x512xf32> -> vector<400x512xf32>
    %add3A_47 = arith.addf %add3A_34, %dot_general3A_46 : vector<400x512xf32>
    %get3A_48 = arith.constant 0 : index
    %get3A_49 = arith.constant 0 : index
    %get3A_50 = vector.load %arg4[%get3A_48, %get3A_49] : memref<1x512xf32, #tpu.memory_space<vmem>>, vector<1x512xf32>
    %add3A_51 = vector.broadcast %get3A_50 : vector<1x512xf32> to vector<400x512xf32>
    %add3A_52 = arith.addf %add3A_47, %add3A_51 : vector<400x512xf32>
    %max3A = arith.constant 0.000000e+00 : f32
    %max3A_53 = vector.broadcast %max3A : f32 to vector<400x512xf32>
    %max3A_54 = arith.maximumf %add3A_52, %max3A_53 : vector<400x512xf32>
    %get3A_55 = arith.constant 0 : index
    %get3A_56 = arith.constant 0 : index
    %get3A_57 = vector.load %arg5[%get3A_55, %get3A_56] : memref<8x1024xf32, #tpu.memory_space<vmem>>, vector<8x1024xf32>
    %slice3A = vector.extract_strided_slice %get3A_57 {offsets = [0, 0], sizes = [8, 512], strides = [1, 1]} : vector<8x1024xf32> to vector<8x512xf32>
    %dot_general3A_58 = arith.constant dense<0.000000e+00> : vector<400x8xf32>
    %dot_general3A_59 = tpu.matmul %max3A_54, %slice3A, %dot_general3A_58 {dimension_numbers = #tpu.dot_dimension_numbers<[1], [1], [0], [0], [0, 0, 1, 0], [], []>, transpose_lhs_hint = false} : vector<400x512xf32>, vector<8x512xf32>, vector<400x8xf32> -> vector<400x8xf32>
    %get3A_60 = arith.constant 0 : index
    %get3A_61 = arith.constant 0 : index
    %get3A_62 = arith.constant 0 : index
    %get3A_63 = vector.load %arg2[%get3A_60, %get3A_61, %get3A_62] : memref<4x400x128xf32, #tpu.memory_space<vmem>>, vector<1x400x128xf32>
    %get3A_64 = vector.shape_cast %get3A_63 : vector<1x400x128xf32> to vector<400x128xf32>
    %slice3A_65 = vector.extract_strided_slice %get3A_57 {offsets = [0, 512], sizes = [8, 128], strides = [1, 1]} : vector<8x1024xf32> to vector<8x128xf32>
    %dot_general3A_66 = arith.constant dense<0.000000e+00> : vector<400x8xf32>
    %dot_general3A_67 = tpu.matmul %get3A_64, %slice3A_65, %dot_general3A_66 {dimension_numbers = #tpu.dot_dimension_numbers<[1], [1], [0], [0], [0, 0, 1, 0], [], []>, transpose_lhs_hint = false} : vector<400x128xf32>, vector<8x128xf32>, vector<400x8xf32> -> vector<400x8xf32>
    %add3A_68 = arith.addf %dot_general3A_59, %dot_general3A_67 : vector<400x8xf32>
    %get3A_69 = arith.constant 1 : index
    %get3A_70 = arith.constant 0 : index
    %get3A_71 = arith.constant 0 : index
    %get3A_72 = vector.load %arg2[%get3A_69, %get3A_70, %get3A_71] : memref<4x400x128xf32, #tpu.memory_space<vmem>>, vector<1x400x128xf32>
    %get3A_73 = vector.shape_cast %get3A_72 : vector<1x400x128xf32> to vector<400x128xf32>
    %slice3A_74 = vector.extract_strided_slice %get3A_57 {offsets = [0, 640], sizes = [8, 128], strides = [1, 1]} : vector<8x1024xf32> to vector<8x128xf32>
    %dot_general3A_75 = arith.constant dense<0.000000e+00> : vector<400x8xf32>
    %dot_general3A_76 = tpu.matmul %get3A_73, %slice3A_74, %dot_general3A_75 {dimension_numbers = #tpu.dot_dimension_numbers<[1], [1], [0], [0], [0, 0, 1, 0], [], []>, transpose_lhs_hint = false} : vector<400x128xf32>, vector<8x128xf32>, vector<400x8xf32> -> vector<400x8xf32>
    %add3A_77 = arith.addf %add3A_68, %dot_general3A_76 : vector<400x8xf32>
    %get3A_78 = arith.constant 2 : index
    %get3A_79 = arith.constant 0 : index
    %get3A_80 = arith.constant 0 : index
    %get3A_81 = vector.load %arg2[%get3A_78, %get3A_79, %get3A_80] : memref<4x400x128xf32, #tpu.memory_space<vmem>>, vector<1x400x128xf32>
    %get3A_82 = vector.shape_cast %get3A_81 : vector<1x400x128xf32> to vector<400x128xf32>
    %slice3A_83 = vector.extract_strided_slice %get3A_57 {offsets = [0, 768], sizes = [8, 128], strides = [1, 1]} : vector<8x1024xf32> to vector<8x128xf32>
    %dot_general3A_84 = arith.constant dense<0.000000e+00> : vector<400x8xf32>
    %dot_general3A_85 = tpu.matmul %get3A_82, %slice3A_83, %dot_general3A_84 {dimension_numbers = #tpu.dot_dimension_numbers<[1], [1], [0], [0], [0, 0, 1, 0], [], []>, transpose_lhs_hint = false} : vector<400x128xf32>, vector<8x128xf32>, vector<400x8xf32> -> vector<400x8xf32>
    %add3A_86 = arith.addf %add3A_77, %dot_general3A_85 : vector<400x8xf32>
    %get3A_87 = arith.constant 3 : index
    %get3A_88 = arith.constant 0 : index
    %get3A_89 = arith.constant 0 : index
    %get3A_90 = vector.load %arg2[%get3A_87, %get3A_88, %get3A_89] : memref<4x400x128xf32, #tpu.memory_space<vmem>>, vector<1x400x128xf32>
    %get3A_91 = vector.shape_cast %get3A_90 : vector<1x400x128xf32> to vector<400x128xf32>
    %slice3A_92 = vector.extract_strided_slice %get3A_57 {offsets = [0, 896], sizes = [8, 128], strides = [1, 1]} : vector<8x1024xf32> to vector<8x128xf32>
    %dot_general3A_93 = arith.constant dense<0.000000e+00> : vector<400x8xf32>
    %dot_general3A_94 = tpu.matmul %get3A_91, %slice3A_92, %dot_general3A_93 {dimension_numbers = #tpu.dot_dimension_numbers<[1], [1], [0], [0], [0, 0, 1, 0], [], []>, transpose_lhs_hint = false} : vector<400x128xf32>, vector<8x128xf32>, vector<400x8xf32> -> vector<400x8xf32>
    %add3A_95 = arith.addf %add3A_86, %dot_general3A_94 : vector<400x8xf32>
    %iota3A = tpu.iota {dimensions = array<i32: 1>} : vector<400x8xi32>
    %lt3A = arith.constant 7 : i32
    %lt3A_96 = vector.broadcast %lt3A : i32 to vector<400x8xi32>
    %lt3A_97 = arith.cmpi slt, %iota3A, %lt3A_96 : vector<400x8xi32>
    %jit3A = arith.constant 0xFF800000 : f32
    %broadcast_in_dim3A = vector.broadcast %jit3A : f32 to vector<400x8xf32>
    %select_n3A = arith.select %lt3A_97, %add3A_95, %broadcast_in_dim3A : vector<400x8xi1>, vector<400x8xf32>
    %reduce_max3A = arith.constant dense<0xFF800000> : vector<400xf32>
    %reduce_max3A_98 = vector.multi_reduction <maximumf>, %select_n3A, %reduce_max3A [1] : vector<400x8xf32> to vector<400xf32>
    %broadcast_in_dim3A_99 = vector.shape_cast %reduce_max3A_98 : vector<400xf32> to vector<400x1xf32>
    %eq3A = vector.broadcast %broadcast_in_dim3A_99 : vector<400x1xf32> to vector<400x8xf32>
    %eq3A_100 = arith.cmpf oeq, %select_n3A, %eq3A : vector<400x8xf32>
    %jit3A_101 = arith.constant 7 : i32
    %broadcast_in_dim3A_102 = vector.broadcast %jit3A_101 : i32 to vector<400x8xi32>
    %select_n3A_103 = arith.select %eq3A_100, %iota3A, %broadcast_in_dim3A_102 : vector<400x8xi1>, vector<400x8xi32>
    %reduce_min3A = arith.constant dense<2147483647> : vector<400xi32>
    %reduce_min3A_104 = vector.multi_reduction <minsi>, %select_n3A_103, %reduce_min3A [1] : vector<400x8xi32> to vector<400xi32>
    %broadcast_in_dim3A_105 = vector.shape_cast %reduce_min3A_104 : vector<400xi32> to vector<400x1xi32>
    %broadcast_in_dim3A_106 = arith.constant 0.000000e+00 : f32
    %broadcast_in_dim3A_107 = vector.broadcast %broadcast_in_dim3A_106 : f32 to vector<400x64xf32>
    %get3A_108 = arith.constant 0 : index
    %get3A_109 = arith.constant 0 : index
    %get3A_110 = arith.constant 0 : index
    %get3A_111 = vector.load %arg6[%get3A_108, %get3A_109, %get3A_110] : memref<7x64x1024xf32, #tpu.memory_space<vmem>>, vector<1x64x1024xf32>
    %get3A_112 = vector.shape_cast %get3A_111 : vector<1x64x1024xf32> to vector<64x1024xf32>
    %slice3A_113 = vector.extract_strided_slice %get3A_112 {offsets = [0, 0], sizes = [64, 512], strides = [1, 1]} : vector<64x1024xf32> to vector<64x512xf32>
    %dot_general3A_114 = arith.constant dense<0.000000e+00> : vector<400x64xf32>
    %dot_general3A_115 = tpu.matmul %max3A_54, %slice3A_113, %dot_general3A_114 {dimension_numbers = #tpu.dot_dimension_numbers<[1], [1], [0], [0], [0, 0, 1, 0], [], []>, transpose_lhs_hint = false} : vector<400x512xf32>, vector<64x512xf32>, vector<400x64xf32> -> vector<400x64xf32>
    %get3A_116 = arith.constant 0 : index
    %get3A_117 = arith.constant 0 : index
    %get3A_118 = arith.constant 0 : index
    %get3A_119 = vector.load %arg2[%get3A_116, %get3A_117, %get3A_118] : memref<4x400x128xf32, #tpu.memory_space<vmem>>, vector<1x400x128xf32>
    %get3A_120 = vector.shape_cast %get3A_119 : vector<1x400x128xf32> to vector<400x128xf32>
    %slice3A_121 = vector.extract_strided_slice %get3A_112 {offsets = [0, 512], sizes = [64, 128], strides = [1, 1]} : vector<64x1024xf32> to vector<64x128xf32>
    %dot_general3A_122 = arith.constant dense<0.000000e+00> : vector<400x64xf32>
    %dot_general3A_123 = tpu.matmul %get3A_120, %slice3A_121, %dot_general3A_122 {dimension_numbers = #tpu.dot_dimension_numbers<[1], [1], [0], [0], [0, 0, 1, 0], [], []>, transpose_lhs_hint = false} : vector<400x128xf32>, vector<64x128xf32>, vector<400x64xf32> -> vector<400x64xf32>
    %add3A_124 = arith.addf %dot_general3A_115, %dot_general3A_123 : vector<400x64xf32>
    %get3A_125 = arith.constant 1 : index
    %get3A_126 = arith.constant 0 : index
    %get3A_127 = arith.constant 0 : index
    %get3A_128 = vector.load %arg2[%get3A_125, %get3A_126, %get3A_127] : memref<4x400x128xf32, #tpu.memory_space<vmem>>, vector<1x400x128xf32>
    %get3A_129 = vector.shape_cast %get3A_128 : vector<1x400x128xf32> to vector<400x128xf32>
    %slice3A_130 = vector.extract_strided_slice %get3A_112 {offsets = [0, 640], sizes = [64, 128], strides = [1, 1]} : vector<64x1024xf32> to vector<64x128xf32>
    %dot_general3A_131 = arith.constant dense<0.000000e+00> : vector<400x64xf32>
    %dot_general3A_132 = tpu.matmul %get3A_129, %slice3A_130, %dot_general3A_131 {dimension_numbers = #tpu.dot_dimension_numbers<[1], [1], [0], [0], [0, 0, 1, 0], [], []>, transpose_lhs_hint = false} : vector<400x128xf32>, vector<64x128xf32>, vector<400x64xf32> -> vector<400x64xf32>
    %add3A_133 = arith.addf %add3A_124, %dot_general3A_132 : vector<400x64xf32>
    %get3A_134 = arith.constant 2 : index
    %get3A_135 = arith.constant 0 : index
    %get3A_136 = arith.constant 0 : index
    %get3A_137 = vector.load %arg2[%get3A_134, %get3A_135, %get3A_136] : memref<4x400x128xf32, #tpu.memory_space<vmem>>, vector<1x400x128xf32>
    %get3A_138 = vector.shape_cast %get3A_137 : vector<1x400x128xf32> to vector<400x128xf32>
    %slice3A_139 = vector.extract_strided_slice %get3A_112 {offsets = [0, 768], sizes = [64, 128], strides = [1, 1]} : vector<64x1024xf32> to vector<64x128xf32>
    %dot_general3A_140 = arith.constant dense<0.000000e+00> : vector<400x64xf32>
    %dot_general3A_141 = tpu.matmul %get3A_138, %slice3A_139, %dot_general3A_140 {dimension_numbers = #tpu.dot_dimension_numbers<[1], [1], [0], [0], [0, 0, 1, 0], [], []>, transpose_lhs_hint = false} : vector<400x128xf32>, vector<64x128xf32>, vector<400x64xf32> -> vector<400x64xf32>
    %add3A_142 = arith.addf %add3A_133, %dot_general3A_141 : vector<400x64xf32>
    %get3A_143 = arith.constant 3 : index
    %get3A_144 = arith.constant 0 : index
    %get3A_145 = arith.constant 0 : index
    %get3A_146 = vector.load %arg2[%get3A_143, %get3A_144, %get3A_145] : memref<4x400x128xf32, #tpu.memory_space<vmem>>, vector<1x400x128xf32>
    %get3A_147 = vector.shape_cast %get3A_146 : vector<1x400x128xf32> to vector<400x128xf32>
    %slice3A_148 = vector.extract_strided_slice %get3A_112 {offsets = [0, 896], sizes = [64, 128], strides = [1, 1]} : vector<64x1024xf32> to vector<64x128xf32>
    %dot_general3A_149 = arith.constant dense<0.000000e+00> : vector<400x64xf32>
    %dot_general3A_150 = tpu.matmul %get3A_147, %slice3A_148, %dot_general3A_149 {dimension_numbers = #tpu.dot_dimension_numbers<[1], [1], [0], [0], [0, 0, 1, 0], [], []>, transpose_lhs_hint = false} : vector<400x128xf32>, vector<64x128xf32>, vector<400x64xf32> -> vector<400x64xf32>
    %add3A_151 = arith.addf %add3A_142, %dot_general3A_150 : vector<400x64xf32>
    %eq3A_152 = arith.constant 0 : i32
    %eq3A_153 = vector.broadcast %eq3A_152 : i32 to vector<400x1xi32>
    %eq3A_154 = arith.cmpi eq, %broadcast_in_dim3A_105, %eq3A_153 : vector<400x1xi32>
    %jit3A_155 = arith.constant 0.000000e+00 : f32
    %broadcast_in_dim3A_156 = vector.shape_cast %eq3A_154 : vector<400x1xi1> to vector<400x1xi1>
    %broadcast_in_dim3A_157 = vector.broadcast %broadcast_in_dim3A_156 : vector<400x1xi1> to vector<400x64xi1>
    %broadcast_in_dim3A_158 = vector.broadcast %jit3A_155 : f32 to vector<400x64xf32>
    %select_n3A_159 = arith.select %broadcast_in_dim3A_157, %add3A_151, %broadcast_in_dim3A_158 : vector<400x64xi1>, vector<400x64xf32>
    %add3A_160 = arith.addf %broadcast_in_dim3A_107, %select_n3A_159 : vector<400x64xf32>
    %get3A_161 = arith.constant 1 : index
    %get3A_162 = arith.constant 0 : index
    %get3A_163 = arith.constant 0 : index
    %get3A_164 = vector.load %arg6[%get3A_161, %get3A_162, %get3A_163] : memref<7x64x1024xf32, #tpu.memory_space<vmem>>, vector<1x64x1024xf32>
    %get3A_165 = vector.shape_cast %get3A_164 : vector<1x64x1024xf32> to vector<64x1024xf32>
    %slice3A_166 = vector.extract_strided_slice %get3A_165 {offsets = [0, 0], sizes = [64, 512], strides = [1, 1]} : vector<64x1024xf32> to vector<64x512xf32>
    %dot_general3A_167 = arith.constant dense<0.000000e+00> : vector<400x64xf32>
    %dot_general3A_168 = tpu.matmul %max3A_54, %slice3A_166, %dot_general3A_167 {dimension_numbers = #tpu.dot_dimension_numbers<[1], [1], [0], [0], [0, 0, 1, 0], [], []>, transpose_lhs_hint = false} : vector<400x512xf32>, vector<64x512xf32>, vector<400x64xf32> -> vector<400x64xf32>
    %get3A_169 = arith.constant 0 : index
    %get3A_170 = arith.constant 0 : index
    %get3A_171 = arith.constant 0 : index
    %get3A_172 = vector.load %arg2[%get3A_169, %get3A_170, %get3A_171] : memref<4x400x128xf32, #tpu.memory_space<vmem>>, vector<1x400x128xf32>
    %get3A_173 = vector.shape_cast %get3A_172 : vector<1x400x128xf32> to vector<400x128xf32>
    %slice3A_174 = vector.extract_strided_slice %get3A_165 {offsets = [0, 512], sizes = [64, 128], strides = [1, 1]} : vector<64x1024xf32> to vector<64x128xf32>
    %dot_general3A_175 = arith.constant dense<0.000000e+00> : vector<400x64xf32>
    %dot_general3A_176 = tpu.matmul %get3A_173, %slice3A_174, %dot_general3A_175 {dimension_numbers = #tpu.dot_dimension_numbers<[1], [1], [0], [0], [0, 0, 1, 0], [], []>, transpose_lhs_hint = false} : vector<400x128xf32>, vector<64x128xf32>, vector<400x64xf32> -> vector<400x64xf32>
    %add3A_177 = arith.addf %dot_general3A_168, %dot_general3A_176 : vector<400x64xf32>
    %get3A_178 = arith.constant 1 : index
    %get3A_179 = arith.constant 0 : index
    %get3A_180 = arith.constant 0 : index
    %get3A_181 = vector.load %arg2[%get3A_178, %get3A_179, %get3A_180] : memref<4x400x128xf32, #tpu.memory_space<vmem>>, vector<1x400x128xf32>
    %get3A_182 = vector.shape_cast %get3A_181 : vector<1x400x128xf32> to vector<400x128xf32>
    %slice3A_183 = vector.extract_strided_slice %get3A_165 {offsets = [0, 640], sizes = [64, 128], strides = [1, 1]} : vector<64x1024xf32> to vector<64x128xf32>
    %dot_general3A_184 = arith.constant dense<0.000000e+00> : vector<400x64xf32>
    %dot_general3A_185 = tpu.matmul %get3A_182, %slice3A_183, %dot_general3A_184 {dimension_numbers = #tpu.dot_dimension_numbers<[1], [1], [0], [0], [0, 0, 1, 0], [], []>, transpose_lhs_hint = false} : vector<400x128xf32>, vector<64x128xf32>, vector<400x64xf32> -> vector<400x64xf32>
    %add3A_186 = arith.addf %add3A_177, %dot_general3A_185 : vector<400x64xf32>
    %get3A_187 = arith.constant 2 : index
    %get3A_188 = arith.constant 0 : index
    %get3A_189 = arith.constant 0 : index
    %get3A_190 = vector.load %arg2[%get3A_187, %get3A_188, %get3A_189] : memref<4x400x128xf32, #tpu.memory_space<vmem>>, vector<1x400x128xf32>
    %get3A_191 = vector.shape_cast %get3A_190 : vector<1x400x128xf32> to vector<400x128xf32>
    %slice3A_192 = vector.extract_strided_slice %get3A_165 {offsets = [0, 768], sizes = [64, 128], strides = [1, 1]} : vector<64x1024xf32> to vector<64x128xf32>
    %dot_general3A_193 = arith.constant dense<0.000000e+00> : vector<400x64xf32>
    %dot_general3A_194 = tpu.matmul %get3A_191, %slice3A_192, %dot_general3A_193 {dimension_numbers = #tpu.dot_dimension_numbers<[1], [1], [0], [0], [0, 0, 1, 0], [], []>, transpose_lhs_hint = false} : vector<400x128xf32>, vector<64x128xf32>, vector<400x64xf32> -> vector<400x64xf32>
    %add3A_195 = arith.addf %add3A_186, %dot_general3A_194 : vector<400x64xf32>
    %get3A_196 = arith.constant 3 : index
    %get3A_197 = arith.constant 0 : index
    %get3A_198 = arith.constant 0 : index
    %get3A_199 = vector.load %arg2[%get3A_196, %get3A_197, %get3A_198] : memref<4x400x128xf32, #tpu.memory_space<vmem>>, vector<1x400x128xf32>
    %get3A_200 = vector.shape_cast %get3A_199 : vector<1x400x128xf32> to vector<400x128xf32>
    %slice3A_201 = vector.extract_strided_slice %get3A_165 {offsets = [0, 896], sizes = [64, 128], strides = [1, 1]} : vector<64x1024xf32> to vector<64x128xf32>
    %dot_general3A_202 = arith.constant dense<0.000000e+00> : vector<400x64xf32>
    %dot_general3A_203 = tpu.matmul %get3A_200, %slice3A_201, %dot_general3A_202 {dimension_numbers = #tpu.dot_dimension_numbers<[1], [1], [0], [0], [0, 0, 1, 0], [], []>, transpose_lhs_hint = false} : vector<400x128xf32>, vector<64x128xf32>, vector<400x64xf32> -> vector<400x64xf32>
    %add3A_204 = arith.addf %add3A_195, %dot_general3A_203 : vector<400x64xf32>
    %eq3A_205 = arith.constant 1 : i32
    %eq3A_206 = vector.broadcast %eq3A_205 : i32 to vector<400x1xi32>
    %eq3A_207 = arith.cmpi eq, %broadcast_in_dim3A_105, %eq3A_206 : vector<400x1xi32>
    %jit3A_208 = arith.constant 0.000000e+00 : f32
    %broadcast_in_dim3A_209 = vector.shape_cast %eq3A_207 : vector<400x1xi1> to vector<400x1xi1>
    %broadcast_in_dim3A_210 = vector.broadcast %broadcast_in_dim3A_209 : vector<400x1xi1> to vector<400x64xi1>
    %broadcast_in_dim3A_211 = vector.broadcast %jit3A_208 : f32 to vector<400x64xf32>
    %select_n3A_212 = arith.select %broadcast_in_dim3A_210, %add3A_204, %broadcast_in_dim3A_211 : vector<400x64xi1>, vector<400x64xf32>
    %add3A_213 = arith.addf %add3A_160, %select_n3A_212 : vector<400x64xf32>
    %get3A_214 = arith.constant 2 : index
    %get3A_215 = arith.constant 0 : index
    %get3A_216 = arith.constant 0 : index
    %get3A_217 = vector.load %arg6[%get3A_214, %get3A_215, %get3A_216] : memref<7x64x1024xf32, #tpu.memory_space<vmem>>, vector<1x64x1024xf32>
    %get3A_218 = vector.shape_cast %get3A_217 : vector<1x64x1024xf32> to vector<64x1024xf32>
    %slice3A_219 = vector.extract_strided_slice %get3A_218 {offsets = [0, 0], sizes = [64, 512], strides = [1, 1]} : vector<64x1024xf32> to vector<64x512xf32>
    %dot_general3A_220 = arith.constant dense<0.000000e+00> : vector<400x64xf32>
    %dot_general3A_221 = tpu.matmul %max3A_54, %slice3A_219, %dot_general3A_220 {dimension_numbers = #tpu.dot_dimension_numbers<[1], [1], [0], [0], [0, 0, 1, 0], [], []>, transpose_lhs_hint = false} : vector<400x512xf32>, vector<64x512xf32>, vector<400x64xf32> -> vector<400x64xf32>
    %get3A_222 = arith.constant 0 : index
    %get3A_223 = arith.constant 0 : index
    %get3A_224 = arith.constant 0 : index
    %get3A_225 = vector.load %arg2[%get3A_222, %get3A_223, %get3A_224] : memref<4x400x128xf32, #tpu.memory_space<vmem>>, vector<1x400x128xf32>
    %get3A_226 = vector.shape_cast %get3A_225 : vector<1x400x128xf32> to vector<400x128xf32>
    %slice3A_227 = vector.extract_strided_slice %get3A_218 {offsets = [0, 512], sizes = [64, 128], strides = [1, 1]} : vector<64x1024xf32> to vector<64x128xf32>
    %dot_general3A_228 = arith.constant dense<0.000000e+00> : vector<400x64xf32>
    %dot_general3A_229 = tpu.matmul %get3A_226, %slice3A_227, %dot_general3A_228 {dimension_numbers = #tpu.dot_dimension_numbers<[1], [1], [0], [0], [0, 0, 1, 0], [], []>, transpose_lhs_hint = false} : vector<400x128xf32>, vector<64x128xf32>, vector<400x64xf32> -> vector<400x64xf32>
    %add3A_230 = arith.addf %dot_general3A_221, %dot_general3A_229 : vector<400x64xf32>
    %get3A_231 = arith.constant 1 : index
    %get3A_232 = arith.constant 0 : index
    %get3A_233 = arith.constant 0 : index
    %get3A_234 = vector.load %arg2[%get3A_231, %get3A_232, %get3A_233] : memref<4x400x128xf32, #tpu.memory_space<vmem>>, vector<1x400x128xf32>
    %get3A_235 = vector.shape_cast %get3A_234 : vector<1x400x128xf32> to vector<400x128xf32>
    %slice3A_236 = vector.extract_strided_slice %get3A_218 {offsets = [0, 640], sizes = [64, 128], strides = [1, 1]} : vector<64x1024xf32> to vector<64x128xf32>
    %dot_general3A_237 = arith.constant dense<0.000000e+00> : vector<400x64xf32>
    %dot_general3A_238 = tpu.matmul %get3A_235, %slice3A_236, %dot_general3A_237 {dimension_numbers = #tpu.dot_dimension_numbers<[1], [1], [0], [0], [0, 0, 1, 0], [], []>, transpose_lhs_hint = false} : vector<400x128xf32>, vector<64x128xf32>, vector<400x64xf32> -> vector<400x64xf32>
    %add3A_239 = arith.addf %add3A_230, %dot_general3A_238 : vector<400x64xf32>
    %get3A_240 = arith.constant 2 : index
    %get3A_241 = arith.constant 0 : index
    %get3A_242 = arith.constant 0 : index
    %get3A_243 = vector.load %arg2[%get3A_240, %get3A_241, %get3A_242] : memref<4x400x128xf32, #tpu.memory_space<vmem>>, vector<1x400x128xf32>
    %get3A_244 = vector.shape_cast %get3A_243 : vector<1x400x128xf32> to vector<400x128xf32>
    %slice3A_245 = vector.extract_strided_slice %get3A_218 {offsets = [0, 768], sizes = [64, 128], strides = [1, 1]} : vector<64x1024xf32> to vector<64x128xf32>
    %dot_general3A_246 = arith.constant dense<0.000000e+00> : vector<400x64xf32>
    %dot_general3A_247 = tpu.matmul %get3A_244, %slice3A_245, %dot_general3A_246 {dimension_numbers = #tpu.dot_dimension_numbers<[1], [1], [0], [0], [0, 0, 1, 0], [], []>, transpose_lhs_hint = false} : vector<400x128xf32>, vector<64x128xf32>, vector<400x64xf32> -> vector<400x64xf32>
    %add3A_248 = arith.addf %add3A_239, %dot_general3A_247 : vector<400x64xf32>
    %get3A_249 = arith.constant 3 : index
    %get3A_250 = arith.constant 0 : index
    %get3A_251 = arith.constant 0 : index
    %get3A_252 = vector.load %arg2[%get3A_249, %get3A_250, %get3A_251] : memref<4x400x128xf32, #tpu.memory_space<vmem>>, vector<1x400x128xf32>
    %get3A_253 = vector.shape_cast %get3A_252 : vector<1x400x128xf32> to vector<400x128xf32>
    %slice3A_254 = vector.extract_strided_slice %get3A_218 {offsets = [0, 896], sizes = [64, 128], strides = [1, 1]} : vector<64x1024xf32> to vector<64x128xf32>
    %dot_general3A_255 = arith.constant dense<0.000000e+00> : vector<400x64xf32>
    %dot_general3A_256 = tpu.matmul %get3A_253, %slice3A_254, %dot_general3A_255 {dimension_numbers = #tpu.dot_dimension_numbers<[1], [1], [0], [0], [0, 0, 1, 0], [], []>, transpose_lhs_hint = false} : vector<400x128xf32>, vector<64x128xf32>, vector<400x64xf32> -> vector<400x64xf32>
    %add3A_257 = arith.addf %add3A_248, %dot_general3A_256 : vector<400x64xf32>
    %eq3A_258 = arith.constant 2 : i32
    %eq3A_259 = vector.broadcast %eq3A_258 : i32 to vector<400x1xi32>
    %eq3A_260 = arith.cmpi eq, %broadcast_in_dim3A_105, %eq3A_259 : vector<400x1xi32>
    %jit3A_261 = arith.constant 0.000000e+00 : f32
    %broadcast_in_dim3A_262 = vector.shape_cast %eq3A_260 : vector<400x1xi1> to vector<400x1xi1>
    %broadcast_in_dim3A_263 = vector.broadcast %broadcast_in_dim3A_262 : vector<400x1xi1> to vector<400x64xi1>
    %broadcast_in_dim3A_264 = vector.broadcast %jit3A_261 : f32 to vector<400x64xf32>
    %select_n3A_265 = arith.select %broadcast_in_dim3A_263, %add3A_257, %broadcast_in_dim3A_264 : vector<400x64xi1>, vector<400x64xf32>
    %add3A_266 = arith.addf %add3A_213, %select_n3A_265 : vector<400x64xf32>
    %get3A_267 = arith.constant 3 : index
    %get3A_268 = arith.constant 0 : index
    %get3A_269 = arith.constant 0 : index
    %get3A_270 = vector.load %arg6[%get3A_267, %get3A_268, %get3A_269] : memref<7x64x1024xf32, #tpu.memory_space<vmem>>, vector<1x64x1024xf32>
    %get3A_271 = vector.shape_cast %get3A_270 : vector<1x64x1024xf32> to vector<64x1024xf32>
    %slice3A_272 = vector.extract_strided_slice %get3A_271 {offsets = [0, 0], sizes = [64, 512], strides = [1, 1]} : vector<64x1024xf32> to vector<64x512xf32>
    %dot_general3A_273 = arith.constant dense<0.000000e+00> : vector<400x64xf32>
    %dot_general3A_274 = tpu.matmul %max3A_54, %slice3A_272, %dot_general3A_273 {dimension_numbers = #tpu.dot_dimension_numbers<[1], [1], [0], [0], [0, 0, 1, 0], [], []>, transpose_lhs_hint = false} : vector<400x512xf32>, vector<64x512xf32>, vector<400x64xf32> -> vector<400x64xf32>
    %get3A_275 = arith.constant 0 : index
    %get3A_276 = arith.constant 0 : index
    %get3A_277 = arith.constant 0 : index
    %get3A_278 = vector.load %arg2[%get3A_275, %get3A_276, %get3A_277] : memref<4x400x128xf32, #tpu.memory_space<vmem>>, vector<1x400x128xf32>
    %get3A_279 = vector.shape_cast %get3A_278 : vector<1x400x128xf32> to vector<400x128xf32>
    %slice3A_280 = vector.extract_strided_slice %get3A_271 {offsets = [0, 512], sizes = [64, 128], strides = [1, 1]} : vector<64x1024xf32> to vector<64x128xf32>
    %dot_general3A_281 = arith.constant dense<0.000000e+00> : vector<400x64xf32>
    %dot_general3A_282 = tpu.matmul %get3A_279, %slice3A_280, %dot_general3A_281 {dimension_numbers = #tpu.dot_dimension_numbers<[1], [1], [0], [0], [0, 0, 1, 0], [], []>, transpose_lhs_hint = false} : vector<400x128xf32>, vector<64x128xf32>, vector<400x64xf32> -> vector<400x64xf32>
    %add3A_283 = arith.addf %dot_general3A_274, %dot_general3A_282 : vector<400x64xf32>
    %get3A_284 = arith.constant 1 : index
    %get3A_285 = arith.constant 0 : index
    %get3A_286 = arith.constant 0 : index
    %get3A_287 = vector.load %arg2[%get3A_284, %get3A_285, %get3A_286] : memref<4x400x128xf32, #tpu.memory_space<vmem>>, vector<1x400x128xf32>
    %get3A_288 = vector.shape_cast %get3A_287 : vector<1x400x128xf32> to vector<400x128xf32>
    %slice3A_289 = vector.extract_strided_slice %get3A_271 {offsets = [0, 640], sizes = [64, 128], strides = [1, 1]} : vector<64x1024xf32> to vector<64x128xf32>
    %dot_general3A_290 = arith.constant dense<0.000000e+00> : vector<400x64xf32>
    %dot_general3A_291 = tpu.matmul %get3A_288, %slice3A_289, %dot_general3A_290 {dimension_numbers = #tpu.dot_dimension_numbers<[1], [1], [0], [0], [0, 0, 1, 0], [], []>, transpose_lhs_hint = false} : vector<400x128xf32>, vector<64x128xf32>, vector<400x64xf32> -> vector<400x64xf32>
    %add3A_292 = arith.addf %add3A_283, %dot_general3A_291 : vector<400x64xf32>
    %get3A_293 = arith.constant 2 : index
    %get3A_294 = arith.constant 0 : index
    %get3A_295 = arith.constant 0 : index
    %get3A_296 = vector.load %arg2[%get3A_293, %get3A_294, %get3A_295] : memref<4x400x128xf32, #tpu.memory_space<vmem>>, vector<1x400x128xf32>
    %get3A_297 = vector.shape_cast %get3A_296 : vector<1x400x128xf32> to vector<400x128xf32>
    %slice3A_298 = vector.extract_strided_slice %get3A_271 {offsets = [0, 768], sizes = [64, 128], strides = [1, 1]} : vector<64x1024xf32> to vector<64x128xf32>
    %dot_general3A_299 = arith.constant dense<0.000000e+00> : vector<400x64xf32>
    %dot_general3A_300 = tpu.matmul %get3A_297, %slice3A_298, %dot_general3A_299 {dimension_numbers = #tpu.dot_dimension_numbers<[1], [1], [0], [0], [0, 0, 1, 0], [], []>, transpose_lhs_hint = false} : vector<400x128xf32>, vector<64x128xf32>, vector<400x64xf32> -> vector<400x64xf32>
    %add3A_301 = arith.addf %add3A_292, %dot_general3A_300 : vector<400x64xf32>
    %get3A_302 = arith.constant 3 : index
    %get3A_303 = arith.constant 0 : index
    %get3A_304 = arith.constant 0 : index
    %get3A_305 = vector.load %arg2[%get3A_302, %get3A_303, %get3A_304] : memref<4x400x128xf32, #tpu.memory_space<vmem>>, vector<1x400x128xf32>
    %get3A_306 = vector.shape_cast %get3A_305 : vector<1x400x128xf32> to vector<400x128xf32>
    %slice3A_307 = vector.extract_strided_slice %get3A_271 {offsets = [0, 896], sizes = [64, 128], strides = [1, 1]} : vector<64x1024xf32> to vector<64x128xf32>
    %dot_general3A_308 = arith.constant dense<0.000000e+00> : vector<400x64xf32>
    %dot_general3A_309 = tpu.matmul %get3A_306, %slice3A_307, %dot_general3A_308 {dimension_numbers = #tpu.dot_dimension_numbers<[1], [1], [0], [0], [0, 0, 1, 0], [], []>, transpose_lhs_hint = false} : vector<400x128xf32>, vector<64x128xf32>, vector<400x64xf32> -> vector<400x64xf32>
    %add3A_310 = arith.addf %add3A_301, %dot_general3A_309 : vector<400x64xf32>
    %eq3A_311 = arith.constant 3 : i32
    %eq3A_312 = vector.broadcast %eq3A_311 : i32 to vector<400x1xi32>
    %eq3A_313 = arith.cmpi eq, %broadcast_in_dim3A_105, %eq3A_312 : vector<400x1xi32>
    %jit3A_314 = arith.constant 0.000000e+00 : f32
    %broadcast_in_dim3A_315 = vector.shape_cast %eq3A_313 : vector<400x1xi1> to vector<400x1xi1>
    %broadcast_in_dim3A_316 = vector.broadcast %broadcast_in_dim3A_315 : vector<400x1xi1> to vector<400x64xi1>
    %broadcast_in_dim3A_317 = vector.broadcast %jit3A_314 : f32 to vector<400x64xf32>
    %select_n3A_318 = arith.select %broadcast_in_dim3A_316, %add3A_310, %broadcast_in_dim3A_317 : vector<400x64xi1>, vector<400x64xf32>
    %add3A_319 = arith.addf %add3A_266, %select_n3A_318 : vector<400x64xf32>
    %get3A_320 = arith.constant 4 : index
    %get3A_321 = arith.constant 0 : index
    %get3A_322 = arith.constant 0 : index
    %get3A_323 = vector.load %arg6[%get3A_320, %get3A_321, %get3A_322] : memref<7x64x1024xf32, #tpu.memory_space<vmem>>, vector<1x64x1024xf32>
    %get3A_324 = vector.shape_cast %get3A_323 : vector<1x64x1024xf32> to vector<64x1024xf32>
    %slice3A_325 = vector.extract_strided_slice %get3A_324 {offsets = [0, 0], sizes = [64, 512], strides = [1, 1]} : vector<64x1024xf32> to vector<64x512xf32>
    %dot_general3A_326 = arith.constant dense<0.000000e+00> : vector<400x64xf32>
    %dot_general3A_327 = tpu.matmul %max3A_54, %slice3A_325, %dot_general3A_326 {dimension_numbers = #tpu.dot_dimension_numbers<[1], [1], [0], [0], [0, 0, 1, 0], [], []>, transpose_lhs_hint = false} : vector<400x512xf32>, vector<64x512xf32>, vector<400x64xf32> -> vector<400x64xf32>
    %get3A_328 = arith.constant 0 : index
    %get3A_329 = arith.constant 0 : index
    %get3A_330 = arith.constant 0 : index
    %get3A_331 = vector.load %arg2[%get3A_328, %get3A_329, %get3A_330] : memref<4x400x128xf32, #tpu.memory_space<vmem>>, vector<1x400x128xf32>
    %get3A_332 = vector.shape_cast %get3A_331 : vector<1x400x128xf32> to vector<400x128xf32>
    %slice3A_333 = vector.extract_strided_slice %get3A_324 {offsets = [0, 512], sizes = [64, 128], strides = [1, 1]} : vector<64x1024xf32> to vector<64x128xf32>
    %dot_general3A_334 = arith.constant dense<0.000000e+00> : vector<400x64xf32>
    %dot_general3A_335 = tpu.matmul %get3A_332, %slice3A_333, %dot_general3A_334 {dimension_numbers = #tpu.dot_dimension_numbers<[1], [1], [0], [0], [0, 0, 1, 0], [], []>, transpose_lhs_hint = false} : vector<400x128xf32>, vector<64x128xf32>, vector<400x64xf32> -> vector<400x64xf32>
    %add3A_336 = arith.addf %dot_general3A_327, %dot_general3A_335 : vector<400x64xf32>
    %get3A_337 = arith.constant 1 : index
    %get3A_338 = arith.constant 0 : index
    %get3A_339 = arith.constant 0 : index
    %get3A_340 = vector.load %arg2[%get3A_337, %get3A_338, %get3A_339] : memref<4x400x128xf32, #tpu.memory_space<vmem>>, vector<1x400x128xf32>
    %get3A_341 = vector.shape_cast %get3A_340 : vector<1x400x128xf32> to vector<400x128xf32>
    %slice3A_342 = vector.extract_strided_slice %get3A_324 {offsets = [0, 640], sizes = [64, 128], strides = [1, 1]} : vector<64x1024xf32> to vector<64x128xf32>
    %dot_general3A_343 = arith.constant dense<0.000000e+00> : vector<400x64xf32>
    %dot_general3A_344 = tpu.matmul %get3A_341, %slice3A_342, %dot_general3A_343 {dimension_numbers = #tpu.dot_dimension_numbers<[1], [1], [0], [0], [0, 0, 1, 0], [], []>, transpose_lhs_hint = false} : vector<400x128xf32>, vector<64x128xf32>, vector<400x64xf32> -> vector<400x64xf32>
    %add3A_345 = arith.addf %add3A_336, %dot_general3A_344 : vector<400x64xf32>
    %get3A_346 = arith.constant 2 : index
    %get3A_347 = arith.constant 0 : index
    %get3A_348 = arith.constant 0 : index
    %get3A_349 = vector.load %arg2[%get3A_346, %get3A_347, %get3A_348] : memref<4x400x128xf32, #tpu.memory_space<vmem>>, vector<1x400x128xf32>
    %get3A_350 = vector.shape_cast %get3A_349 : vector<1x400x128xf32> to vector<400x128xf32>
    %slice3A_351 = vector.extract_strided_slice %get3A_324 {offsets = [0, 768], sizes = [64, 128], strides = [1, 1]} : vector<64x1024xf32> to vector<64x128xf32>
    %dot_general3A_352 = arith.constant dense<0.000000e+00> : vector<400x64xf32>
    %dot_general3A_353 = tpu.matmul %get3A_350, %slice3A_351, %dot_general3A_352 {dimension_numbers = #tpu.dot_dimension_numbers<[1], [1], [0], [0], [0, 0, 1, 0], [], []>, transpose_lhs_hint = false} : vector<400x128xf32>, vector<64x128xf32>, vector<400x64xf32> -> vector<400x64xf32>
    %add3A_354 = arith.addf %add3A_345, %dot_general3A_353 : vector<400x64xf32>
    %get3A_355 = arith.constant 3 : index
    %get3A_356 = arith.constant 0 : index
    %get3A_357 = arith.constant 0 : index
    %get3A_358 = vector.load %arg2[%get3A_355, %get3A_356, %get3A_357] : memref<4x400x128xf32, #tpu.memory_space<vmem>>, vector<1x400x128xf32>
    %get3A_359 = vector.shape_cast %get3A_358 : vector<1x400x128xf32> to vector<400x128xf32>
    %slice3A_360 = vector.extract_strided_slice %get3A_324 {offsets = [0, 896], sizes = [64, 128], strides = [1, 1]} : vector<64x1024xf32> to vector<64x128xf32>
    %dot_general3A_361 = arith.constant dense<0.000000e+00> : vector<400x64xf32>
    %dot_general3A_362 = tpu.matmul %get3A_359, %slice3A_360, %dot_general3A_361 {dimension_numbers = #tpu.dot_dimension_numbers<[1], [1], [0], [0], [0, 0, 1, 0], [], []>, transpose_lhs_hint = false} : vector<400x128xf32>, vector<64x128xf32>, vector<400x64xf32> -> vector<400x64xf32>
    %add3A_363 = arith.addf %add3A_354, %dot_general3A_362 : vector<400x64xf32>
    %eq3A_364 = arith.constant 4 : i32
    %eq3A_365 = vector.broadcast %eq3A_364 : i32 to vector<400x1xi32>
    %eq3A_366 = arith.cmpi eq, %broadcast_in_dim3A_105, %eq3A_365 : vector<400x1xi32>
    %jit3A_367 = arith.constant 0.000000e+00 : f32
    %broadcast_in_dim3A_368 = vector.shape_cast %eq3A_366 : vector<400x1xi1> to vector<400x1xi1>
    %broadcast_in_dim3A_369 = vector.broadcast %broadcast_in_dim3A_368 : vector<400x1xi1> to vector<400x64xi1>
    %broadcast_in_dim3A_370 = vector.broadcast %jit3A_367 : f32 to vector<400x64xf32>
    %select_n3A_371 = arith.select %broadcast_in_dim3A_369, %add3A_363, %broadcast_in_dim3A_370 : vector<400x64xi1>, vector<400x64xf32>
    %add3A_372 = arith.addf %add3A_319, %select_n3A_371 : vector<400x64xf32>
    %get3A_373 = arith.constant 5 : index
    %get3A_374 = arith.constant 0 : index
    %get3A_375 = arith.constant 0 : index
    %get3A_376 = vector.load %arg6[%get3A_373, %get3A_374, %get3A_375] : memref<7x64x1024xf32, #tpu.memory_space<vmem>>, vector<1x64x1024xf32>
    %get3A_377 = vector.shape_cast %get3A_376 : vector<1x64x1024xf32> to vector<64x1024xf32>
    %slice3A_378 = vector.extract_strided_slice %get3A_377 {offsets = [0, 0], sizes = [64, 512], strides = [1, 1]} : vector<64x1024xf32> to vector<64x512xf32>
    %dot_general3A_379 = arith.constant dense<0.000000e+00> : vector<400x64xf32>
    %dot_general3A_380 = tpu.matmul %max3A_54, %slice3A_378, %dot_general3A_379 {dimension_numbers = #tpu.dot_dimension_numbers<[1], [1], [0], [0], [0, 0, 1, 0], [], []>, transpose_lhs_hint = false} : vector<400x512xf32>, vector<64x512xf32>, vector<400x64xf32> -> vector<400x64xf32>
    %get3A_381 = arith.constant 0 : index
    %get3A_382 = arith.constant 0 : index
    %get3A_383 = arith.constant 0 : index
    %get3A_384 = vector.load %arg2[%get3A_381, %get3A_382, %get3A_383] : memref<4x400x128xf32, #tpu.memory_space<vmem>>, vector<1x400x128xf32>
    %get3A_385 = vector.shape_cast %get3A_384 : vector<1x400x128xf32> to vector<400x128xf32>
    %slice3A_386 = vector.extract_strided_slice %get3A_377 {offsets = [0, 512], sizes = [64, 128], strides = [1, 1]} : vector<64x1024xf32> to vector<64x128xf32>
    %dot_general3A_387 = arith.constant dense<0.000000e+00> : vector<400x64xf32>
    %dot_general3A_388 = tpu.matmul %get3A_385, %slice3A_386, %dot_general3A_387 {dimension_numbers = #tpu.dot_dimension_numbers<[1], [1], [0], [0], [0, 0, 1, 0], [], []>, transpose_lhs_hint = false} : vector<400x128xf32>, vector<64x128xf32>, vector<400x64xf32> -> vector<400x64xf32>
    %add3A_389 = arith.addf %dot_general3A_380, %dot_general3A_388 : vector<400x64xf32>
    %get3A_390 = arith.constant 1 : index
    %get3A_391 = arith.constant 0 : index
    %get3A_392 = arith.constant 0 : index
    %get3A_393 = vector.load %arg2[%get3A_390, %get3A_391, %get3A_392] : memref<4x400x128xf32, #tpu.memory_space<vmem>>, vector<1x400x128xf32>
    %get3A_394 = vector.shape_cast %get3A_393 : vector<1x400x128xf32> to vector<400x128xf32>
    %slice3A_395 = vector.extract_strided_slice %get3A_377 {offsets = [0, 640], sizes = [64, 128], strides = [1, 1]} : vector<64x1024xf32> to vector<64x128xf32>
    %dot_general3A_396 = arith.constant dense<0.000000e+00> : vector<400x64xf32>
    %dot_general3A_397 = tpu.matmul %get3A_394, %slice3A_395, %dot_general3A_396 {dimension_numbers = #tpu.dot_dimension_numbers<[1], [1], [0], [0], [0, 0, 1, 0], [], []>, transpose_lhs_hint = false} : vector<400x128xf32>, vector<64x128xf32>, vector<400x64xf32> -> vector<400x64xf32>
    %add3A_398 = arith.addf %add3A_389, %dot_general3A_397 : vector<400x64xf32>
    %get3A_399 = arith.constant 2 : index
    %get3A_400 = arith.constant 0 : index
    %get3A_401 = arith.constant 0 : index
    %get3A_402 = vector.load %arg2[%get3A_399, %get3A_400, %get3A_401] : memref<4x400x128xf32, #tpu.memory_space<vmem>>, vector<1x400x128xf32>
    %get3A_403 = vector.shape_cast %get3A_402 : vector<1x400x128xf32> to vector<400x128xf32>
    %slice3A_404 = vector.extract_strided_slice %get3A_377 {offsets = [0, 768], sizes = [64, 128], strides = [1, 1]} : vector<64x1024xf32> to vector<64x128xf32>
    %dot_general3A_405 = arith.constant dense<0.000000e+00> : vector<400x64xf32>
    %dot_general3A_406 = tpu.matmul %get3A_403, %slice3A_404, %dot_general3A_405 {dimension_numbers = #tpu.dot_dimension_numbers<[1], [1], [0], [0], [0, 0, 1, 0], [], []>, transpose_lhs_hint = false} : vector<400x128xf32>, vector<64x128xf32>, vector<400x64xf32> -> vector<400x64xf32>
    %add3A_407 = arith.addf %add3A_398, %dot_general3A_406 : vector<400x64xf32>
    %get3A_408 = arith.constant 3 : index
    %get3A_409 = arith.constant 0 : index
    %get3A_410 = arith.constant 0 : index
    %get3A_411 = vector.load %arg2[%get3A_408, %get3A_409, %get3A_410] : memref<4x400x128xf32, #tpu.memory_space<vmem>>, vector<1x400x128xf32>
    %get3A_412 = vector.shape_cast %get3A_411 : vector<1x400x128xf32> to vector<400x128xf32>
    %slice3A_413 = vector.extract_strided_slice %get3A_377 {offsets = [0, 896], sizes = [64, 128], strides = [1, 1]} : vector<64x1024xf32> to vector<64x128xf32>
    %dot_general3A_414 = arith.constant dense<0.000000e+00> : vector<400x64xf32>
    %dot_general3A_415 = tpu.matmul %get3A_412, %slice3A_413, %dot_general3A_414 {dimension_numbers = #tpu.dot_dimension_numbers<[1], [1], [0], [0], [0, 0, 1, 0], [], []>, transpose_lhs_hint = false} : vector<400x128xf32>, vector<64x128xf32>, vector<400x64xf32> -> vector<400x64xf32>
    %add3A_416 = arith.addf %add3A_407, %dot_general3A_415 : vector<400x64xf32>
    %eq3A_417 = arith.constant 5 : i32
    %eq3A_418 = vector.broadcast %eq3A_417 : i32 to vector<400x1xi32>
    %eq3A_419 = arith.cmpi eq, %broadcast_in_dim3A_105, %eq3A_418 : vector<400x1xi32>
    %jit3A_420 = arith.constant 0.000000e+00 : f32
    %broadcast_in_dim3A_421 = vector.shape_cast %eq3A_419 : vector<400x1xi1> to vector<400x1xi1>
    %broadcast_in_dim3A_422 = vector.broadcast %broadcast_in_dim3A_421 : vector<400x1xi1> to vector<400x64xi1>
    %broadcast_in_dim3A_423 = vector.broadcast %jit3A_420 : f32 to vector<400x64xf32>
    %select_n3A_424 = arith.select %broadcast_in_dim3A_422, %add3A_416, %broadcast_in_dim3A_423 : vector<400x64xi1>, vector<400x64xf32>
    %add3A_425 = arith.addf %add3A_372, %select_n3A_424 : vector<400x64xf32>
    %get3A_426 = arith.constant 6 : index
    %get3A_427 = arith.constant 0 : index
    %get3A_428 = arith.constant 0 : index
    %get3A_429 = vector.load %arg6[%get3A_426, %get3A_427, %get3A_428] : memref<7x64x1024xf32, #tpu.memory_space<vmem>>, vector<1x64x1024xf32>
    %get3A_430 = vector.shape_cast %get3A_429 : vector<1x64x1024xf32> to vector<64x1024xf32>
    %slice3A_431 = vector.extract_strided_slice %get3A_430 {offsets = [0, 0], sizes = [64, 512], strides = [1, 1]} : vector<64x1024xf32> to vector<64x512xf32>
    %dot_general3A_432 = arith.constant dense<0.000000e+00> : vector<400x64xf32>
    %dot_general3A_433 = tpu.matmul %max3A_54, %slice3A_431, %dot_general3A_432 {dimension_numbers = #tpu.dot_dimension_numbers<[1], [1], [0], [0], [0, 0, 1, 0], [], []>, transpose_lhs_hint = false} : vector<400x512xf32>, vector<64x512xf32>, vector<400x64xf32> -> vector<400x64xf32>
    %get3A_434 = arith.constant 0 : index
    %get3A_435 = arith.constant 0 : index
    %get3A_436 = arith.constant 0 : index
    %get3A_437 = vector.load %arg2[%get3A_434, %get3A_435, %get3A_436] : memref<4x400x128xf32, #tpu.memory_space<vmem>>, vector<1x400x128xf32>
    %get3A_438 = vector.shape_cast %get3A_437 : vector<1x400x128xf32> to vector<400x128xf32>
    %slice3A_439 = vector.extract_strided_slice %get3A_430 {offsets = [0, 512], sizes = [64, 128], strides = [1, 1]} : vector<64x1024xf32> to vector<64x128xf32>
    %dot_general3A_440 = arith.constant dense<0.000000e+00> : vector<400x64xf32>
    %dot_general3A_441 = tpu.matmul %get3A_438, %slice3A_439, %dot_general3A_440 {dimension_numbers = #tpu.dot_dimension_numbers<[1], [1], [0], [0], [0, 0, 1, 0], [], []>, transpose_lhs_hint = false} : vector<400x128xf32>, vector<64x128xf32>, vector<400x64xf32> -> vector<400x64xf32>
    %add3A_442 = arith.addf %dot_general3A_433, %dot_general3A_441 : vector<400x64xf32>
    %get3A_443 = arith.constant 1 : index
    %get3A_444 = arith.constant 0 : index
    %get3A_445 = arith.constant 0 : index
    %get3A_446 = vector.load %arg2[%get3A_443, %get3A_444, %get3A_445] : memref<4x400x128xf32, #tpu.memory_space<vmem>>, vector<1x400x128xf32>
    %get3A_447 = vector.shape_cast %get3A_446 : vector<1x400x128xf32> to vector<400x128xf32>
    %slice3A_448 = vector.extract_strided_slice %get3A_430 {offsets = [0, 640], sizes = [64, 128], strides = [1, 1]} : vector<64x1024xf32> to vector<64x128xf32>
    %dot_general3A_449 = arith.constant dense<0.000000e+00> : vector<400x64xf32>
    %dot_general3A_450 = tpu.matmul %get3A_447, %slice3A_448, %dot_general3A_449 {dimension_numbers = #tpu.dot_dimension_numbers<[1], [1], [0], [0], [0, 0, 1, 0], [], []>, transpose_lhs_hint = false} : vector<400x128xf32>, vector<64x128xf32>, vector<400x64xf32> -> vector<400x64xf32>
    %add3A_451 = arith.addf %add3A_442, %dot_general3A_450 : vector<400x64xf32>
    %get3A_452 = arith.constant 2 : index
    %get3A_453 = arith.constant 0 : index
    %get3A_454 = arith.constant 0 : index
    %get3A_455 = vector.load %arg2[%get3A_452, %get3A_453, %get3A_454] : memref<4x400x128xf32, #tpu.memory_space<vmem>>, vector<1x400x128xf32>
    %get3A_456 = vector.shape_cast %get3A_455 : vector<1x400x128xf32> to vector<400x128xf32>
    %slice3A_457 = vector.extract_strided_slice %get3A_430 {offsets = [0, 768], sizes = [64, 128], strides = [1, 1]} : vector<64x1024xf32> to vector<64x128xf32>
    %dot_general3A_458 = arith.constant dense<0.000000e+00> : vector<400x64xf32>
    %dot_general3A_459 = tpu.matmul %get3A_456, %slice3A_457, %dot_general3A_458 {dimension_numbers = #tpu.dot_dimension_numbers<[1], [1], [0], [0], [0, 0, 1, 0], [], []>, transpose_lhs_hint = false} : vector<400x128xf32>, vector<64x128xf32>, vector<400x64xf32> -> vector<400x64xf32>
    %add3A_460 = arith.addf %add3A_451, %dot_general3A_459 : vector<400x64xf32>
    %get3A_461 = arith.constant 3 : index
    %get3A_462 = arith.constant 0 : index
    %get3A_463 = arith.constant 0 : index
    %get3A_464 = vector.load %arg2[%get3A_461, %get3A_462, %get3A_463] : memref<4x400x128xf32, #tpu.memory_space<vmem>>, vector<1x400x128xf32>
    %get3A_465 = vector.shape_cast %get3A_464 : vector<1x400x128xf32> to vector<400x128xf32>
    %slice3A_466 = vector.extract_strided_slice %get3A_430 {offsets = [0, 896], sizes = [64, 128], strides = [1, 1]} : vector<64x1024xf32> to vector<64x128xf32>
    %dot_general3A_467 = arith.constant dense<0.000000e+00> : vector<400x64xf32>
    %dot_general3A_468 = tpu.matmul %get3A_465, %slice3A_466, %dot_general3A_467 {dimension_numbers = #tpu.dot_dimension_numbers<[1], [1], [0], [0], [0, 0, 1, 0], [], []>, transpose_lhs_hint = false} : vector<400x128xf32>, vector<64x128xf32>, vector<400x64xf32> -> vector<400x64xf32>
    %add3A_469 = arith.addf %add3A_460, %dot_general3A_468 : vector<400x64xf32>
    %eq3A_470 = arith.constant 6 : i32
    %eq3A_471 = vector.broadcast %eq3A_470 : i32 to vector<400x1xi32>
    %eq3A_472 = arith.cmpi eq, %broadcast_in_dim3A_105, %eq3A_471 : vector<400x1xi32>
    %jit3A_473 = arith.constant 0.000000e+00 : f32
    %broadcast_in_dim3A_474 = vector.shape_cast %eq3A_472 : vector<400x1xi1> to vector<400x1xi1>
    %broadcast_in_dim3A_475 = vector.broadcast %broadcast_in_dim3A_474 : vector<400x1xi1> to vector<400x64xi1>
    %broadcast_in_dim3A_476 = vector.broadcast %jit3A_473 : f32 to vector<400x64xf32>
    %select_n3A_477 = arith.select %broadcast_in_dim3A_475, %add3A_469, %broadcast_in_dim3A_476 : vector<400x64xi1>, vector<400x64xf32>
    %add3A_478 = arith.addf %add3A_425, %select_n3A_477 : vector<400x64xf32>
    %swap3A = arith.constant 0 : index
    %swap3A_479 = arith.constant 0 : index
    %swap3A_480 = vector.load %arg7[%swap3A, %swap3A_479] : memref<400x64xf32, #tpu.memory_space<vmem>>, vector<400x64xf32>
    tpu.vector_store %arg7[%swap3A, %swap3A_479], %add3A_478 {strides = array<i32>} : memref<400x64xf32, #tpu.memory_space<vmem>>, vector<400x64xf32>,
    return
  }
  func.func @transform_0(%arg0: i32) -> (i32, i32, i32) {
    %c0_i32 = arith.constant 0 : i32
    %c0_i32_0 = arith.constant 0 : i32
    %c0_i32_1 = arith.constant 0 : i32
    return %c0_i32, %arg0, %c0_i32_0 : i32, i32, i32
  }
  func.func @transform_1(%arg0: i32) -> (i32, i32, i32) {
    %c0_i32 = arith.constant 0 : i32
    %c0_i32_0 = arith.constant 0 : i32
    %c0_i32_1 = arith.constant 0 : i32
    return %c0_i32, %arg0, %c0_i32_0 : i32, i32, i32
  }
  func.func @transform_2(%arg0: i32) -> (i32, i32, i32) {
    %c0_i32 = arith.constant 0 : i32
    %c0_i32_0 = arith.constant 0 : i32
    %c0_i32_1 = arith.constant 0 : i32
    %c0_i32_2 = arith.constant 0 : i32
    return %c0_i32, %c0_i32_0, %c0_i32_1 : i32, i32, i32
  }
  func.func @transform_3(%arg0: i32) -> (i32, i32) {
    %c0_i32 = arith.constant 0 : i32
    %c0_i32_0 = arith.constant 0 : i32
    %c0_i32_1 = arith.constant 0 : i32
    return %c0_i32, %c0_i32_0 : i32, i32
  }
  func.func @transform_4(%arg0: i32) -> (i32, i32) {
    %c0_i32 = arith.constant 0 : i32
    %c0_i32_0 = arith.constant 0 : i32
    %c0_i32_1 = arith.constant 0 : i32
    return %c0_i32, %c0_i32_0 : i32, i32
  }
  func.func @transform_5(%arg0: i32) -> (i32, i32, i32) {
    %c0_i32 = arith.constant 0 : i32
    %c0_i32_0 = arith.constant 0 : i32
    %c0_i32_1 = arith.constant 0 : i32
    %c0_i32_2 = arith.constant 0 : i32
    return %c0_i32, %c0_i32_0, %c0_i32_1 : i32, i32, i32
  }
  func.func @transform_6(%arg0: i32) -> (i32, i32) {
    %c0_i32 = arith.constant 0 : i32
    %c0_i32_0 = arith.constant 0 : i32
    return %arg0, %c0_i32 : i32, i32
  }
}

</mosaic_0001>

<sc_bundles>
// kernel: kernel.6.cloned.1.call-start
scs
__scs_entry_jumppad:
0x0: {  	(pc) =	sbr.rel $0x88, $3  }
0x1: {  	(tag) =	ssettag $0x0;
	lr =	simm.s32 $0x1  }
0x2: {  	[smem:$0x3F99] =	sst lr;
	_ =	strace $0xD0000000  }
0x3: {  	_ = 	snop  }
0x4: {  	_ = 	snop  }
0x5: {  	_ = 	snop  }
0x6: {  	_ = 	snop  }
0x7: {  	_ = 	snop  }
__scs_overlays_trampoline_lowered:
0x8: {  	[smem:$0x3FA8] =	sst s0  }
0x9: {  	[smem:$0x3FA9] =	sst s1  }
0xa: {  	[smem:$0x3FAA] =	sst s2  }
0xb: {  	[smem:$0x3FAB] =	sst s3  }
0xc: {  	[smem:$0x3FAC] =	sst s4  }
0xd: {  	[smem:$0x3FAD] =	sst s5  }
0xe: {  	[smem:$0x3FAE] =	sst s6  }
0xf: {  	[smem:$0x3FAF] =	sst s7  }
0x10: {  	[smem:$0x3FB0] =	sst s8  }
0x11: {  	[smem:$0x3FB1] =	sst s9;
	s0 =	simm.s32 @!p0 $0x0  }
0x12: {  	s1 =	sld [smem:$0x3F97];
	s0 =	simm.s32 @p0 $0x1  }
0x13: {  	[smem:$0x3FB2] =	sst s0;
	s0 =	simm.s32 @!p1 $0x0  }
0x14: {  	s2 =	sld [smem:$0x3F96];
	s0 =	simm.s32 @p1 $0x1  }
0x15: {  	[smem:$0x3FB3] =	sst s0;
	s0 =	simm.s32 @!p2 $0x0  }
0x16: {  	s3 =	sld [smem:$0x3FDB];
	s0 =	simm.s32 @p2 $0x1  }
0x17: {  	s4 =	simm.s32 $0x1BF5;
	[smem:$0x3FB5] =	sst s0  }
0x18: {  	s0 =	sld [smem:$0x3F98];
	_ =	swait.ge [sflag:s4], $0x0  }
0x19: {  	s7 =	sld [smem:$0x3F99]  }
0x1a: {  	s8 =	sadd.s32 $0xFFFFE003, lr  }
0x1b: {  	s9 =	sadd.s32 $0xFFFFFEF7, lr;
	s5 =	simm.s32 $0xFFFFFFFF;
	p2 =	slt.u32 s8, $0xFFFFF086  }
0x1c: {  	p1 =	slt.u32 s9, $0xF7A;
	s5 =	simm.s32 @!p2 $0x0  }
0x1d: {  	s5 =	simm.s32 @p1 $0x1;
	p0 =	seq.s32 s7, s2  }
0x1e: {  	s7 =	smul.u32 @!p0 $0xF7A, s2;
	p2 =	seq.s32 @!p0 s5, $0x0  }
0x1f: {  	s9 =	smul.u32 $0xF7A, s1;
	s8 =	simm.s32 @!p0 $0x1BF5;
	p2 =	por !p2, p0  }
0x20: {  	[sflag:s8] =	ssyncset.s32 @!p0 $0xFFFFF086;
	s6 =	sadd.s32 @!p0 s3, s7;
	s7 =	simm.s32 @!p0 $0x108  }
0x21: {  	s3 =	sadd.s32 s3, s9;
	s6 =	sadd.s32 @!p0 $0x88, s6;
	s7 =	simm.s32 @p2 $0x1082  }
0x22: {  	[simem:s7], [sflag:s8] =	dma.local @!p0 [hbm:s6], $0xF7A  }
0x23: {  	s9 =	sor.u32 $0xD0000000, s2;
	s6 =	simm.s32 $0x108;
	_ =	swait.ge @!p0 [sflag:s8], $0x0  }
0x24: {  	s3 =	sadd.s32 $0x88, s3;
	s6 =	simm.s32 @!p1 $0x1082;
	[sflag:s4] =	ssyncset.s32 $0xFFFFF086  }
0x25: {  	[simem:s6], [sflag:s4] =	dma.local [hbm:s3], $0xF7A  }
0x26: {  	[smem:$0x3F99] =	sst s1;
	(tag) =	ssettag s2;
	_ =	strace s9  }
0x27: {  	s1 =	sld [smem:$0x3FA9]  }
0x28: {  	s2 =	sld [smem:$0x3FAA]  }
0x29: {  	s4 =	sld [smem:$0x3FAC]  }
0x2a: {  	p0 =	seq.s32 s5, $0x0;
	s5 =	sld [smem:$0x3FAD]  }
0x2b: {  	s6 =	sld [smem:$0x3FAE]  }
0x2c: {  	s7 =	sld [smem:$0x3FAF]  }
0x2d: {  	s3 =	simm.s32 $0x108;
	s8 =	sld [smem:$0x3FB0]  }
0x2e: {  	s3 =	simm.s32 @!p0 $0x1082;
	s9 =	sld [smem:$0x3FB1]  }
0x2f: {  	lr =	sadd.s32 s0, s3;
	s0 =	sld [smem:$0x3FA8]  }
0x30: {  	s3 =	sld [smem:$0x3FAB]  }
0x31: {  	[smem:$0x3FB4] =	sst s10  }
0x32: {  	s10 =	sld [smem:$0x3FB2];
	_ =	sdelay $0x3  }
0x33: {  	p0 =	seq.s32 s10, $0x1;
	s10 =	sld [smem:$0x3FB4];
	_ =	sdelay $0x3  }
0x34: {  	[smem:$0x3FB4] =	sst s10  }
0x35: {  	s10 =	sld [smem:$0x3FB3];
	_ =	sdelay $0x3  }
0x36: {  	p1 =	seq.s32 s10, $0x1;
	s10 =	sld [smem:$0x3FB4];
	_ =	sdelay $0x3  }
0x37: {  	[smem:$0x3FB4] =	sst s10  }
0x38: {  	s10 =	sld [smem:$0x3FB5]  }
0x39: {  	_ = 	snop;
	(pc) =	sbr.ind lr, $3  }
0x3a: {  	_ = 	snop  }
0x3b: {  	_ = 	snop  }
0x3c: {  	p2 =	seq.s32 s10, $0x1;
	s10 =	sld [smem:$0x3FB4]  }
0x3d: {  	_ =	shalt  }
0x3e: {  	_ =	shalt  }
0x3f: {  	_ =	shalt  }
0x40: {  	_ =	shalt  }
0x41: {  	_ =	shalt  }
0x42: {  	_ =	shalt  }
0x43: {  	_ =	shalt  }
0x44: {  	_ =	shalt  }
0x45: {  	_ =	shalt  }
0x46: {  	_ =	shalt  }
0x47: {  	_ =	shalt  }
0x48: {  	_ =	shalt  }
0x49: {  	_ =	shalt  }
0x4a: {  	_ =	shalt  }
0x4b: {  	_ =	shalt  }
0x4c: {  	_ =	shalt  }
0x4d: {  	_ =	shalt  }
0x4e: {  	_ =	shalt  }
0x4f: {  	_ =	shalt  }
0x50: {  	_ =	shalt  }
0x51: {  	_ =	shalt  }
0x52: {  	_ =	shalt  }
0x53: {  	_ =	shalt  }
0x54: {  	_ =	shalt  }
0x55: {  	_ =	shalt  }
0x56: {  	_ =	shalt  }
0x57: {  	_ =	shalt  }
0x58: {  	_ =	shalt  }
0x59: {  	_ =	shalt  }
0x5a: {  	_ =	shalt  }
0x5b: {  	_ =	shalt  }
0x5c: {  	_ =	shalt  }
0x5d: {  	_ =	shalt  }
0x5e: {  	_ =	shalt  }
0x5f: {  	_ =	shalt  }
0x60: {  	_ =	shalt  }
0x61: {  	_ =	shalt  }
0x62: {  	_ =	shalt  }
0x63: {  	_ =	shalt  }
0x64: {  	_ =	shalt  }
0x65: {  	_ =	shalt  }
0x66: {  	_ =	shalt  }
0x67: {  	_ =	shalt  }
0x68: {  	_ =	shalt  }
0x69: {  	_ =	shalt  }
0x6a: {  	_ =	shalt  }
0x6b: {  	_ =	shalt  }
0x6c: {  	_ =	shalt  }
0x6d: {  	_ =	shalt  }
0x6e: {  	_ =	shalt  }
0x6f: {  	_ =	shalt  }
0x70: {  	_ =	shalt  }
0x71: {  	_ =	shalt  }
0x72: {  	_ =	shalt  }
0x73: {  	_ =	shalt  }
0x74: {  	_ =	shalt  }
0x75: {  	_ =	shalt  }
0x76: {  	_ =	shalt  }
0x77: {  	_ =	shalt  }
0x78: {  	_ =	shalt  }
0x79: {  	_ =	shalt  }
0x7a: {  	_ =	shalt  }
0x7b: {  	_ =	shalt  }
0x7c: {  	_ =	shalt  }
0x7d: {  	_ =	shalt  }
0x7e: {  	_ =	shalt  }
0x7f: {  	_ =	shalt  }
0x80: {  	_ =	shalt  }
0x81: {  	_ =	shalt  }
0x82: {  	_ =	shalt  }
0x83: {  	_ =	shalt  }
0x84: {  	_ =	shalt  }
0x85: {  	_ =	shalt  }
0x86: {  	_ =	shalt  }
0x87: {  	_ =	shalt  }
.Lfunc_end0:
.L_simem_size_0:
called_computation_lowered:
.L_overlay_start_0:
0x88: {  	s2 =	sld [smem:$0x3FD9]  }
0x89: {  	s3 =	sld [smem:$0x3FFE];
	_ =	sdelay $0x1  }
0x8a: {  	s1 =	srdreg.scid  }
0x8b: {  	s0 =	sand.u32 $0x1, s1  }
0x8c: {  	s17 =	sshll.u32 s0, $0xA;
	s2 =	sadd.s32 s3, s2  }
0x8d: {  	s2 =	sadd.s32 s2, s17  }
0x8e: {  	[smem:$0x3FC0] =	sst s2  }
0x8f: {  	_ = 	snop  }
0x90: {  	s2 =	sld [smem:$0x3FD0];
	(tm) =	ssettm $0x1  }
0x91: {  	s18 =	sld [smem:$0x3FFB];
	_ =	sdelay $0x3  }
0x92: {  	_ =	strace s18  }
0x93: {  	s3 =	sld [smem:$0x3FFC];
	_ =	sdelay $0x3  }
0x94: {  	_ =	strace s3  }
0x95: {  	s3 =	sld [smem:$0x3FFD];
	_ =	sdelay $0x3  }
0x96: {  	_ =	strace s3  }
0x97: {  	_ =	strace $0x8FFFFFFF  }
0x98: {  	s19 =	sld [smem:$0x3FDB];
	_ =	sdelay $0x1  }
0x99: {  	s4 =	simm.s32 $_scs_section_size  }
0x9a: {  	s5 =	simm.s32 $_size__tile_overlayer_lowered;
	s6 =	simm.s32 $_tile_overlayer_lowered  }
0x9b: {  	s22 =	simm.s32 $0x1BFF;
	s21 =	sshll.u32 s6, $0x1;
	s3 =	sadd.s32 s4, s19  }
0x9c: {  	s7 =	simm.s32 $0x0;
	s20 =	sshll.u32 s5, $0x1;
	s5 =	sadd.s32 s21, s3  }
0x9d: {  	[timem:s7], [sflag:s22] =	dma.local [hbm:s5], s20  }
0x9e: {  	_ =	swait.ge [sflag:s22], s20  }
0x9f: {  	s4 =	ssub.s32 $0x0, s20;
	[sflag:s22] =	ssyncset.done $0x0  }
0xa0: {  	[sflag:s22] =	ssyncadd.s32 s4;
	_ =	sdelay $0x1  }
0xa1: {  	s23 =	simm.s32 $0x1B8B  }
0xa2: {  	_ =	swait.ge [sflag:s23], $0x1  }
0xa3: {  	[sflag:s23] =	ssyncset.done $0x0  }
0xa4: {  	s25 =	simm.s32 $0x1B8E;
	s24 =	sld [smem:$0x3FFE];
	[sflag:s23] =	ssyncadd.s32 $0xFFFFFFFF  }
0xa5: {  	s26 =	simm.s32 $execute0_lowered;
	[smem:$0x3FD2] =	sst s25  }
0xa6: {  	s5 =	sshll.u32 s26, $0x1;
	_ =	strace $0x80000046;
	[dreg:$0x1] =	wrdreg $0xFFFFFFFF  }
0xa7: {  	s28 =	simm.s32 $_size_execute0_lowered;
	s3 =	sadd.s32 s3, s5;
	[dreg:$0x0] =	wrdreg $0x0  }
0xa8: {  	s5 =	sshll.u32 s28, $0x1;
	[dreg:$0x2] =	wrdreg s3  }
0xa9: {  	[dreg:$0x3] =	wrdreg s5  }
0xaa: {  	[dreg:$0x4] =	wrdreg $0xC0  }
0xab: {  	_ =	task [dreg:s7], $0x5FFFF  }
0xac: {  	[dreg:$0x1] =	wrdreg $0xFFFFFFFF  }
0xad: {  	[dreg:$0x0] =	wrdreg $0x60  }
0xae: {  	[dreg:$0x2] =	wrdreg s24  }
0xaf: {  	[dreg:$0x3] =	wrdreg s2  }
0xb0: {  	[dreg:$0x4] =	wrdreg $0x0  }
0xb1: {  	[dreg:$0x5] =	wrdreg $0x9  }
0xb2: {  	_ =	task.clear_ibuf [dreg:s7], $0x6FFFF;
	_ =	strace $0x90000046  }
0xb3: {  	s29 =	simm.s32 $0x9;
	_ =	strace $0x80000048  }
0xb4: {  	_ =	swait.ge [sflag:s29], $0x1  }
0xb5: {  	[sflag:s29] =	ssyncadd.s32 $0xFFFFFFFF  }
0xb6: {  	_ =	strace $0x90000048  }
0xb7: {  	_ =	sfence  }
0xb8: {  	s30 =	sld [smem:$0x0];
	_ =	sdelay $0x2  }
0xb9: {  	s31 =	sshll.u32 s1, $0xD;
	s1 =	sshrl.u32 s1, $0x2  }
0xba: {  	s3 =	sand.u32 $0x4000, s31;
	s1 =	sadd.s32 s1, s30  }
0xbb: {  	s0 =	sor.u32 s3, s0;
	s1 =	sshll.u32 s1, $0x11  }
0xbc: {  	s0 =	sor.u32 s1, s0  }
0xbd: {  	s0 =	sadd.s32 $0x8F2B, s0  }
0xbe: {  	[sflag:s0] =	ssyncadd.remote.s32 $0x1  }
0xbf: {  	_ =	sfence.sel $0xFFFF  }
0xc0: {  	[dreg:$0x0] =	wrdreg $0xFFFFFFFF;
	(pc) =	sbr.abs _section_cstart, $3  }
0xc1: {  	[dreg:$0x1] =	wrdreg $0xFFFFFFFF  }
0xc2: {  	_ =	task.clear_ibuf [dreg:s7], $0x2FFFF;
	_ =	strace $0x9FFFFFFF  }
0xc3: {  	(tm) =	ssettm $0x7FFFFFFF  }
tec
execute0_lowered:
.L_overlay_start_1:
0x0: {  	(tag) =	ssettag $0x1  }
0x1: {  	s5 =	rddreg [dreg:$0x0]  }
0x2: {  	s10 =	rddreg [dreg:$0x1]  }
0x3: {  	s1 =	rddreg [dreg:$0x2]  }
0x4: {  	s0 =	rddreg [dreg:$0x3];
	s2 =	simm.s32 $0x0;
	s3 =	srdreg.scid  }
0x5: {  	s15 =	simm.s32 $0x15400;
	s16 =	simm.s32 $0x80;
	s17 =	simm.s32 $0x16800  }
0x6: {  	s18 =	simm.s32 $0x14080;
	s19 =	simm.s32 $0x1A800;
	s20 =	simm.s32 $0x1  }
0x7: {  	s21 =	simm.s32 $0x2;
	s22 =	simm.s32 $0x15480;
	s6 =	sand.u32 $0x1, s3  }
0x8: {  	s23 =	simm.s32 $0x3;
	s3 =	stileid.u32;
	s7 =	smul.u32 $0x28000, s6  }
0x9: {  	[smem:$0x7FF] =	sst s2;
	s9 =	sadd.s32 $0x1000, s5;
	s8 =	smul.u32 $0x50000, s3  }
0xa: {  	s4 =	sadd.s32 $0x56000, s5;
	s6 =	ssub.s32 $0x2, s6;
	s24 =	smul.u32 $0x2800, s3  }
0xb: {  	_ =	strace $0x80000047;
	s29 =	smul.u32 $0x500, s3;
	s26 =	sshrl.u32 s6, $0x1  }
0xc: {  	s30 =	sshll.u32 s3, $0x6;
	s11 =	sadd.s32 s7, s5;
	s12 =	ssub.s32 s6, s26  }
0xd: {  	s28 =	sshrl.u32 s8, $0x2;
	s31 =	sshrl.u32 s24, $0x3;
	s5 =	sor.u32 $0x1C05, s30  }
0xe: {  	s6 =	sadd.s32 s9, s29;
	s7 =	sadd.s32 s10, s29;
	s26 =	simm.s32 $0x0  }
0xf: {  	s13 =	sadd.s32 s28, s1;
	s14 =	sadd.s32 $0x280, s31;
	s8 =	sadd.s32 $0x6000, s11  }
0x10: {  	s25 =	sadd.s32 $0x58800, s11;
	s11 =	smax.u32 s12, $0x1;
	s9 =	sadd.s32 s9, s14  }
0x11: {  	s10 =	sadd.s32 s10, s14;
	s12 =	sshrl.u32 s13, $0x3;
	s13 =	simm.s32 $0x5  }
0x12: {  	s14 =	simm.s32 $0x14000;
	s24 =	sadd.s32 s24, s25;
	s25 =	simm.s32 $0x4  }
.LBB2_1:
0x13: {  	[spmem:s12], [sflag:s5] =	dma.local [hbm:s4], $0x2800  }
0x14: {  	_ =	swait.ge [sflag:s13], $0x2800  }
0x15: {  	[sflag:s13] =	ssyncset.done $0x0  }
0x16: {  	[sflag:s13] =	ssyncadd.s32 $0xFFFFD800  }
0x17: {  	[bflag:$0x0] =	sbarrier.arrive $0xFFFF  }
0x18: {  	[tilespmem:s14], [sflag:$0x5] =	stream.linear.gather [hbm4b:s6+s2], $0x1400, $0x38;
	[tilespmem:$0x1E800] =	vst v63  }
0x19: {  	_ =	swait.ge [sflag:s13], $0x1400  }
0x1a: {  	[sflag:s13] =	ssyncset.done $0x0  }
0x1b: {  	[sflag:s13] =	ssyncadd.s32 $0xFFFFEC00  }
0x1c: {  	[tilespmem:s15], [sflag:$0x5] =	stream.linear.gather [hbm4b:s7+s2], $0x1400, $0x38;
	[tilespmem:$0x1E800] =	vst v63  }
0x1d: {  	_ =	swait.ge [sflag:s13], $0x1400  }
0x1e: {  	[sflag:s13] =	ssyncset.done $0x0  }
0x1f: {  	[sflag:s13] =	ssyncadd.s32 $0xFFFFEC00  }
0x20: {  	[tilespmem:s17], [sflag:$0x1] =	stream.indirect.gather [hbm4b:s8+s16], $0x80, s14, s16, $0xb8;
	[tilespmem:$0x1E800] =	vst v63  }
0x21: {  	_ = 	snop  }
0x22: {  	[tilespmem:s19], [sflag:$0x2] =	stream.indirect.gather [hbm4b:s8+s16], $0x80, s18, s16, $0xb8;
	[tilespmem:$0x1E800] =	vst v63  }
0x23: {  	_ =	swait.ge [sflag:s20], $0x4000  }
0x24: {  	[sflag:s20] =	ssyncset.done $0x0  }
0x25: {  	[sflag:s20] =	ssyncadd.s32 $0xFFFFC000  }
0x26: {  	[spmem:s1] =	stream.indirect.scatter.add.f32 [tilespmem:s17], [sflag:$0x3], $0x80, s15, s16, $0xb8;
	[tilespmem:$0x1E800] =	vst v63  }
0x27: {  	_ =	swait.ge [sflag:s21], $0x4000  }
0x28: {  	[sflag:s21] =	ssyncset.done $0x0  }
0x29: {  	[sflag:s21] =	ssyncadd.s32 $0xFFFFC000  }
0x2a: {  	[spmem:s1] =	stream.indirect.scatter.add.f32 [tilespmem:s19], [sflag:$0x4], $0x80, s22, s16, $0xb8;
	[tilespmem:$0x1E800] =	vst v63  }
0x2b: {  	_ =	swait.ge [sflag:s23], $0x4000  }
0x2c: {  	[sflag:s23] =	ssyncset.done $0x0  }
0x2d: {  	s28 =	simm.s32 $0x14100;
	[sflag:s23] =	ssyncadd.s32 $0xFFFFC000  }
0x2e: {  	[tilespmem:s17], [sflag:$0x1] =	stream.indirect.gather [hbm4b:s8+s16], $0x80, s28, s16, $0xb8;
	[tilespmem:$0x1E800] =	vst v63  }
0x2f: {  	_ =	swait.ge [sflag:s25], $0x4000  }
0x30: {  	[sflag:s25] =	ssyncset.done $0x0  }
0x31: {  	s28 =	simm.s32 $0x14180;
	[sflag:s25] =	ssyncadd.s32 $0xFFFFC000  }
0x32: {  	[tilespmem:s19], [sflag:$0x2] =	stream.indirect.gather [hbm4b:s8+s16], $0x80, s28, s16, $0xb8;
	[tilespmem:$0x1E800] =	vst v63  }
0x33: {  	_ =	swait.ge [sflag:s20], $0x4000  }
0x34: {  	[sflag:s20] =	ssyncset.done $0x0  }
0x35: {  	s28 =	simm.s32 $0x15500;
	[sflag:s20] =	ssyncadd.s32 $0xFFFFC000  }
0x36: {  	[spmem:s1] =	stream.indirect.scatter.add.f32 [tilespmem:s17], [sflag:$0x3], $0x80, s28, s16, $0xb8;
	[tilespmem:$0x1E800] =	vst v63  }
0x37: {  	_ =	swait.ge [sflag:s21], $0x4000  }
0x38: {  	[sflag:s21] =	ssyncset.done $0x0  }
0x39: {  	s29 =	simm.s32 $0x15580;
	s28 =	simm.s32 $0xFFFFB800;
	[sflag:s21] =	ssyncadd.s32 $0xFFFFC000  }
.LBB2_2:
0x3a: {  	[spmem:s1] =	stream.indirect.scatter.add.f32 [tilespmem:s19], [sflag:$0x4], $0x80, s29, s16, $0xb8;
	[tilespmem:$0x1E800] =	vst v63  }
0x3b: {  	s29 =	smov.u32 s28  }
0x3c: {  	p0 =	sne.s32 s28, $0xFFFFFC00;
	s28 =	sadd.s32 $0x400, s28;
	_ =	swait.ge [sflag:s23], $0x4000  }
0x3d: {  	s29 =	sshra.s32 s29, $0x2;
	[sflag:s23] =	ssyncset.done $0x0  }
0x3e: {  	s30 =	sadd.s32 $0x15400, s29;
	[sflag:s23] =	ssyncadd.s32 $0xFFFFC000  }
0x3f: {  	[tilespmem:s17], [sflag:$0x1] =	stream.indirect.gather [hbm4b:s8+s16], $0x80, s30, s16, $0xb8;
	[tilespmem:$0x1E800] =	vst v63  }
0x40: {  	_ =	swait.ge [sflag:s25], $0x4000  }
0x41: {  	[sflag:s25] =	ssyncset.done $0x0  }
0x42: {  	s30 =	sadd.s32 $0x15480, s29;
	[sflag:s25] =	ssyncadd.s32 $0xFFFFC000  }
0x43: {  	[tilespmem:s19], [sflag:$0x2] =	stream.indirect.gather [hbm4b:s8+s16], $0x80, s30, s16, $0xb8;
	[tilespmem:$0x1E800] =	vst v63  }
0x44: {  	_ =	swait.ge [sflag:s20], $0x4000  }
0x45: {  	[sflag:s20] =	ssyncset.done $0x0  }
.Ltmp0:
0x46: {  	s30 =	sadd.s32 $0x16800, s29;
	[sflag:s20] =	ssyncadd.s32 $0xFFFFC000;
	(pc) =	sbr.rel @p0 .LBB2_2-.Ltmp0, $4  }
0x47: {  	[spmem:s1] =	stream.indirect.scatter.add.f32 [tilespmem:s17], [sflag:$0x3], $0x80, s30, s16, $0xb8;
	[tilespmem:$0x1E800] =	vst v63  }
0x48: {  	_ =	swait.ge [sflag:s21], $0x4000  }
0x49: {  	[sflag:s21] =	ssyncset.done $0x0  }
0x4a: {  	s29 =	sadd.s32 $0x16880, s29;
	[sflag:s21] =	ssyncadd.s32 $0xFFFFC000  }
0x4b: {  	[spmem:s1] =	stream.indirect.scatter.add.f32 [tilespmem:s19], [sflag:$0x4], $0x80, s29, s16, $0xb8;
	[tilespmem:$0x1E800] =	vst v63  }
0x4c: {  	_ =	swait.ge [sflag:s23], $0x4000  }
0x4d: {  	[sflag:s23] =	ssyncset.done $0x0  }
0x4e: {  	[sflag:s23] =	ssyncadd.s32 $0xFFFFC000  }
0x4f: {  	_ =	swait.ge [sflag:s25], $0x4000  }
0x50: {  	[sflag:s25] =	ssyncset.done $0x0  }
0x51: {  	[sflag:s25] =	ssyncadd.s32 $0xFFFFC000  }
0x52: {  	[tilespmem:s14], [sflag:$0x5] =	stream.linear.gather [hbm4b:s9+s2], $0x1400, $0x38;
	[tilespmem:$0x1E800] =	vst v63  }
0x53: {  	_ =	swait.ge [sflag:s13], $0x1400  }
0x54: {  	[sflag:s13] =	ssyncset.done $0x0  }
0x55: {  	[sflag:s13] =	ssyncadd.s32 $0xFFFFEC00  }
0x56: {  	[tilespmem:s15], [sflag:$0x5] =	stream.linear.gather [hbm4b:s10+s2], $0x1400, $0x38;
	[tilespmem:$0x1E800] =	vst v63  }
0x57: {  	_ =	swait.ge [sflag:s13], $0x1400  }
0x58: {  	[sflag:s13] =	ssyncset.done $0x0  }
0x59: {  	[sflag:s13] =	ssyncadd.s32 $0xFFFFEC00  }
0x5a: {  	[tilespmem:s17], [sflag:$0x1] =	stream.indirect.gather [hbm4b:s8+s16], $0x80, s14, s16, $0xb8;
	[tilespmem:$0x1E800] =	vst v63  }
0x5b: {  	_ = 	snop  }
0x5c: {  	[tilespmem:s19], [sflag:$0x2] =	stream.indirect.gather [hbm4b:s8+s16], $0x80, s18, s16, $0xb8;
	[tilespmem:$0x1E800] =	vst v63  }
0x5d: {  	_ =	swait.ge [sflag:s20], $0x4000  }
0x5e: {  	[sflag:s20] =	ssyncset.done $0x0  }
0x5f: {  	[sflag:s20] =	ssyncadd.s32 $0xFFFFC000  }
0x60: {  	[spmem:s1] =	stream.indirect.scatter.add.f32 [tilespmem:s17], [sflag:$0x3], $0x80, s15, s16, $0xb8;
	[tilespmem:$0x1E800] =	vst v63  }
0x61: {  	_ =	swait.ge [sflag:s21], $0x4000  }
0x62: {  	[sflag:s21] =	ssyncset.done $0x0  }
0x63: {  	[sflag:s21] =	ssyncadd.s32 $0xFFFFC000  }
0x64: {  	[spmem:s1] =	stream.indirect.scatter.add.f32 [tilespmem:s19], [sflag:$0x4], $0x80, s22, s16, $0xb8;
	[tilespmem:$0x1E800] =	vst v63  }
0x65: {  	_ =	swait.ge [sflag:s23], $0x4000  }
0x66: {  	[sflag:s23] =	ssyncset.done $0x0  }
0x67: {  	s28 =	simm.s32 $0x14100;
	[sflag:s23] =	ssyncadd.s32 $0xFFFFC000  }
0x68: {  	[tilespmem:s17], [sflag:$0x1] =	stream.indirect.gather [hbm4b:s8+s16], $0x80, s28, s16, $0xb8;
	[tilespmem:$0x1E800] =	vst v63  }
0x69: {  	_ =	swait.ge [sflag:s25], $0x4000  }
0x6a: {  	[sflag:s25] =	ssyncset.done $0x0  }
0x6b: {  	s28 =	simm.s32 $0x14180;
	[sflag:s25] =	ssyncadd.s32 $0xFFFFC000  }
0x6c: {  	[tilespmem:s19], [sflag:$0x2] =	stream.indirect.gather [hbm4b:s8+s16], $0x80, s28, s16, $0xb8;
	[tilespmem:$0x1E800] =	vst v63  }
0x6d: {  	_ =	swait.ge [sflag:s20], $0x4000  }
0x6e: {  	[sflag:s20] =	ssyncset.done $0x0  }
0x6f: {  	s28 =	simm.s32 $0x15500;
	[sflag:s20] =	ssyncadd.s32 $0xFFFFC000  }
0x70: {  	[spmem:s1] =	stream.indirect.scatter.add.f32 [tilespmem:s17], [sflag:$0x3], $0x80, s28, s16, $0xb8;
	[tilespmem:$0x1E800] =	vst v63  }
0x71: {  	_ =	swait.ge [sflag:s21], $0x4000  }
0x72: {  	[sflag:s21] =	ssyncset.done $0x0  }
0x73: {  	s29 =	simm.s32 $0x15580;
	s28 =	simm.s32 $0xFFFFB800;
	[sflag:s21] =	ssyncadd.s32 $0xFFFFC000  }
.LBB2_4:
0x74: {  	[spmem:s1] =	stream.indirect.scatter.add.f32 [tilespmem:s19], [sflag:$0x4], $0x80, s29, s16, $0xb8;
	[tilespmem:$0x1E800] =	vst v63  }
0x75: {  	s29 =	smov.u32 s28  }
0x76: {  	p0 =	sne.s32 s28, $0xFFFFFC00;
	s28 =	sadd.s32 $0x400, s28;
	_ =	swait.ge [sflag:s23], $0x4000  }
0x77: {  	s29 =	sshra.s32 s29, $0x2;
	[sflag:s23] =	ssyncset.done $0x0  }
0x78: {  	s30 =	sadd.s32 $0x15400, s29;
	[sflag:s23] =	ssyncadd.s32 $0xFFFFC000  }
0x79: {  	[tilespmem:s17], [sflag:$0x1] =	stream.indirect.gather [hbm4b:s8+s16], $0x80, s30, s16, $0xb8;
	[tilespmem:$0x1E800] =	vst v63  }
0x7a: {  	_ =	swait.ge [sflag:s25], $0x4000  }
0x7b: {  	[sflag:s25] =	ssyncset.done $0x0  }
0x7c: {  	s30 =	sadd.s32 $0x15480, s29;
	[sflag:s25] =	ssyncadd.s32 $0xFFFFC000  }
0x7d: {  	[tilespmem:s19], [sflag:$0x2] =	stream.indirect.gather [hbm4b:s8+s16], $0x80, s30, s16, $0xb8;
	[tilespmem:$0x1E800] =	vst v63  }
0x7e: {  	_ =	swait.ge [sflag:s20], $0x4000  }
0x7f: {  	[sflag:s20] =	ssyncset.done $0x0  }
.Ltmp1:
0x80: {  	s30 =	sadd.s32 $0x16800, s29;
	[sflag:s20] =	ssyncadd.s32 $0xFFFFC000;
	(pc) =	sbr.rel @p0 .LBB2_4-.Ltmp1, $4  }
0x81: {  	[spmem:s1] =	stream.indirect.scatter.add.f32 [tilespmem:s17], [sflag:$0x3], $0x80, s30, s16, $0xb8;
	[tilespmem:$0x1E800] =	vst v63  }
0x82: {  	_ =	swait.ge [sflag:s21], $0x4000  }
0x83: {  	[sflag:s21] =	ssyncset.done $0x0  }
0x84: {  	s29 =	sadd.s32 $0x16880, s29;
	[sflag:s21] =	ssyncadd.s32 $0xFFFFC000  }
0x85: {  	[spmem:s1] =	stream.indirect.scatter.add.f32 [tilespmem:s19], [sflag:$0x4], $0x80, s29, s16, $0xb8;
	[tilespmem:$0x1E800] =	vst v63  }
0x86: {  	_ =	swait.ge [sflag:s23], $0x4000  }
0x87: {  	[sflag:s23] =	ssyncset.done $0x0  }
0x88: {  	[sflag:s23] =	ssyncadd.s32 $0xFFFFC000  }
0x89: {  	_ =	swait.ge [sflag:s25], $0x4000  }
0x8a: {  	[sflag:s25] =	ssyncset.done $0x0  }
0x8b: {  	s26 =	sadd.s32 $0x1, s26;
	[sflag:s25] =	ssyncadd.s32 $0xFFFFC000  }
0x8c: {  	p0 =	sne.s32 s26, s11;
	[bflag:$0x0] =	sbarrier.arrive $0xFFFF  }
0x8d: {  	[hbm:s24], [sflag:s5] =	dma.local [spmem:s12], $0x2800  }
.Ltmp2:
0x8e: {  	_ =	swait.ge [sflag:s13], $0x2800;
	(pc) =	sbr.rel @p0 .LBB2_1-.Ltmp2, $3  }
0x8f: {  	[sflag:s13] =	ssyncset.done $0x0  }
0x90: {  	[sflag:s13] =	ssyncadd.s32 $0xFFFFD800  }
0x91: {  	[bflag:$0x0] =	sbarrier.arrive $0xFFFF;
	_ =	sdelay $0x1  }
0x92: {  	_ =	sfence.sel $0x180000  }
0x93: {  	[bflag:$0x0] =	sbarrier.arrive $0xFFFF  }
0x94: {  	p0 =	sne.s32 s3, $0x0;
	_ =	strace $0x90000047  }
0x95: {  	s0 =	sadd.s32 @!p0 $0x100000, s0;
	[bflag:$0x2] =	sbarrier.arrive $0xFFFF  }
0x96: {  	[sflag:s0] =	ssyncadd.tile.s32 @!p0 $0x1;
	_ =	shalt  }
.Lfunc_end2:
_tile_overlayer_lowered:
.L_overlay_start_2:
0x97: {  	(tag) =	ssettag $0x2  }
0x98: {  	s0 =	rddreg [dreg:$0x0];
	s2 =	stileid.u32  }
0x99: {  	s1 =	rddreg [dreg:$0x1];
	p0 =	sne.s32 s2, $0x0  }
0x9a: {  	s3 =	rddreg [dreg:$0x2];
	[bflag:$0x3] =	sbarrier.arrive $0xFFFF;
	s2 =	simm.s32 @!p0 $0x1C05  }
0x9b: {  	[timem:s3], [sflag:s2] =	dma.local @!p0 [hbm:s0], s1  }
0x9c: {  	s0 =	simm.s32 @!p0 $0x5  }
0x9d: {  	_ =	swait.ge @!p0 [sflag:s0], s1  }
0x9e: {  	s1 =	ssub.s32 @!p0 $0x0, s1;
	[sflag:s0] =	ssyncset.done @!p0 $0x0  }
0x9f: {  	[sflag:s0] =	ssyncadd.s32 @!p0 s1  }
0xa0: {  	[bflag:$0x3] =	sbarrier.arrive $0xFFFF  }
0xa1: {  	_ =	shalt  }

// kernel: kernel.9.cloned.1.call-start
scs
__scs_entry_jumppad:
0x0: {  	(pc) =	sbr.rel $0x88, $3  }
0x1: {  	(tag) =	ssettag $0x0;
	lr =	simm.s32 $0x1  }
0x2: {  	[smem:$0x3F99] =	sst lr;
	_ =	strace $0xD0000000  }
0x3: {  	_ = 	snop  }
0x4: {  	_ = 	snop  }
0x5: {  	_ = 	snop  }
0x6: {  	_ = 	snop  }
0x7: {  	_ = 	snop  }
__scs_overlays_trampoline_lowered:
0x8: {  	[smem:$0x3FA8] =	sst s0  }
0x9: {  	[smem:$0x3FA9] =	sst s1  }
0xa: {  	[smem:$0x3FAA] =	sst s2  }
0xb: {  	[smem:$0x3FAB] =	sst s3  }
0xc: {  	[smem:$0x3FAC] =	sst s4  }
0xd: {  	[smem:$0x3FAD] =	sst s5  }
0xe: {  	[smem:$0x3FAE] =	sst s6  }
0xf: {  	[smem:$0x3FAF] =	sst s7  }
0x10: {  	[smem:$0x3FB0] =	sst s8  }
0x11: {  	[smem:$0x3FB1] =	sst s9;
	s0 =	simm.s32 @!p0 $0x0  }
0x12: {  	s1 =	sld [smem:$0x3F97];
	s0 =	simm.s32 @p0 $0x1  }
0x13: {  	[smem:$0x3FB2] =	sst s0;
	s0 =	simm.s32 @!p1 $0x0  }
0x14: {  	s2 =	sld [smem:$0x3F96];
	s0 =	simm.s32 @p1 $0x1  }
0x15: {  	[smem:$0x3FB3] =	sst s0;
	s0 =	simm.s32 @!p2 $0x0  }
0x16: {  	s3 =	sld [smem:$0x3FDB];
	s0 =	simm.s32 @p2 $0x1  }
0x17: {  	s4 =	simm.s32 $0x1BF5;
	[smem:$0x3FB5] =	sst s0  }
0x18: {  	s0 =	sld [smem:$0x3F98];
	_ =	swait.ge [sflag:s4], $0x0  }
0x19: {  	s7 =	sld [smem:$0x3F99]  }
0x1a: {  	s8 =	sadd.s32 $0xFFFFE003, lr  }
0x1b: {  	s9 =	sadd.s32 $0xFFFFFEF7, lr;
	s5 =	simm.s32 $0xFFFFFFFF;
	p2 =	slt.u32 s8, $0xFFFFF086  }
0x1c: {  	p1 =	slt.u32 s9, $0xF7A;
	s5 =	simm.s32 @!p2 $0x0  }
0x1d: {  	s5 =	simm.s32 @p1 $0x1;
	p0 =	seq.s32 s7, s2  }
0x1e: {  	s7 =	smul.u32 @!p0 $0xF7A, s2;
	p2 =	seq.s32 @!p0 s5, $0x0  }
0x1f: {  	s9 =	smul.u32 $0xF7A, s1;
	s8 =	simm.s32 @!p0 $0x1BF5;
	p2 =	por !p2, p0  }
0x20: {  	[sflag:s8] =	ssyncset.s32 @!p0 $0xFFFFF086;
	s6 =	sadd.s32 @!p0 s3, s7;
	s7 =	simm.s32 @!p0 $0x108  }
0x21: {  	s3 =	sadd.s32 s3, s9;
	s6 =	sadd.s32 @!p0 $0x88, s6;
	s7 =	simm.s32 @p2 $0x1082  }
0x22: {  	[simem:s7], [sflag:s8] =	dma.local @!p0 [hbm:s6], $0xF7A  }
0x23: {  	s9 =	sor.u32 $0xD0000000, s2;
	s6 =	simm.s32 $0x108;
	_ =	swait.ge @!p0 [sflag:s8], $0x0  }
0x24: {  	s3 =	sadd.s32 $0x88, s3;
	s6 =	simm.s32 @!p1 $0x1082;
	[sflag:s4] =	ssyncset.s32 $0xFFFFF086  }
0x25: {  	[simem:s6], [sflag:s4] =	dma.local [hbm:s3], $0xF7A  }
0x26: {  	[smem:$0x3F99] =	sst s1;
	(tag) =	ssettag s2;
	_ =	strace s9  }
0x27: {  	s1 =	sld [smem:$0x3FA9]  }
0x28: {  	s2 =	sld [smem:$0x3FAA]  }
0x29: {  	s4 =	sld [smem:$0x3FAC]  }
0x2a: {  	p0 =	seq.s32 s5, $0x0;
	s5 =	sld [smem:$0x3FAD]  }
0x2b: {  	s6 =	sld [smem:$0x3FAE]  }
0x2c: {  	s7 =	sld [smem:$0x3FAF]  }
0x2d: {  	s3 =	simm.s32 $0x108;
	s8 =	sld [smem:$0x3FB0]  }
0x2e: {  	s3 =	simm.s32 @!p0 $0x1082;
	s9 =	sld [smem:$0x3FB1]  }
0x2f: {  	lr =	sadd.s32 s0, s3;
	s0 =	sld [smem:$0x3FA8]  }
0x30: {  	s3 =	sld [smem:$0x3FAB]  }
0x31: {  	[smem:$0x3FB4] =	sst s10  }
0x32: {  	s10 =	sld [smem:$0x3FB2];
	_ =	sdelay $0x3  }
0x33: {  	p0 =	seq.s32 s10, $0x1;
	s10 =	sld [smem:$0x3FB4];
	_ =	sdelay $0x3  }
0x34: {  	[smem:$0x3FB4] =	sst s10  }
0x35: {  	s10 =	sld [smem:$0x3FB3];
	_ =	sdelay $0x3  }
0x36: {  	p1 =	seq.s32 s10, $0x1;
	s10 =	sld [smem:$0x3FB4];
	_ =	sdelay $0x3  }
0x37: {  	[smem:$0x3FB4] =	sst s10  }
0x38: {  	s10 =	sld [smem:$0x3FB5]  }
0x39: {  	_ = 	snop;
	(pc) =	sbr.ind lr, $3  }
0x3a: {  	_ = 	snop  }
0x3b: {  	_ = 	snop  }
0x3c: {  	p2 =	seq.s32 s10, $0x1;
	s10 =	sld [smem:$0x3FB4]  }
0x3d: {  	_ =	shalt  }
0x3e: {  	_ =	shalt  }
0x3f: {  	_ =	shalt  }
0x40: {  	_ =	shalt  }
0x41: {  	_ =	shalt  }
0x42: {  	_ =	shalt  }
0x43: {  	_ =	shalt  }
0x44: {  	_ =	shalt  }
0x45: {  	_ =	shalt  }
0x46: {  	_ =	shalt  }
0x47: {  	_ =	shalt  }
0x48: {  	_ =	shalt  }
0x49: {  	_ =	shalt  }
0x4a: {  	_ =	shalt  }
0x4b: {  	_ =	shalt  }
0x4c: {  	_ =	shalt  }
0x4d: {  	_ =	shalt  }
0x4e: {  	_ =	shalt  }
0x4f: {  	_ =	shalt  }
0x50: {  	_ =	shalt  }
0x51: {  	_ =	shalt  }
0x52: {  	_ =	shalt  }
0x53: {  	_ =	shalt  }
0x54: {  	_ =	shalt  }
0x55: {  	_ =	shalt  }
0x56: {  	_ =	shalt  }
0x57: {  	_ =	shalt  }
0x58: {  	_ =	shalt  }
0x59: {  	_ =	shalt  }
0x5a: {  	_ =	shalt  }
0x5b: {  	_ =	shalt  }
0x5c: {  	_ =	shalt  }
0x5d: {  	_ =	shalt  }
0x5e: {  	_ =	shalt  }
0x5f: {  	_ =	shalt  }
0x60: {  	_ =	shalt  }
0x61: {  	_ =	shalt  }
0x62: {  	_ =	shalt  }
0x63: {  	_ =	shalt  }
0x64: {  	_ =	shalt  }
0x65: {  	_ =	shalt  }
0x66: {  	_ =	shalt  }
0x67: {  	_ =	shalt  }
0x68: {  	_ =	shalt  }
0x69: {  	_ =	shalt  }
0x6a: {  	_ =	shalt  }
0x6b: {  	_ =	shalt  }
0x6c: {  	_ =	shalt  }
0x6d: {  	_ =	shalt  }
0x6e: {  	_ =	shalt  }
0x6f: {  	_ =	shalt  }
0x70: {  	_ =	shalt  }
0x71: {  	_ =	shalt  }
0x72: {  	_ =	shalt  }
0x73: {  	_ =	shalt  }
0x74: {  	_ =	shalt  }
0x75: {  	_ =	shalt  }
0x76: {  	_ =	shalt  }
0x77: {  	_ =	shalt  }
0x78: {  	_ =	shalt  }
0x79: {  	_ =	shalt  }
0x7a: {  	_ =	shalt  }
0x7b: {  	_ =	shalt  }
0x7c: {  	_ =	shalt  }
0x7d: {  	_ =	shalt  }
0x7e: {  	_ =	shalt  }
0x7f: {  	_ =	shalt  }
0x80: {  	_ =	shalt  }
0x81: {  	_ =	shalt  }
0x82: {  	_ =	shalt  }
0x83: {  	_ =	shalt  }
0x84: {  	_ =	shalt  }
0x85: {  	_ =	shalt  }
0x86: {  	_ =	shalt  }
0x87: {  	_ =	shalt  }
.Lfunc_end0:
.L_simem_size_0:
called_computation.1_lowered:
.L_overlay_start_0:
0x88: {  	s2 =	sld [smem:$0x3FD9]  }
0x89: {  	s3 =	sld [smem:$0x3FFE];
	_ =	sdelay $0x1  }
0x8a: {  	s1 =	srdreg.scid  }
0x8b: {  	s0 =	sand.u32 $0x1, s1  }
0x8c: {  	s17 =	sshll.u32 s0, $0xA;
	s2 =	sadd.s32 s3, s2  }
0x8d: {  	s2 =	sadd.s32 s2, s17  }
0x8e: {  	[smem:$0x3FC0] =	sst s2  }
0x8f: {  	_ = 	snop  }
0x90: {  	s2 =	sld [smem:$0x3FD0];
	(tm) =	ssettm $0x1  }
0x91: {  	s18 =	sld [smem:$0x3FFB];
	_ =	sdelay $0x3  }
0x92: {  	_ =	strace s18  }
0x93: {  	s3 =	sld [smem:$0x3FFC];
	_ =	sdelay $0x3  }
0x94: {  	_ =	strace s3  }
0x95: {  	s3 =	sld [smem:$0x3FFD];
	_ =	sdelay $0x3  }
0x96: {  	_ =	strace s3  }
0x97: {  	_ =	strace $0x8FFFFFFF  }
0x98: {  	s19 =	sld [smem:$0x3FDB];
	_ =	sdelay $0x1  }
0x99: {  	s4 =	simm.s32 $_scs_section_size  }
0x9a: {  	s5 =	simm.s32 $_size__tile_overlayer_lowered;
	s6 =	simm.s32 $_tile_overlayer_lowered  }
0x9b: {  	s22 =	simm.s32 $0x1BFF;
	s21 =	sshll.u32 s6, $0x1;
	s3 =	sadd.s32 s4, s19  }
0x9c: {  	s7 =	simm.s32 $0x0;
	s20 =	sshll.u32 s5, $0x1;
	s5 =	sadd.s32 s21, s3  }
0x9d: {  	[timem:s7], [sflag:s22] =	dma.local [hbm:s5], s20  }
0x9e: {  	_ =	swait.ge [sflag:s22], s20  }
0x9f: {  	s4 =	ssub.s32 $0x0, s20;
	[sflag:s22] =	ssyncset.done $0x0  }
0xa0: {  	[sflag:s22] =	ssyncadd.s32 s4;
	_ =	sdelay $0x1  }
0xa1: {  	s23 =	simm.s32 $0x1B8B  }
0xa2: {  	_ =	swait.ge [sflag:s23], $0x1  }
0xa3: {  	[sflag:s23] =	ssyncset.done $0x0  }
0xa4: {  	s25 =	simm.s32 $0x1B8E;
	s24 =	sld [smem:$0x3FFE];
	[sflag:s23] =	ssyncadd.s32 $0xFFFFFFFF  }
0xa5: {  	s26 =	simm.s32 $execute0_lowered;
	[smem:$0x3FD2] =	sst s25  }
0xa6: {  	s5 =	sshll.u32 s26, $0x1;
	_ =	strace $0x80000049;
	[dreg:$0x1] =	wrdreg $0xFFFFFFFF  }
0xa7: {  	s28 =	simm.s32 $_size_execute0_lowered;
	s3 =	sadd.s32 s3, s5;
	[dreg:$0x0] =	wrdreg $0x0  }
0xa8: {  	s5 =	sshll.u32 s28, $0x1;
	[dreg:$0x2] =	wrdreg s3  }
0xa9: {  	[dreg:$0x3] =	wrdreg s5  }
0xaa: {  	[dreg:$0x4] =	wrdreg $0xC0  }
0xab: {  	_ =	task [dreg:s7], $0x5FFFF  }
0xac: {  	[dreg:$0x1] =	wrdreg $0xFFFFFFFF  }
0xad: {  	[dreg:$0x0] =	wrdreg $0x60  }
0xae: {  	[dreg:$0x2] =	wrdreg s24  }
0xaf: {  	[dreg:$0x3] =	wrdreg s2  }
0xb0: {  	[dreg:$0x4] =	wrdreg $0x0  }
0xb1: {  	[dreg:$0x5] =	wrdreg $0x9  }
0xb2: {  	_ =	task.clear_ibuf [dreg:s7], $0x6FFFF;
	_ =	strace $0x90000049  }
0xb3: {  	s29 =	simm.s32 $0x9;
	_ =	strace $0x8000004B  }
0xb4: {  	_ =	swait.ge [sflag:s29], $0x1  }
0xb5: {  	[sflag:s29] =	ssyncadd.s32 $0xFFFFFFFF  }
0xb6: {  	_ =	strace $0x9000004B  }
0xb7: {  	_ =	sfence  }
0xb8: {  	s30 =	sld [smem:$0x0];
	_ =	sdelay $0x2  }
0xb9: {  	s31 =	sshll.u32 s1, $0xD;
	s1 =	sshrl.u32 s1, $0x2  }
0xba: {  	s3 =	sand.u32 $0x4000, s31;
	s1 =	sadd.s32 s1, s30  }
0xbb: {  	s0 =	sor.u32 s3, s0;
	s1 =	sshll.u32 s1, $0x11  }
0xbc: {  	s0 =	sor.u32 s1, s0  }
0xbd: {  	s0 =	sadd.s32 $0x8F2B, s0  }
0xbe: {  	[sflag:s0] =	ssyncadd.remote.s32 $0x1  }
0xbf: {  	_ =	sfence.sel $0xFFFF  }
0xc0: {  	[dreg:$0x0] =	wrdreg $0xFFFFFFFF;
	(pc) =	sbr.abs _section_cstart, $3  }
0xc1: {  	[dreg:$0x1] =	wrdreg $0xFFFFFFFF  }
0xc2: {  	_ =	task.clear_ibuf [dreg:s7], $0x2FFFF;
	_ =	strace $0x9FFFFFFF  }
0xc3: {  	(tm) =	ssettm $0x7FFFFFFF  }
tec
execute0_lowered:
.L_overlay_start_1:
0x0: {  	(tag) =	ssettag $0x1  }
0x1: {  	s5 =	rddreg [dreg:$0x0]  }
0x2: {  	s10 =	rddreg [dreg:$0x1]  }
0x3: {  	s1 =	rddreg [dreg:$0x2];
	s2 =	simm.s32 $0x0  }
0x4: {  	s4 =	srdreg.scid;
	s3 =	stileid.u32;
	s18 =	simm.s32 $0x16800  }
0x5: {  	s19 =	simm.s32 $0x14080;
	s20 =	simm.s32 $0x1A800;
	s21 =	simm.s32 $0x1  }
0x6: {  	s22 =	simm.s32 $0x2;
	s28 =	simm.s32 $0x4;
	s29 =	simm.s32 $0x0  }
0x7: {  	[smem:$0x7FF] =	sst s2;
	s11 =	sadd.s32 $0x58800, s5;
	s6 =	sand.u32 $0x1, s4  }
0x8: {  	s9 =	sadd.s32 $0x1000, s5;
	s8 =	smul.u32 $0x50000, s3;
	s4 =	sadd.s32 $0x56000, s5  }
0x9: {  	s12 =	sadd.s32 $0xF8800, s5;
	s26 =	sshll.u32 s3, $0x6;
	s30 =	smul.u32 $0x500, s3  }
0xa: {  	_ =	strace $0x8000004A;
	s7 =	ssub.s32 $0x2, s6;
	s5 =	sor.u32 $0x1C05, s26  }
0xb: {  	s15 =	smul.u32 $0x50000, s6;
	s26 =	simm.s32 $0x3;
	s24 =	sshrl.u32 s7, $0x1  }
0xc: {  	s25 =	sshrl.u32 s8, $0x2;
	s6 =	sadd.s32 s9, s30;
	s13 =	ssub.s32 s7, s24  }
0xd: {  	s24 =	smul.u32 $0x2800, s3;
	s14 =	sadd.s32 s25, s1;
	s7 =	sadd.s32 s10, s30  }
0xe: {  	s8 =	sadd.s32 s11, s15;
	s17 =	sadd.s32 $0x28000, s15;
	s23 =	sadd.s32 s12, s15  }
0xf: {  	s15 =	simm.s32 $0x14000;
	s11 =	sadd.s32 s11, s17;
	s25 =	sadd.s32 s12, s17  }
0x10: {  	s12 =	smax.u32 s13, $0x1;
	s13 =	sshrl.u32 s14, $0x3;
	s14 =	simm.s32 $0x5  }
0x11: {  	s17 =	simm.s32 $0x80;
	s31 =	sshrl.u32 s24, $0x3;
	s23 =	sadd.s32 s24, s23  }
0x12: {  	s24 =	sadd.s32 s24, s25;
	s25 =	simm.s32 $0x15480;
	s16 =	sadd.s32 $0x280, s31  }
0x13: {  	s9 =	sadd.s32 s9, s16;
	s10 =	sadd.s32 s10, s16;
	s16 =	simm.s32 $0x15400  }
.LBB2_1:
0x14: {  	[spmem:s13], [sflag:s5] =	dma.local [hbm:s4], $0x2800  }
0x15: {  	_ =	swait.ge [sflag:s14], $0x2800  }
0x16: {  	[sflag:s14] =	ssyncset.done $0x0  }
0x17: {  	[sflag:s14] =	ssyncadd.s32 $0xFFFFD800  }
0x18: {  	[bflag:$0x0] =	sbarrier.arrive $0xFFFF  }
0x19: {  	[tilespmem:s15], [sflag:$0x5] =	stream.linear.gather [hbm4b:s6+s2], $0x1400, $0x38;
	[tilespmem:$0x1E800] =	vst v63  }
0x1a: {  	_ =	swait.ge [sflag:s14], $0x1400  }
0x1b: {  	[sflag:s14] =	ssyncset.done $0x0  }
0x1c: {  	[sflag:s14] =	ssyncadd.s32 $0xFFFFEC00  }
0x1d: {  	[tilespmem:s16], [sflag:$0x5] =	stream.linear.gather [hbm4b:s7+s2], $0x1400, $0x38;
	[tilespmem:$0x1E800] =	vst v63  }
0x1e: {  	_ =	swait.ge [sflag:s14], $0x1400  }
0x1f: {  	[sflag:s14] =	ssyncset.done $0x0  }
0x20: {  	[sflag:s14] =	ssyncadd.s32 $0xFFFFEC00  }
0x21: {  	[tilespmem:s18], [sflag:$0x1] =	stream.indirect.gather [hbm4b:s8+s17], $0x80, s15, s17, $0xb8;
	[tilespmem:$0x1E800] =	vst v63  }
0x22: {  	_ = 	snop  }
0x23: {  	[tilespmem:s20], [sflag:$0x2] =	stream.indirect.gather [hbm4b:s8+s17], $0x80, s19, s17, $0xb8;
	[tilespmem:$0x1E800] =	vst v63  }
0x24: {  	_ =	swait.ge [sflag:s21], $0x4000  }
0x25: {  	[sflag:s21] =	ssyncset.done $0x0  }
0x26: {  	[sflag:s21] =	ssyncadd.s32 $0xFFFFC000  }
0x27: {  	[spmem:s1] =	stream.indirect.scatter.add.f32 [tilespmem:s18], [sflag:$0x3], $0x80, s16, s17, $0xb8;
	[tilespmem:$0x1E800] =	vst v63  }
0x28: {  	_ =	swait.ge [sflag:s22], $0x4000  }
0x29: {  	[sflag:s22] =	ssyncset.done $0x0  }
0x2a: {  	[sflag:s22] =	ssyncadd.s32 $0xFFFFC000  }
0x2b: {  	[spmem:s1] =	stream.indirect.scatter.add.f32 [tilespmem:s20], [sflag:$0x4], $0x80, s25, s17, $0xb8;
	[tilespmem:$0x1E800] =	vst v63  }
0x2c: {  	_ =	swait.ge [sflag:s26], $0x4000  }
0x2d: {  	[sflag:s26] =	ssyncset.done $0x0  }
0x2e: {  	s30 =	simm.s32 $0x14100;
	[sflag:s26] =	ssyncadd.s32 $0xFFFFC000  }
0x2f: {  	[tilespmem:s18], [sflag:$0x1] =	stream.indirect.gather [hbm4b:s8+s17], $0x80, s30, s17, $0xb8;
	[tilespmem:$0x1E800] =	vst v63  }
0x30: {  	_ =	swait.ge [sflag:s28], $0x4000  }
0x31: {  	[sflag:s28] =	ssyncset.done $0x0  }
0x32: {  	s30 =	simm.s32 $0x14180;
	[sflag:s28] =	ssyncadd.s32 $0xFFFFC000  }
0x33: {  	[tilespmem:s20], [sflag:$0x2] =	stream.indirect.gather [hbm4b:s8+s17], $0x80, s30, s17, $0xb8;
	[tilespmem:$0x1E800] =	vst v63  }
0x34: {  	_ =	swait.ge [sflag:s21], $0x4000  }
0x35: {  	[sflag:s21] =	ssyncset.done $0x0  }
0x36: {  	s30 =	simm.s32 $0x15500;
	[sflag:s21] =	ssyncadd.s32 $0xFFFFC000  }
0x37: {  	[spmem:s1] =	stream.indirect.scatter.add.f32 [tilespmem:s18], [sflag:$0x3], $0x80, s30, s17, $0xb8;
	[tilespmem:$0x1E800] =	vst v63  }
0x38: {  	_ =	swait.ge [sflag:s22], $0x4000  }
0x39: {  	[sflag:s22] =	ssyncset.done $0x0  }
0x3a: {  	s31 =	simm.s32 $0x15580;
	s30 =	simm.s32 $0xFFFFB800;
	[sflag:s22] =	ssyncadd.s32 $0xFFFFC000  }
.LBB2_2:
0x3b: {  	[spmem:s1] =	stream.indirect.scatter.add.f32 [tilespmem:s20], [sflag:$0x4], $0x80, s31, s17, $0xb8;
	[tilespmem:$0x1E800] =	vst v63  }
0x3c: {  	s31 =	smov.u32 s30  }
0x3d: {  	p0 =	sne.s32 s30, $0xFFFFFC00;
	s30 =	sadd.s32 $0x400, s30;
	_ =	swait.ge [sflag:s26], $0x4000  }
0x3e: {  	s31 =	sshra.s32 s31, $0x2;
	[sflag:s26] =	ssyncset.done $0x0  }
0x3f: {  	s0 =	sadd.s32 $0x15400, s31;
	[sflag:s26] =	ssyncadd.s32 $0xFFFFC000  }
0x40: {  	[tilespmem:s18], [sflag:$0x1] =	stream.indirect.gather [hbm4b:s8+s17], $0x80, s0, s17, $0xb8;
	[tilespmem:$0x1E800] =	vst v63  }
0x41: {  	_ =	swait.ge [sflag:s28], $0x4000  }
0x42: {  	[sflag:s28] =	ssyncset.done $0x0  }
0x43: {  	s0 =	sadd.s32 $0x15480, s31;
	[sflag:s28] =	ssyncadd.s32 $0xFFFFC000  }
0x44: {  	[tilespmem:s20], [sflag:$0x2] =	stream.indirect.gather [hbm4b:s8+s17], $0x80, s0, s17, $0xb8;
	[tilespmem:$0x1E800] =	vst v63  }
0x45: {  	_ =	swait.ge [sflag:s21], $0x4000  }
0x46: {  	[sflag:s21] =	ssyncset.done $0x0  }
.Ltmp0:
0x47: {  	s0 =	sadd.s32 $0x16800, s31;
	[sflag:s21] =	ssyncadd.s32 $0xFFFFC000;
	(pc) =	sbr.rel @p0 .LBB2_2-.Ltmp0, $4  }
0x48: {  	[spmem:s1] =	stream.indirect.scatter.add.f32 [tilespmem:s18], [sflag:$0x3], $0x80, s0, s17, $0xb8;
	[tilespmem:$0x1E800] =	vst v63  }
0x49: {  	_ =	swait.ge [sflag:s22], $0x4000  }
0x4a: {  	[sflag:s22] =	ssyncset.done $0x0  }
0x4b: {  	s31 =	sadd.s32 $0x16880, s31;
	[sflag:s22] =	ssyncadd.s32 $0xFFFFC000  }
0x4c: {  	[spmem:s1] =	stream.indirect.scatter.add.f32 [tilespmem:s20], [sflag:$0x4], $0x80, s31, s17, $0xb8;
	[tilespmem:$0x1E800] =	vst v63  }
0x4d: {  	_ =	swait.ge [sflag:s26], $0x4000  }
0x4e: {  	[sflag:s26] =	ssyncset.done $0x0  }
0x4f: {  	[sflag:s26] =	ssyncadd.s32 $0xFFFFC000  }
0x50: {  	_ =	swait.ge [sflag:s28], $0x4000  }
0x51: {  	[sflag:s28] =	ssyncset.done $0x0  }
0x52: {  	[sflag:s28] =	ssyncadd.s32 $0xFFFFC000  }
0x53: {  	[tilespmem:s15], [sflag:$0x5] =	stream.linear.gather [hbm4b:s9+s2], $0x1400, $0x38;
	[tilespmem:$0x1E800] =	vst v63  }
0x54: {  	_ =	swait.ge [sflag:s14], $0x1400  }
0x55: {  	[sflag:s14] =	ssyncset.done $0x0  }
0x56: {  	[sflag:s14] =	ssyncadd.s32 $0xFFFFEC00  }
0x57: {  	[tilespmem:s16], [sflag:$0x5] =	stream.linear.gather [hbm4b:s10+s2], $0x1400, $0x38;
	[tilespmem:$0x1E800] =	vst v63  }
0x58: {  	_ =	swait.ge [sflag:s14], $0x1400  }
0x59: {  	[sflag:s14] =	ssyncset.done $0x0  }
0x5a: {  	[sflag:s14] =	ssyncadd.s32 $0xFFFFEC00  }
0x5b: {  	[tilespmem:s18], [sflag:$0x1] =	stream.indirect.gather [hbm4b:s8+s17], $0x80, s15, s17, $0xb8;
	[tilespmem:$0x1E800] =	vst v63  }
0x5c: {  	_ = 	snop  }
0x5d: {  	[tilespmem:s20], [sflag:$0x2] =	stream.indirect.gather [hbm4b:s8+s17], $0x80, s19, s17, $0xb8;
	[tilespmem:$0x1E800] =	vst v63  }
0x5e: {  	_ =	swait.ge [sflag:s21], $0x4000  }
0x5f: {  	[sflag:s21] =	ssyncset.done $0x0  }
0x60: {  	[sflag:s21] =	ssyncadd.s32 $0xFFFFC000  }
0x61: {  	[spmem:s1] =	stream.indirect.scatter.add.f32 [tilespmem:s18], [sflag:$0x3], $0x80, s16, s17, $0xb8;
	[tilespmem:$0x1E800] =	vst v63  }
0x62: {  	_ =	swait.ge [sflag:s22], $0x4000  }
0x63: {  	[sflag:s22] =	ssyncset.done $0x0  }
0x64: {  	[sflag:s22] =	ssyncadd.s32 $0xFFFFC000  }
0x65: {  	[spmem:s1] =	stream.indirect.scatter.add.f32 [tilespmem:s20], [sflag:$0x4], $0x80, s25, s17, $0xb8;
	[tilespmem:$0x1E800] =	vst v63  }
0x66: {  	_ =	swait.ge [sflag:s26], $0x4000  }
0x67: {  	[sflag:s26] =	ssyncset.done $0x0  }
0x68: {  	s0 =	simm.s32 $0x14100;
	[sflag:s26] =	ssyncadd.s32 $0xFFFFC000  }
0x69: {  	[tilespmem:s18], [sflag:$0x1] =	stream.indirect.gather [hbm4b:s8+s17], $0x80, s0, s17, $0xb8;
	[tilespmem:$0x1E800] =	vst v63  }
0x6a: {  	_ =	swait.ge [sflag:s28], $0x4000  }
0x6b: {  	[sflag:s28] =	ssyncset.done $0x0  }
0x6c: {  	s0 =	simm.s32 $0x14180;
	[sflag:s28] =	ssyncadd.s32 $0xFFFFC000  }
0x6d: {  	[tilespmem:s20], [sflag:$0x2] =	stream.indirect.gather [hbm4b:s8+s17], $0x80, s0, s17, $0xb8;
	[tilespmem:$0x1E800] =	vst v63  }
0x6e: {  	_ =	swait.ge [sflag:s21], $0x4000  }
0x6f: {  	[sflag:s21] =	ssyncset.done $0x0  }
0x70: {  	s0 =	simm.s32 $0x15500;
	[sflag:s21] =	ssyncadd.s32 $0xFFFFC000  }
0x71: {  	[spmem:s1] =	stream.indirect.scatter.add.f32 [tilespmem:s18], [sflag:$0x3], $0x80, s0, s17, $0xb8;
	[tilespmem:$0x1E800] =	vst v63  }
0x72: {  	_ =	swait.ge [sflag:s22], $0x4000  }
0x73: {  	[sflag:s22] =	ssyncset.done $0x0  }
0x74: {  	s30 =	simm.s32 $0xFFFFB800;
	s31 =	simm.s32 $0x15580;
	[sflag:s22] =	ssyncadd.s32 $0xFFFFC000  }
.LBB2_4:
0x75: {  	[spmem:s1] =	stream.indirect.scatter.add.f32 [tilespmem:s20], [sflag:$0x4], $0x80, s31, s17, $0xb8;
	[tilespmem:$0x1E800] =	vst v63  }
0x76: {  	s0 =	smov.u32 s30  }
0x77: {  	p0 =	sne.s32 s30, $0xFFFFFC00;
	s30 =	sadd.s32 $0x400, s30;
	_ =	swait.ge [sflag:s26], $0x4000  }
0x78: {  	s0 =	sshra.s32 s0, $0x2;
	[sflag:s26] =	ssyncset.done $0x0  }
0x79: {  	s31 =	sadd.s32 $0x15400, s0;
	[sflag:s26] =	ssyncadd.s32 $0xFFFFC000  }
0x7a: {  	[tilespmem:s18], [sflag:$0x1] =	stream.indirect.gather [hbm4b:s8+s17], $0x80, s31, s17, $0xb8;
	[tilespmem:$0x1E800] =	vst v63  }
0x7b: {  	_ =	swait.ge [sflag:s28], $0x4000  }
0x7c: {  	[sflag:s28] =	ssyncset.done $0x0  }
0x7d: {  	s31 =	sadd.s32 $0x15480, s0;
	[sflag:s28] =	ssyncadd.s32 $0xFFFFC000  }
0x7e: {  	[tilespmem:s20], [sflag:$0x2] =	stream.indirect.gather [hbm4b:s8+s17], $0x80, s31, s17, $0xb8;
	[tilespmem:$0x1E800] =	vst v63  }
0x7f: {  	_ =	swait.ge [sflag:s21], $0x4000  }
0x80: {  	[sflag:s21] =	ssyncset.done $0x0  }
.Ltmp1:
0x81: {  	s31 =	sadd.s32 $0x16800, s0;
	[sflag:s21] =	ssyncadd.s32 $0xFFFFC000;
	(pc) =	sbr.rel @p0 .LBB2_4-.Ltmp1, $4  }
0x82: {  	[spmem:s1] =	stream.indirect.scatter.add.f32 [tilespmem:s18], [sflag:$0x3], $0x80, s31, s17, $0xb8;
	[tilespmem:$0x1E800] =	vst v63  }
0x83: {  	_ =	swait.ge [sflag:s22], $0x4000  }
0x84: {  	[sflag:s22] =	ssyncset.done $0x0  }
0x85: {  	s31 =	sadd.s32 $0x16880, s0;
	[sflag:s22] =	ssyncadd.s32 $0xFFFFC000  }
0x86: {  	[spmem:s1] =	stream.indirect.scatter.add.f32 [tilespmem:s20], [sflag:$0x4], $0x80, s31, s17, $0xb8;
	[tilespmem:$0x1E800] =	vst v63  }
0x87: {  	_ =	swait.ge [sflag:s26], $0x4000  }
0x88: {  	[sflag:s26] =	ssyncset.done $0x0  }
0x89: {  	[sflag:s26] =	ssyncadd.s32 $0xFFFFC000  }
0x8a: {  	_ =	swait.ge [sflag:s28], $0x4000  }
0x8b: {  	[sflag:s28] =	ssyncset.done $0x0  }
0x8c: {  	[sflag:s28] =	ssyncadd.s32 $0xFFFFC000  }
0x8d: {  	[bflag:$0x0] =	sbarrier.arrive $0xFFFF  }
0x8e: {  	[hbm:s23], [sflag:s5] =	dma.local [spmem:s13], $0x2800  }
0x8f: {  	_ =	swait.ge [sflag:s14], $0x2800  }
0x90: {  	[sflag:s14] =	ssyncset.done $0x0  }
0x91: {  	[sflag:s14] =	ssyncadd.s32 $0xFFFFD800  }
0x92: {  	[bflag:$0x0] =	sbarrier.arrive $0xFFFF  }
0x93: {  	[spmem:s13], [sflag:s5] =	dma.local [hbm:s4], $0x2800  }
0x94: {  	_ =	swait.ge [sflag:s14], $0x2800  }
0x95: {  	[sflag:s14] =	ssyncset.done $0x0  }
0x96: {  	[sflag:s14] =	ssyncadd.s32 $0xFFFFD800  }
0x97: {  	[bflag:$0x0] =	sbarrier.arrive $0xFFFF  }
0x98: {  	[tilespmem:s15], [sflag:$0x5] =	stream.linear.gather [hbm4b:s6+s2], $0x1400, $0x38;
	[tilespmem:$0x1E800] =	vst v63  }
0x99: {  	_ =	swait.ge [sflag:s14], $0x1400  }
0x9a: {  	[sflag:s14] =	ssyncset.done $0x0  }
0x9b: {  	[sflag:s14] =	ssyncadd.s32 $0xFFFFEC00  }
0x9c: {  	[tilespmem:s16], [sflag:$0x5] =	stream.linear.gather [hbm4b:s7+s2], $0x1400, $0x38;
	[tilespmem:$0x1E800] =	vst v63  }
0x9d: {  	_ =	swait.ge [sflag:s14], $0x1400  }
0x9e: {  	[sflag:s14] =	ssyncset.done $0x0  }
0x9f: {  	[sflag:s14] =	ssyncadd.s32 $0xFFFFEC00  }
0xa0: {  	[tilespmem:s18], [sflag:$0x1] =	stream.indirect.gather [hbm4b:s11+s17], $0x80, s15, s17, $0xb8;
	[tilespmem:$0x1E800] =	vst v63  }
0xa1: {  	_ = 	snop  }
0xa2: {  	[tilespmem:s20], [sflag:$0x2] =	stream.indirect.gather [hbm4b:s11+s17], $0x80, s19, s17, $0xb8;
	[tilespmem:$0x1E800] =	vst v63  }
0xa3: {  	_ =	swait.ge [sflag:s21], $0x4000  }
0xa4: {  	[sflag:s21] =	ssyncset.done $0x0  }
0xa5: {  	[sflag:s21] =	ssyncadd.s32 $0xFFFFC000  }
0xa6: {  	[spmem:s1] =	stream.indirect.scatter.add.f32 [tilespmem:s18], [sflag:$0x3], $0x80, s16, s17, $0xb8;
	[tilespmem:$0x1E800] =	vst v63  }
0xa7: {  	_ =	swait.ge [sflag:s22], $0x4000  }
0xa8: {  	[sflag:s22] =	ssyncset.done $0x0  }
0xa9: {  	[sflag:s22] =	ssyncadd.s32 $0xFFFFC000  }
0xaa: {  	[spmem:s1] =	stream.indirect.scatter.add.f32 [tilespmem:s20], [sflag:$0x4], $0x80, s25, s17, $0xb8;
	[tilespmem:$0x1E800] =	vst v63  }
0xab: {  	_ =	swait.ge [sflag:s26], $0x4000  }
0xac: {  	[sflag:s26] =	ssyncset.done $0x0  }
0xad: {  	s0 =	simm.s32 $0x14100;
	[sflag:s26] =	ssyncadd.s32 $0xFFFFC000  }
0xae: {  	[tilespmem:s18], [sflag:$0x1] =	stream.indirect.gather [hbm4b:s11+s17], $0x80, s0, s17, $0xb8;
	[tilespmem:$0x1E800] =	vst v63  }
0xaf: {  	_ =	swait.ge [sflag:s28], $0x4000  }
0xb0: {  	[sflag:s28] =	ssyncset.done $0x0  }
0xb1: {  	s0 =	simm.s32 $0x14180;
	[sflag:s28] =	ssyncadd.s32 $0xFFFFC000  }
0xb2: {  	[tilespmem:s20], [sflag:$0x2] =	stream.indirect.gather [hbm4b:s11+s17], $0x80, s0, s17, $0xb8;
	[tilespmem:$0x1E800] =	vst v63  }
0xb3: {  	_ =	swait.ge [sflag:s21], $0x4000  }
0xb4: {  	[sflag:s21] =	ssyncset.done $0x0  }
0xb5: {  	s0 =	simm.s32 $0x15500;
	[sflag:s21] =	ssyncadd.s32 $0xFFFFC000  }
0xb6: {  	[spmem:s1] =	stream.indirect.scatter.add.f32 [tilespmem:s18], [sflag:$0x3], $0x80, s0, s17, $0xb8;
	[tilespmem:$0x1E800] =	vst v63  }
0xb7: {  	_ =	swait.ge [sflag:s22], $0x4000  }
0xb8: {  	[sflag:s22] =	ssyncset.done $0x0  }
0xb9: {  	s30 =	simm.s32 $0xFFFFB800;
	s31 =	simm.s32 $0x15580;
	[sflag:s22] =	ssyncadd.s32 $0xFFFFC000  }
.LBB2_6:
0xba: {  	[spmem:s1] =	stream.indirect.scatter.add.f32 [tilespmem:s20], [sflag:$0x4], $0x80, s31, s17, $0xb8;
	[tilespmem:$0x1E800] =	vst v63  }
0xbb: {  	s0 =	smov.u32 s30  }
0xbc: {  	p0 =	sne.s32 s30, $0xFFFFFC00;
	s30 =	sadd.s32 $0x400, s30;
	_ =	swait.ge [sflag:s26], $0x4000  }
0xbd: {  	s0 =	sshra.s32 s0, $0x2;
	[sflag:s26] =	ssyncset.done $0x0  }
0xbe: {  	s31 =	sadd.s32 $0x15400, s0;
	[sflag:s26] =	ssyncadd.s32 $0xFFFFC000  }
0xbf: {  	[tilespmem:s18], [sflag:$0x1] =	stream.indirect.gather [hbm4b:s11+s17], $0x80, s31, s17, $0xb8;
	[tilespmem:$0x1E800] =	vst v63  }
0xc0: {  	_ =	swait.ge [sflag:s28], $0x4000  }
0xc1: {  	[sflag:s28] =	ssyncset.done $0x0  }
0xc2: {  	s31 =	sadd.s32 $0x15480, s0;
	[sflag:s28] =	ssyncadd.s32 $0xFFFFC000  }
0xc3: {  	[tilespmem:s20], [sflag:$0x2] =	stream.indirect.gather [hbm4b:s11+s17], $0x80, s31, s17, $0xb8;
	[tilespmem:$0x1E800] =	vst v63  }
0xc4: {  	_ =	swait.ge [sflag:s21], $0x4000  }
0xc5: {  	[sflag:s21] =	ssyncset.done $0x0  }
.Ltmp2:
0xc6: {  	s31 =	sadd.s32 $0x16800, s0;
	[sflag:s21] =	ssyncadd.s32 $0xFFFFC000;
	(pc) =	sbr.rel @p0 .LBB2_6-.Ltmp2, $4  }
0xc7: {  	[spmem:s1] =	stream.indirect.scatter.add.f32 [tilespmem:s18], [sflag:$0x3], $0x80, s31, s17, $0xb8;
	[tilespmem:$0x1E800] =	vst v63  }
0xc8: {  	_ =	swait.ge [sflag:s22], $0x4000  }
0xc9: {  	[sflag:s22] =	ssyncset.done $0x0  }
0xca: {  	s31 =	sadd.s32 $0x16880, s0;
	[sflag:s22] =	ssyncadd.s32 $0xFFFFC000  }
0xcb: {  	[spmem:s1] =	stream.indirect.scatter.add.f32 [tilespmem:s20], [sflag:$0x4], $0x80, s31, s17, $0xb8;
	[tilespmem:$0x1E800] =	vst v63  }
0xcc: {  	_ =	swait.ge [sflag:s26], $0x4000  }
0xcd: {  	[sflag:s26] =	ssyncset.done $0x0  }
0xce: {  	[sflag:s26] =	ssyncadd.s32 $0xFFFFC000  }
0xcf: {  	_ =	swait.ge [sflag:s28], $0x4000  }
0xd0: {  	[sflag:s28] =	ssyncset.done $0x0  }
0xd1: {  	[sflag:s28] =	ssyncadd.s32 $0xFFFFC000  }
0xd2: {  	[tilespmem:s15], [sflag:$0x5] =	stream.linear.gather [hbm4b:s9+s2], $0x1400, $0x38;
	[tilespmem:$0x1E800] =	vst v63  }
0xd3: {  	_ =	swait.ge [sflag:s14], $0x1400  }
0xd4: {  	[sflag:s14] =	ssyncset.done $0x0  }
0xd5: {  	[sflag:s14] =	ssyncadd.s32 $0xFFFFEC00  }
0xd6: {  	[tilespmem:s16], [sflag:$0x5] =	stream.linear.gather [hbm4b:s10+s2], $0x1400, $0x38;
	[tilespmem:$0x1E800] =	vst v63  }
0xd7: {  	_ =	swait.ge [sflag:s14], $0x1400  }
0xd8: {  	[sflag:s14] =	ssyncset.done $0x0  }
0xd9: {  	[sflag:s14] =	ssyncadd.s32 $0xFFFFEC00  }
0xda: {  	[tilespmem:s18], [sflag:$0x1] =	stream.indirect.gather [hbm4b:s11+s17], $0x80, s15, s17, $0xb8;
	[tilespmem:$0x1E800] =	vst v63  }
0xdb: {  	_ = 	snop  }
0xdc: {  	[tilespmem:s20], [sflag:$0x2] =	stream.indirect.gather [hbm4b:s11+s17], $0x80, s19, s17, $0xb8;
	[tilespmem:$0x1E800] =	vst v63  }
0xdd: {  	_ =	swait.ge [sflag:s21], $0x4000  }
0xde: {  	[sflag:s21] =	ssyncset.done $0x0  }
0xdf: {  	[sflag:s21] =	ssyncadd.s32 $0xFFFFC000  }
0xe0: {  	[spmem:s1] =	stream.indirect.scatter.add.f32 [tilespmem:s18], [sflag:$0x3], $0x80, s16, s17, $0xb8;
	[tilespmem:$0x1E800] =	vst v63  }
0xe1: {  	_ =	swait.ge [sflag:s22], $0x4000  }
0xe2: {  	[sflag:s22] =	ssyncset.done $0x0  }
0xe3: {  	[sflag:s22] =	ssyncadd.s32 $0xFFFFC000  }
0xe4: {  	[spmem:s1] =	stream.indirect.scatter.add.f32 [tilespmem:s20], [sflag:$0x4], $0x80, s25, s17, $0xb8;
	[tilespmem:$0x1E800] =	vst v63  }
0xe5: {  	_ =	swait.ge [sflag:s26], $0x4000  }
0xe6: {  	[sflag:s26] =	ssyncset.done $0x0  }
0xe7: {  	s0 =	simm.s32 $0x14100;
	[sflag:s26] =	ssyncadd.s32 $0xFFFFC000  }
0xe8: {  	[tilespmem:s18], [sflag:$0x1] =	stream.indirect.gather [hbm4b:s11+s17], $0x80, s0, s17, $0xb8;
	[tilespmem:$0x1E800] =	vst v63  }
0xe9: {  	_ =	swait.ge [sflag:s28], $0x4000  }
0xea: {  	[sflag:s28] =	ssyncset.done $0x0  }
0xeb: {  	s0 =	simm.s32 $0x14180;
	[sflag:s28] =	ssyncadd.s32 $0xFFFFC000  }
0xec: {  	[tilespmem:s20], [sflag:$0x2] =	stream.indirect.gather [hbm4b:s11+s17], $0x80, s0, s17, $0xb8;
	[tilespmem:$0x1E800] =	vst v63  }
0xed: {  	_ =	swait.ge [sflag:s21], $0x4000  }
0xee: {  	[sflag:s21] =	ssyncset.done $0x0  }
0xef: {  	s0 =	simm.s32 $0x15500;
	[sflag:s21] =	ssyncadd.s32 $0xFFFFC000  }
0xf0: {  	[spmem:s1] =	stream.indirect.scatter.add.f32 [tilespmem:s18], [sflag:$0x3], $0x80, s0, s17, $0xb8;
	[tilespmem:$0x1E800] =	vst v63  }
0xf1: {  	_ =	swait.ge [sflag:s22], $0x4000  }
0xf2: {  	[sflag:s22] =	ssyncset.done $0x0  }
0xf3: {  	s30 =	simm.s32 $0xFFFFB800;
	s31 =	simm.s32 $0x15580;
	[sflag:s22] =	ssyncadd.s32 $0xFFFFC000  }
.LBB2_8:
0xf4: {  	[spmem:s1] =	stream.indirect.scatter.add.f32 [tilespmem:s20], [sflag:$0x4], $0x80, s31, s17, $0xb8;
	[tilespmem:$0x1E800] =	vst v63  }
0xf5: {  	s0 =	smov.u32 s30  }
0xf6: {  	p0 =	sne.s32 s30, $0xFFFFFC00;
	s30 =	sadd.s32 $0x400, s30;
	_ =	swait.ge [sflag:s26], $0x4000  }
0xf7: {  	s0 =	sshra.s32 s0, $0x2;
	[sflag:s26] =	ssyncset.done $0x0  }
0xf8: {  	s31 =	sadd.s32 $0x15400, s0;
	[sflag:s26] =	ssyncadd.s32 $0xFFFFC000  }
0xf9: {  	[tilespmem:s18], [sflag:$0x1] =	stream.indirect.gather [hbm4b:s11+s17], $0x80, s31, s17, $0xb8;
	[tilespmem:$0x1E800] =	vst v63  }
0xfa: {  	_ =	swait.ge [sflag:s28], $0x4000  }
0xfb: {  	[sflag:s28] =	ssyncset.done $0x0  }
0xfc: {  	s31 =	sadd.s32 $0x15480, s0;
	[sflag:s28] =	ssyncadd.s32 $0xFFFFC000  }
0xfd: {  	[tilespmem:s20], [sflag:$0x2] =	stream.indirect.gather [hbm4b:s11+s17], $0x80, s31, s17, $0xb8;
	[tilespmem:$0x1E800] =	vst v63  }
0xfe: {  	_ =	swait.ge [sflag:s21], $0x4000  }
0xff: {  	[sflag:s21] =	ssyncset.done $0x0  }
.Ltmp3:
0x100: {  	s31 =	sadd.s32 $0x16800, s0;
	[sflag:s21] =	ssyncadd.s32 $0xFFFFC000;
	(pc) =	sbr.rel @p0 .LBB2_8-.Ltmp3, $4  }
0x101: {  	[spmem:s1] =	stream.indirect.scatter.add.f32 [tilespmem:s18], [sflag:$0x3], $0x80, s31, s17, $0xb8;
	[tilespmem:$0x1E800] =	vst v63  }
0x102: {  	_ =	swait.ge [sflag:s22], $0x4000  }
0x103: {  	[sflag:s22] =	ssyncset.done $0x0  }
0x104: {  	s31 =	sadd.s32 $0x16880, s0;
	[sflag:s22] =	ssyncadd.s32 $0xFFFFC000  }
0x105: {  	[spmem:s1] =	stream.indirect.scatter.add.f32 [tilespmem:s20], [sflag:$0x4], $0x80, s31, s17, $0xb8;
	[tilespmem:$0x1E800] =	vst v63  }
0x106: {  	_ =	swait.ge [sflag:s26], $0x4000  }
0x107: {  	[sflag:s26] =	ssyncset.done $0x0  }
0x108: {  	[sflag:s26] =	ssyncadd.s32 $0xFFFFC000  }
0x109: {  	_ =	swait.ge [sflag:s28], $0x4000  }
0x10a: {  	[sflag:s28] =	ssyncset.done $0x0  }
0x10b: {  	s29 =	sadd.s32 $0x1, s29;
	[sflag:s28] =	ssyncadd.s32 $0xFFFFC000  }
0x10c: {  	p0 =	sne.s32 s29, s12;
	[bflag:$0x0] =	sbarrier.arrive $0xFFFF  }
0x10d: {  	[hbm:s24], [sflag:s5] =	dma.local [spmem:s13], $0x2800  }
.Ltmp4:
0x10e: {  	_ =	swait.ge [sflag:s14], $0x2800;
	(pc) =	sbr.rel @p0 .LBB2_1-.Ltmp4, $3  }
0x10f: {  	[sflag:s14] =	ssyncset.done $0x0  }
0x110: {  	[sflag:s14] =	ssyncadd.s32 $0xFFFFD800  }
0x111: {  	[bflag:$0x0] =	sbarrier.arrive $0xFFFF;
	_ =	sdelay $0x1  }
0x112: {  	_ =	sfence.sel $0x180000  }
0x113: {  	[bflag:$0x0] =	sbarrier.arrive $0xFFFF  }
0x114: {  	_ =	strace $0x9000004A  }
0x115: {  	[bflag:$0x2] =	sbarrier.arrive $0xFFFF  }
0x116: {  	p0 =	sne.s32 s3, $0x0;
	s0 =	rddreg [dreg:$0x3]  }
0x117: {  	s0 =	sadd.s32 @!p0 $0x100000, s0  }
0x118: {  	[sflag:s0] =	ssyncadd.tile.s32 @!p0 $0x1;
	_ =	shalt  }
.Lfunc_end2:
_tile_overlayer_lowered:
.L_overlay_start_2:
0x119: {  	(tag) =	ssettag $0x2  }
0x11a: {  	s0 =	rddreg [dreg:$0x0];
	s2 =	stileid.u32  }
0x11b: {  	s1 =	rddreg [dreg:$0x1];
	p0 =	sne.s32 s2, $0x0  }
0x11c: {  	s3 =	rddreg [dreg:$0x2];
	[bflag:$0x3] =	sbarrier.arrive $0xFFFF;
	s2 =	simm.s32 @!p0 $0x1C05  }
0x11d: {  	[timem:s3], [sflag:s2] =	dma.local @!p0 [hbm:s0], s1  }
0x11e: {  	s0 =	simm.s32 @!p0 $0x5  }
0x11f: {  	_ =	swait.ge @!p0 [sflag:s0], s1  }
0x120: {  	s1 =	ssub.s32 @!p0 $0x0, s1;
	[sflag:s0] =	ssyncset.done @!p0 $0x0  }
0x121: {  	[sflag:s0] =	ssyncadd.s32 @!p0 s1  }
0x122: {  	[bflag:$0x3] =	sbarrier.arrive $0xFFFF  }
0x123: {  	_ =	shalt  }

</sc_bundles>
